<compile_context>
chip_gen: v7x
topology: tpu7x:2x2x1
jax: 0.10.2.dev20260603
libtpu: 0.0.44.dev20260713+nightly
codegen_flags: <defaults>
</compile_context>

<pallas_src>
import functools

import jax
import jax.numpy as jnp
import numpy as np
from jax import lax
from jax.experimental import pallas as pl
from jax.experimental.pallas import tpu as pltpu
from jax.experimental.pallas import tpu_sc as plsc

N_NODES = 10000
D_IN = 16
D_OUT = 16
HIDDEN = 256

_NC = 2
_NS = 16
_SCP = pltpu.CompilerParams(use_tc_tiling_on_sc=False)


def _sc_gather(table, idx, base_edge, n_edges, chunk=2000):
    D = D_IN
    nw = _NC * _NS
    per_w = n_edges // nw
    n_ch = per_w // chunk
    ckr = chunk * D // 128
    mesh = plsc.VectorSubcoreMesh(core_axis_name="c", subcore_axis_name="s")

    @functools.partial(
        pl.kernel,
        mesh=mesh,
        out_type=jax.ShapeDtypeStruct((n_edges // chunk, ckr, 128), jnp.float32),
        scratch_types=[
            pltpu.VMEM((chunk,), jnp.int32),
            pltpu.VMEM((chunk, D), jnp.float32),
            pltpu.VMEM((ckr, 128), jnp.float32),
            pltpu.SemaphoreType.DMA,
        ],
        compiler_params=_SCP,
    )
    def k(table_hbm, idx_hbm, out_hbm, idx_v, rows_v, packed_v, sem):
        wid = lax.axis_index("s") * _NC + lax.axis_index("c")
        base = wid * per_w

        def body(i, carry):
            off = base + i * chunk
            pltpu.sync_copy(idx_hbm.at[pl.ds(base_edge + off, chunk)], idx_v)
            pltpu.async_copy(table_hbm.at[idx_v], rows_v, sem).wait()

            def pack(j, c2):
                for l in range(8):
                    packed_v[j, pl.ds(l * D, D)] = rows_v[l * ckr + j, :]
                return c2

            lax.fori_loop(0, ckr, pack, 0)
            pltpu.sync_copy(packed_v, out_hbm.at[off // chunk])
            return carry

        lax.fori_loop(0, n_ch, body, 0)

    return k(table, idx)


def _sc_scatter_add(rows_packed, idx, base_edge, n_out, chunk=2000):
    D = D_OUT
    E = rows_packed.shape[0] * chunk
    per_core = E // _NC
    per_w = per_core // _NS
    n_ch = per_w // chunk
    ckr = chunk * D // 128
    rpt = ((n_out // _NS) // 8) * 8
    rem = n_out - rpt * _NS
    out_rows = 1280
    mesh = plsc.VectorSubcoreMesh(core_axis_name="c", subcore_axis_name="s")

    @functools.partial(
        pl.kernel,
        mesh=mesh,
        out_type=jax.ShapeDtypeStruct((_NC, out_rows, 128), jnp.float32),
        scratch_types=[
            pltpu.VMEM((chunk,), jnp.int32),
            pltpu.VMEM((ckr, 128), jnp.float32),
            pltpu.VMEM((chunk, D), jnp.float32),
            pltpu.VMEM((rpt + rem, D), jnp.float32),
            pltpu.VMEM(((rpt + rem) * D // 128, 128), jnp.float32),
            pltpu.VMEM_SHARED((n_out, D), jnp.float32),
            pltpu.SemaphoreType.DMA,
        ],
        compiler_params=_SCP,
    )
    def k(rp_hbm, idx_hbm, zeros_hbm, out_hbm, idx_v, packed_v, rows_v, bounce,
          bpk, accum, sem):
        c = lax.axis_index("c")
        s = lax.axis_index("s")
        base = c * per_core + s * per_w
        zoff = s * rpt

        pltpu.sync_copy(
            zeros_hbm.at[pl.ds(zoff, rpt)],
            accum.at[pl.ds(zoff, rpt)],
        )

        @pl.when(s == _NS - 1)
        def _zero_tail():
            pltpu.sync_copy(
                zeros_hbm.at[pl.ds(rpt * _NS, rem)],
                accum.at[pl.ds(rpt * _NS, rem)],
            )

        plsc.subcore_barrier()

        def body(i, carry):
            off = base + i * chunk
            pltpu.sync_copy(idx_hbm.at[pl.ds(base_edge + off, chunk)], idx_v)
            pltpu.sync_copy(rp_hbm.at[off // chunk], packed_v)

            def unpack(j, c2):
                for l in range(8):
                    rows_v[l * ckr + j, :] = packed_v[j, pl.ds(l * D, D)]
                return c2

            lax.fori_loop(0, ckr, unpack, 0)
            pltpu.sync_copy(rows_v, accum.at[idx_v], add=True)
            return carry

        lax.fori_loop(0, n_ch, body, 0)
        plsc.subcore_barrier()

        def flush(src_off, nrows, dst_row):
            pltpu.sync_copy(accum.at[pl.ds(src_off, nrows)], bounce.at[pl.ds(0, nrows)])

            def pack(j, c2):
                for l in range(8):
                    bpk[j, pl.ds(l * D, D)] = bounce[j * 8 + l, :]
                return c2

            lax.fori_loop(0, nrows * D // 128, pack, 0)
            pltpu.sync_copy(
                bpk.at[pl.ds(0, nrows * D // 128)],
                out_hbm.at[c, pl.ds(dst_row, nrows * D // 128)],
            )

        flush(zoff, rpt, (zoff * D) // 128)

        @pl.when(s == _NS - 1)
        def _tail():
            flush(rpt * _NS, rem, (rpt * _NS * D) // 128)

    zeros = jnp.zeros((n_out, D), jnp.float32)
    return k(rows_packed, idx, zeros)


def _tc_dense(ell, xp, w1n, w2n, block_base=0, block=2000):
    pk = block * D_IN // 128
    sub = block // 8
    grid = xp.shape[0]
    assert xp.shape == (grid, pk, 128)

    R = np.zeros((8, 128, HIDDEN), np.float32)
    U = np.zeros((8, HIDDEN, 128), np.float32)
    for l in range(8):
        for i in range(D_IN):
            for k in range(D_OUT):
                R[l, 16 * l + i, 16 * i + k] = 1.0
                U[l, 16 * i + k, 16 * l + k] = 1.0
    rcat = jnp.asarray(R.reshape(8 * 128, HIDDEN))
    ucat = jnp.asarray(U.reshape(8 * HIDDEN, 128))

    def body(lsh_ref, x_ref, w1_ref, w2_ref, r_ref, u_ref, o_ref):
        lsh = lsh_ref[...].astype(jnp.float32)
        h = jnp.maximum(
            jnp.dot(lsh, w1_ref[...], preferred_element_type=jnp.float32), 0.0
        )
        wt = jnp.dot(h, w2_ref[...], preferred_element_type=jnp.float32)
        wts = wt * lsh[:, 3:4]
        xpb = x_ref[0]
        o = None
        for l in range(8):
            xr = jnp.dot(
                xpb, r_ref[128 * l : 128 * (l + 1), :],
                preferred_element_type=jnp.float32,
            )
            y = xr * wts[sub * l : sub * (l + 1), :]
            t = jnp.dot(
                y, u_ref[HIDDEN * l : HIDDEN * (l + 1), :],
                preferred_element_type=jnp.float32,
            )
            o = t if o is None else o + t
        o_ref[0] = o

    return pl.pallas_call(
        body,
        grid=(grid,),
        in_specs=[
            pl.BlockSpec((block, 4), lambda i: (i + block_base, 0)),
            pl.BlockSpec((1, pk, 128), lambda i: (i, 0, 0)),
            pl.BlockSpec((4, HIDDEN), lambda i: (0, 0)),
            pl.BlockSpec((HIDDEN, HIDDEN), lambda i: (0, 0)),
            pl.BlockSpec((8 * 128, HIDDEN), lambda i: (0, 0)),
            pl.BlockSpec((8 * HIDDEN, 128), lambda i: (0, 0)),
        ],
        out_specs=pl.BlockSpec((1, pk, 128), lambda i: (i, 0, 0)),
        out_shape=jax.ShapeDtypeStruct((grid, pk, 128), jnp.float32),
    )(ell, xp, w1n, w2n, rcat, ucat)


def _tc_combine(pa, pb):
    rows = pa.shape[1]
    blk = 128

    def body(a_ref, b_ref, o_ref):
        o_ref[...] = a_ref[0] + a_ref[1] + b_ref[0] + b_ref[1]

    return pl.pallas_call(
        body,
        grid=(rows // blk,),
        in_specs=[
            pl.BlockSpec((2, blk, 128), lambda i: (0, i, 0)),
            pl.BlockSpec((2, blk, 128), lambda i: (0, i, 0)),
        ],
        out_specs=pl.BlockSpec((blk, 128), lambda i: (i, 0)),
        out_shape=jax.ShapeDtypeStruct((rows, 128), jnp.float32),
    )(pa, pb)


def kernel(edge_src, edge_dst, node_features, edge_sh, edge_length_embedded,
           num_neighbors, W1, W2):
    E = edge_src.shape[0]
    w1n = (W1 * np.float32(1.0 / np.sqrt(3.0))).astype(jnp.float32)
    scale = np.float32(np.sqrt(2.0) / np.sqrt(float(HIDDEN)) / np.sqrt(float(D_IN)))
    w2n = W2 * (scale / jnp.sqrt(jnp.float32(num_neighbors)))

    lsh = jnp.concatenate(
        [edge_length_embedded, edge_sh], axis=1
    ).astype(jnp.bfloat16)
    w1p = jnp.pad(w1n, ((0, 1), (0, 0)))

    Eh = E // 2
    src = edge_src.astype(jnp.int32)
    dst = edge_dst.astype(jnp.int32)
    parts = []
    efps = []
    for hf in range(2):
        xp = _sc_gather(node_features, src, hf * Eh, Eh)
        efps.append(_tc_dense(lsh, xp, w1p, w2n, block_base=hf * (Eh // 2000)))
    for hf in range(2):
        parts.append(_sc_scatter_add(efps[hf], dst, hf * Eh, N_NODES))
    comb = _tc_combine(*parts)
    return comb.reshape(-1)[: N_NODES * D_OUT].reshape(N_NODES, D_OUT)

# --- scband reference (transcript-rebuilt; emitter-appended) ---
"""Pipeline reference for scband-convolution-50087908606124 (READ-ONLY COPY).

The authoritative reference and input builder live on the scoring server;
editing this copy changes nothing except your own understanding.
"""

import jax, jax.numpy as jnp
import numpy as np

N_NODES = 10000
N_EDGES = 640000
D_IN = 16
D_SH = 1
D_OUT = 16
HIDDEN = 256
WEIGHT_NUMEL = D_IN * D_SH * D_OUT


def setup_inputs(seed: int = 0) -> dict:
    key = jax.random.key(seed)
    ks = jax.random.split(key, 7)
    edge_src = jax.random.randint(ks[0], (N_EDGES,), 0, N_NODES)
    edge_dst = jax.random.randint(ks[1], (N_EDGES,), 0, N_NODES)
    node_features = jax.random.normal(ks[2], (N_NODES, D_IN), dtype=jnp.float32)
    edge_sh = jax.random.normal(ks[3], (N_EDGES, D_SH), dtype=jnp.float32)
    edge_length_embedded = jax.random.uniform(ks[4], (N_EDGES, 3), dtype=jnp.float32)
    # learned params: 2-layer FullyConnectedNet [3, 256, weight_numel] producing per-edge TP weights
    W1 = jax.random.normal(ks[5], (3, HIDDEN), dtype=jnp.float32)
    W2 = jax.random.normal(ks[6], (HIDDEN, WEIGHT_NUMEL), dtype=jnp.float32)
    return {
        "edge_src": edge_src,
        "edge_dst": edge_dst,
        "node_features": node_features,
        "edge_sh": edge_sh,
        "edge_length_embedded": edge_length_embedded,
        "num_neighbors": 64,
        "W1": W1,
        "W2": W2,
    }


def reference(edge_src, edge_dst, node_features, edge_sh, edge_length_embedded, num_neighbors, W1, W2):
    # FullyConnectedNet([3, 256, weight_numel], relu) with e3nn-style normalization:
    # each layer weight scaled by 1/sqrt(fan_in); relu output renormalized by sqrt(2)
    h = jax.nn.relu(edge_length_embedded @ (W1 / np.sqrt(3.0))) * np.sqrt(2.0)
    weight = h @ (W2 / np.sqrt(float(HIDDEN)))  # [E, weight_numel]
    w = weight.reshape(-1, D_IN, D_SH, D_OUT)
    # FullyConnectedTensorProduct on scalar irreps (16x0e x 1x0e -> 16x0e):
    # out[e,k] = sum_{i,j} x[e,i] * sh[e,j] * w[e,i,j,k] / sqrt(path fan-in)
    x_src = node_features[edge_src]  # gather [E, D_IN]
    edge_features = jnp.einsum('ei,ej,eijk->ek', x_src, edge_sh, w) / np.sqrt(float(D_IN * D_SH))
    # scatter-add over destination nodes
    out = jax.ops.segment_sum(edge_features, edge_dst, num_segments=N_NODES)
    return out / (num_neighbors ** 0.5)

if __name__ == "__main__":
    import jax
    _d = setup_inputs()
    print(jax.jit(kernel)(*tuple(_d.values())))

</pallas_src>

<mosaic_0001>
#map = affine_map<(d0, d1) -> (0, 0, 0)>
#map1 = affine_map<(d0, d1) -> (0)>
#map2 = affine_map<(d0, d1) -> (0, 0)>
module attributes {stable_mosaic.version = 14 : i64} {
  func.func @k(%arg0: i32, %arg1: i32, %arg2: memref<160x250x128xf32, #tpu.memory_space<hbm>>, %arg3: memref<640000xi32, #tpu.memory_space<hbm>>, %arg4: memref<10000x16xf32, #tpu.memory_space<hbm>>, %arg5: memref<2x1280x128xf32, #tpu.memory_space<hbm>>, %arg6: memref<2000xi32, #tpu.memory_space<vmem>>, %arg7: memref<250x128xf32, #tpu.memory_space<vmem>>, %arg8: memref<2000x16xf32, #tpu.memory_space<vmem>>, %arg9: memref<640x16xf32, #tpu.memory_space<vmem>>, %arg10: memref<80x128xf32, #tpu.memory_space<vmem>>, %arg11: memref<10000x16xf32, #tpu.memory_space<vmem_shared>>, %arg12: memref<!tpu.dma_semaphore, #tpu.memory_space<semaphore_mem>>) attributes {dimension_semantics = [#tpu.dimension_semantics<core_parallel>, #tpu.dimension_semantics<subcore_parallel>], iteration_bounds = array<i64: 2, 16>, scalar_prefetch = 0 : i64, scratch_operands = 7 : i64, tpu.core_type = #tpu.core_type<sc_vector_subcore>, window_params = [{transform_indices = #map}, {transform_indices = #map1}, {transform_indices = #map2}, {transform_indices = #map}]} {
    %mul3A = arith.constant 160000 : i32
    %mul3A_0 = arith.muli %arg0, %mul3A : i32
    %mul3A_1 = arith.constant 10000 : i32
    %mul3A_2 = arith.muli %arg1, %mul3A_1 : i32
    %add3A = arith.addi %mul3A_0, %mul3A_2 : i32
    %mul3A_3 = arith.constant 624 : i32
    %mul3A_4 = arith.muli %arg1, %mul3A_3 : i32
    "tpu.region"() ({
      %run_scoped3A = tpu.sem_alloc : memref<!tpu.dma_semaphore, #tpu.memory_space<semaphore_mem>>
      %dma_start3A = arith.constant 0 : i32
      %dma_start3A_42 = tpu.memref_slice %arg11[%mul3A_4, %dma_start3A] : memref<10000x16xf32, #tpu.memory_space<vmem_shared>> -> memref<624x16xf32, #tpu.memory_space<vmem_shared>>
      %dma_start3A_43 = arith.constant 0 : i32
      %dma_start3A_44 = tpu.memref_slice %arg4[%mul3A_4, %dma_start3A_43] : memref<10000x16xf32, #tpu.memory_space<hbm>> -> memref<624x16xf32, #tpu.memory_space<hbm>>
      tpu.enqueue_dma source(%dma_start3A_44 : memref<624x16xf32, #tpu.memory_space<hbm>>) target(%dma_start3A_42 : memref<624x16xf32, #tpu.memory_space<vmem_shared>>) target_semaphore(%run_scoped3A : memref<!tpu.dma_semaphore, #tpu.memory_space<semaphore_mem>>)
      %dma_wait3A = arith.constant 0 : i32
      %dma_wait3A_45 = tpu.memref_slice %arg11[%mul3A_4, %dma_wait3A] : memref<10000x16xf32, #tpu.memory_space<vmem_shared>> -> memref<624x16xf32, #tpu.memory_space<vmem_shared>>
      %dma_wait3A_46 = arith.constant 0 : i32
      %dma_wait3A_47 = tpu.memref_slice %arg4[%mul3A_4, %dma_wait3A_46] : memref<10000x16xf32, #tpu.memory_space<hbm>> -> memref<624x16xf32, #tpu.memory_space<hbm>>
      tpu.wait_dma2 semaphore(%run_scoped3A : memref<!tpu.dma_semaphore, #tpu.memory_space<semaphore_mem>>) src(%dma_wait3A_47 : memref<624x16xf32, #tpu.memory_space<hbm>>) dst(%dma_wait3A_45 : memref<624x16xf32, #tpu.memory_space<vmem_shared>>)
      tpu.yield
    }) : () -> ()
    %eq3A = arith.constant 15 : i32
    %eq3A_5 = arith.cmpi eq, %arg1, %eq3A : i32
    %convert_element_type3A = arith.extui %eq3A_5 : i1 to i32
    %cond3A = arith.constant 0 : i32
    %cond3A_6 = arith.cmpi ne, %convert_element_type3A, %cond3A : i32
    scf.if %cond3A_6 {
      "tpu.region"() ({
        %run_scoped3A = tpu.sem_alloc : memref<!tpu.dma_semaphore, #tpu.memory_space<semaphore_mem>>
        %dma_start3A = arith.constant 9984 : i32
        %dma_start3A_42 = arith.constant 0 : i32
        %dma_start3A_43 = tpu.memref_slice %arg11[%dma_start3A, %dma_start3A_42] : memref<10000x16xf32, #tpu.memory_space<vmem_shared>> -> memref<16x16xf32, #tpu.memory_space<vmem_shared>>
        %dma_start3A_44 = arith.constant 9984 : i32
        %dma_start3A_45 = arith.constant 0 : i32
        %dma_start3A_46 = tpu.memref_slice %arg4[%dma_start3A_44, %dma_start3A_45] : memref<10000x16xf32, #tpu.memory_space<hbm>> -> memref<16x16xf32, #tpu.memory_space<hbm>>
        tpu.enqueue_dma source(%dma_start3A_46 : memref<16x16xf32, #tpu.memory_space<hbm>>) target(%dma_start3A_43 : memref<16x16xf32, #tpu.memory_space<vmem_shared>>) target_semaphore(%run_scoped3A : memref<!tpu.dma_semaphore, #tpu.memory_space<semaphore_mem>>)
        %dma_wait3A = arith.constant 9984 : i32
        %dma_wait3A_47 = arith.constant 0 : i32
        %dma_wait3A_48 = tpu.memref_slice %arg11[%dma_wait3A, %dma_wait3A_47] : memref<10000x16xf32, #tpu.memory_space<vmem_shared>> -> memref<16x16xf32, #tpu.memory_space<vmem_shared>>
        %dma_wait3A_49 = arith.constant 9984 : i32
        %dma_wait3A_50 = arith.constant 0 : i32
        %dma_wait3A_51 = tpu.memref_slice %arg4[%dma_wait3A_49, %dma_wait3A_50] : memref<10000x16xf32, #tpu.memory_space<hbm>> -> memref<16x16xf32, #tpu.memory_space<hbm>>
        tpu.wait_dma2 semaphore(%run_scoped3A : memref<!tpu.dma_semaphore, #tpu.memory_space<semaphore_mem>>) src(%dma_wait3A_51 : memref<16x16xf32, #tpu.memory_space<hbm>>) dst(%dma_wait3A_48 : memref<16x16xf32, #tpu.memory_space<vmem_shared>>)
        tpu.yield
      }) : () -> ()
    } else {
    }
    %barrier3A = arith.constant 0 : index
    tpu.barrier barrier_id(%barrier3A)
    %scan3A = arith.constant 0 : i32
    %scan3A_7 = arith.constant 0 : i32
    %scan3A_8 = arith.constant 5 : i32
    %scan3A_9 = arith.addi %scan3A_7, %scan3A_8 : i32
    %scan3A_10 = arith.constant 1 : i32
    scf.for %scan3A_42 = %scan3A_7 to %scan3A_9 step %scan3A_10  : i32 {
      %mul3A_43 = arith.constant 2000 : i32
      %mul3A_44 = arith.muli %scan3A_42, %mul3A_43 : i32
      %add3A_45 = arith.addi %add3A, %mul3A_44 : i32
      %add3A_46 = arith.constant 0 : i32
      %add3A_47 = arith.addi %add3A_46, %add3A_45 : i32
      "tpu.region"() ({
        %run_scoped3A = tpu.sem_alloc : memref<!tpu.dma_semaphore, #tpu.memory_space<semaphore_mem>>
        %dma_start3A = tpu.memref_slice %arg3[%add3A_47] : memref<640000xi32, #tpu.memory_space<hbm>> -> memref<2000xi32, #tpu.memory_space<hbm>>
        %dma_start3A_78 = tpu.memref_slice %arg3[%add3A_47] : memref<640000xi32, #tpu.memory_space<hbm>> -> memref<2000xi32, #tpu.memory_space<hbm>>
        tpu.enqueue_dma source(%dma_start3A_78 : memref<2000xi32, #tpu.memory_space<hbm>>) target(%arg6 : memref<2000xi32, #tpu.memory_space<vmem>>) target_semaphore(%run_scoped3A : memref<!tpu.dma_semaphore, #tpu.memory_space<semaphore_mem>>)
        %dma_wait3A = tpu.memref_slice %arg3[%add3A_47] : memref<640000xi32, #tpu.memory_space<hbm>> -> memref<2000xi32, #tpu.memory_space<hbm>>
        %dma_wait3A_79 = tpu.memref_slice %arg3[%add3A_47] : memref<640000xi32, #tpu.memory_space<hbm>> -> memref<2000xi32, #tpu.memory_space<hbm>>
        tpu.wait_dma2 semaphore(%run_scoped3A : memref<!tpu.dma_semaphore, #tpu.memory_space<semaphore_mem>>) src(%dma_wait3A_79 : memref<2000xi32, #tpu.memory_space<hbm>>) dst(%arg6 : memref<2000xi32, #tpu.memory_space<vmem>>)
        tpu.yield
      }) : () -> ()
      %jit3A_48 = arith.constant 2000 : i32
      %div3A_49 = arith.divsi %add3A_45, %jit3A_48 : i32
      %sign3A_50 = arith.constant 0 : i32
      %sign3A_51 = arith.cmpi sgt, %add3A_45, %sign3A_50 : i32
      %sign3A_52 = arith.extui %sign3A_51 : i1 to i32
      %sign3A_53 = arith.constant 0 : i32
      %sign3A_54 = arith.cmpi slt, %add3A_45, %sign3A_53 : i32
      %sign3A_55 = arith.extui %sign3A_54 : i1 to i32
      %sign3A_56 = arith.subi %sign3A_52, %sign3A_55 : i32
      %sign3A_57 = arith.constant 0 : i32
      %sign3A_58 = arith.cmpi sgt, %jit3A_48, %sign3A_57 : i32
      %sign3A_59 = arith.extui %sign3A_58 : i1 to i32
      %sign3A_60 = arith.constant 0 : i32
      %sign3A_61 = arith.cmpi slt, %jit3A_48, %sign3A_60 : i32
      %sign3A_62 = arith.extui %sign3A_61 : i1 to i32
      %sign3A_63 = arith.subi %sign3A_59, %sign3A_62 : i32
      %ne3A_64 = arith.cmpi ne, %sign3A_56, %sign3A_63 : i32
      %rem3A_65 = arith.remsi %add3A_45, %jit3A_48 : i32
      %ne3A_66 = arith.constant 0 : i32
      %ne3A_67 = arith.cmpi ne, %rem3A_65, %ne3A_66 : i32
      %and3A_68 = arith.andi %ne3A_64, %ne3A_67 : i1
      %sub3A_69 = arith.constant 1 : i32
      %sub3A_70 = arith.subi %div3A_49, %sub3A_69 : i32
      %select_n3A_71 = arith.select %and3A_68, %sub3A_70, %div3A_49 : i32
      "tpu.region"() ({
        %run_scoped3A = tpu.sem_alloc : memref<!tpu.dma_semaphore, #tpu.memory_space<semaphore_mem>>
        %dma_start3A = arith.constant 0 : i32
        %dma_start3A_78 = arith.constant 0 : i32
        %dma_start3A_79 = tpu.memref_slice %arg2[%select_n3A_71, %dma_start3A, %dma_start3A_78] : memref<160x250x128xf32, #tpu.memory_space<hbm>> -> memref<1x250x128xf32, #tpu.memory_space<hbm>>
        %dma_start3A_80 = tpu.memref_squeeze %dma_start3A_79 : memref<1x250x128xf32, #tpu.memory_space<hbm>> -> memref<250x128xf32, #tpu.memory_space<hbm>>
        %dma_start3A_81 = arith.constant 0 : i32
        %dma_start3A_82 = arith.constant 0 : i32
        %dma_start3A_83 = tpu.memref_slice %arg2[%select_n3A_71, %dma_start3A_81, %dma_start3A_82] : memref<160x250x128xf32, #tpu.memory_space<hbm>> -> memref<1x250x128xf32, #tpu.memory_space<hbm>>
        %dma_start3A_84 = tpu.memref_squeeze %dma_start3A_83 : memref<1x250x128xf32, #tpu.memory_space<hbm>> -> memref<250x128xf32, #tpu.memory_space<hbm>>
        tpu.enqueue_dma source(%dma_start3A_84 : memref<250x128xf32, #tpu.memory_space<hbm>>) target(%arg7 : memref<250x128xf32, #tpu.memory_space<vmem>>) target_semaphore(%run_scoped3A : memref<!tpu.dma_semaphore, #tpu.memory_space<semaphore_mem>>)
        %dma_wait3A = arith.constant 0 : i32
        %dma_wait3A_85 = arith.constant 0 : i32
        %dma_wait3A_86 = tpu.memref_slice %arg2[%select_n3A_71, %dma_wait3A, %dma_wait3A_85] : memref<160x250x128xf32, #tpu.memory_space<hbm>> -> memref<1x250x128xf32, #tpu.memory_space<hbm>>
        %dma_wait3A_87 = tpu.memref_squeeze %dma_wait3A_86 : memref<1x250x128xf32, #tpu.memory_space<hbm>> -> memref<250x128xf32, #tpu.memory_space<hbm>>
        %dma_wait3A_88 = arith.constant 0 : i32
        %dma_wait3A_89 = arith.constant 0 : i32
        %dma_wait3A_90 = tpu.memref_slice %arg2[%select_n3A_71, %dma_wait3A_88, %dma_wait3A_89] : memref<160x250x128xf32, #tpu.memory_space<hbm>> -> memref<1x250x128xf32, #tpu.memory_space<hbm>>
        %dma_wait3A_91 = tpu.memref_squeeze %dma_wait3A_90 : memref<1x250x128xf32, #tpu.memory_space<hbm>> -> memref<250x128xf32, #tpu.memory_space<hbm>>
        tpu.wait_dma2 semaphore(%run_scoped3A : memref<!tpu.dma_semaphore, #tpu.memory_space<semaphore_mem>>) src(%dma_wait3A_91 : memref<250x128xf32, #tpu.memory_space<hbm>>) dst(%arg7 : memref<250x128xf32, #tpu.memory_space<vmem>>)
        tpu.yield
      }) : () -> ()
      %scan3A_72 = arith.constant 0 : i32
      %scan3A_73 = arith.constant 0 : i32
      %scan3A_74 = arith.constant 250 : i32
      %scan3A_75 = arith.addi %scan3A_73, %scan3A_74 : i32
      %scan3A_76 = arith.constant 1 : i32
      scf.for %scan3A_78 = %scan3A_73 to %scan3A_75 step %scan3A_76  : i32 {
        %get3A = arith.index_cast %scan3A_78 : i32 to index
        %get3A_79 = arith.constant 0 : index
        %get3A_80 = tpu.vector_load %arg7[%get3A, %get3A_79] {strides = array<i32>} : memref<250x128xf32, #tpu.memory_space<vmem>>, vector<1x16xf32>,
        %get3A_81 = vector.shape_cast %get3A_80 : vector<1x16xf32> to vector<16xf32>
        %add3A_82 = arith.constant 0 : i32
        %add3A_83 = arith.addi %add3A_82, %scan3A_78 : i32
        %swap3A = arith.index_cast %add3A_83 : i32 to index
        %swap3A_84 = arith.constant 0 : index
        %swap3A_85 = tpu.vector_load %arg8[%swap3A, %swap3A_84] {strides = array<i32>} : memref<2000x16xf32, #tpu.memory_space<vmem>>, vector<1x16xf32>,
        %swap3A_86 = vector.shape_cast %swap3A_85 : vector<1x16xf32> to vector<16xf32>
        %swap3A_87 = vector.shape_cast %get3A_81 : vector<16xf32> to vector<1x16xf32>
        tpu.vector_store %arg8[%swap3A, %swap3A_84], %swap3A_87 {strides = array<i32>} : memref<2000x16xf32, #tpu.memory_space<vmem>>, vector<1x16xf32>,
        %get3A_88 = arith.index_cast %scan3A_78 : i32 to index
        %get3A_89 = arith.constant 16 : index
        %get3A_90 = tpu.vector_load %arg7[%get3A_88, %get3A_89] {strides = array<i32>} : memref<250x128xf32, #tpu.memory_space<vmem>>, vector<1x16xf32>,
        %get3A_91 = vector.shape_cast %get3A_90 : vector<1x16xf32> to vector<16xf32>
        %add3A_92 = arith.constant 250 : i32
        %add3A_93 = arith.addi %add3A_92, %scan3A_78 : i32
        %swap3A_94 = arith.index_cast %add3A_93 : i32 to index
        %swap3A_95 = arith.constant 0 : index
        %swap3A_96 = tpu.vector_load %arg8[%swap3A_94, %swap3A_95] {strides = array<i32>} : memref<2000x16xf32, #tpu.memory_space<vmem>>, vector<1x16xf32>,
        %swap3A_97 = vector.shape_cast %swap3A_96 : vector<1x16xf32> to vector<16xf32>
        %swap3A_98 = vector.shape_cast %get3A_91 : vector<16xf32> to vector<1x16xf32>
        tpu.vector_store %arg8[%swap3A_94, %swap3A_95], %swap3A_98 {strides = array<i32>} : memref<2000x16xf32, #tpu.memory_space<vmem>>, vector<1x16xf32>,
        %get3A_99 = arith.index_cast %scan3A_78 : i32 to index
        %get3A_100 = arith.constant 32 : index
        %get3A_101 = tpu.vector_load %arg7[%get3A_99, %get3A_100] {strides = array<i32>} : memref<250x128xf32, #tpu.memory_space<vmem>>, vector<1x16xf32>,
        %get3A_102 = vector.shape_cast %get3A_101 : vector<1x16xf32> to vector<16xf32>
        %add3A_103 = arith.constant 500 : i32
        %add3A_104 = arith.addi %add3A_103, %scan3A_78 : i32
        %swap3A_105 = arith.index_cast %add3A_104 : i32 to index
        %swap3A_106 = arith.constant 0 : index
        %swap3A_107 = tpu.vector_load %arg8[%swap3A_105, %swap3A_106] {strides = array<i32>} : memref<2000x16xf32, #tpu.memory_space<vmem>>, vector<1x16xf32>,
        %swap3A_108 = vector.shape_cast %swap3A_107 : vector<1x16xf32> to vector<16xf32>
        %swap3A_109 = vector.shape_cast %get3A_102 : vector<16xf32> to vector<1x16xf32>
        tpu.vector_store %arg8[%swap3A_105, %swap3A_106], %swap3A_109 {strides = array<i32>} : memref<2000x16xf32, #tpu.memory_space<vmem>>, vector<1x16xf32>,
        %get3A_110 = arith.index_cast %scan3A_78 : i32 to index
        %get3A_111 = arith.constant 48 : index
        %get3A_112 = tpu.vector_load %arg7[%get3A_110, %get3A_111] {strides = array<i32>} : memref<250x128xf32, #tpu.memory_space<vmem>>, vector<1x16xf32>,
        %get3A_113 = vector.shape_cast %get3A_112 : vector<1x16xf32> to vector<16xf32>
        %add3A_114 = arith.constant 750 : i32
        %add3A_115 = arith.addi %add3A_114, %scan3A_78 : i32
        %swap3A_116 = arith.index_cast %add3A_115 : i32 to index
        %swap3A_117 = arith.constant 0 : index
        %swap3A_118 = tpu.vector_load %arg8[%swap3A_116, %swap3A_117] {strides = array<i32>} : memref<2000x16xf32, #tpu.memory_space<vmem>>, vector<1x16xf32>,
        %swap3A_119 = vector.shape_cast %swap3A_118 : vector<1x16xf32> to vector<16xf32>
        %swap3A_120 = vector.shape_cast %get3A_113 : vector<16xf32> to vector<1x16xf32>
        tpu.vector_store %arg8[%swap3A_116, %swap3A_117], %swap3A_120 {strides = array<i32>} : memref<2000x16xf32, #tpu.memory_space<vmem>>, vector<1x16xf32>,
        %get3A_121 = arith.index_cast %scan3A_78 : i32 to index
        %get3A_122 = arith.constant 64 : index
        %get3A_123 = tpu.vector_load %arg7[%get3A_121, %get3A_122] {strides = array<i32>} : memref<250x128xf32, #tpu.memory_space<vmem>>, vector<1x16xf32>,
        %get3A_124 = vector.shape_cast %get3A_123 : vector<1x16xf32> to vector<16xf32>
        %add3A_125 = arith.constant 1000 : i32
        %add3A_126 = arith.addi %add3A_125, %scan3A_78 : i32
        %swap3A_127 = arith.index_cast %add3A_126 : i32 to index
        %swap3A_128 = arith.constant 0 : index
        %swap3A_129 = tpu.vector_load %arg8[%swap3A_127, %swap3A_128] {strides = array<i32>} : memref<2000x16xf32, #tpu.memory_space<vmem>>, vector<1x16xf32>,
        %swap3A_130 = vector.shape_cast %swap3A_129 : vector<1x16xf32> to vector<16xf32>
        %swap3A_131 = vector.shape_cast %get3A_124 : vector<16xf32> to vector<1x16xf32>
        tpu.vector_store %arg8[%swap3A_127, %swap3A_128], %swap3A_131 {strides = array<i32>} : memref<2000x16xf32, #tpu.memory_space<vmem>>, vector<1x16xf32>,
        %get3A_132 = arith.index_cast %scan3A_78 : i32 to index
        %get3A_133 = arith.constant 80 : index
        %get3A_134 = tpu.vector_load %arg7[%get3A_132, %get3A_133] {strides = array<i32>} : memref<250x128xf32, #tpu.memory_space<vmem>>, vector<1x16xf32>,
        %get3A_135 = vector.shape_cast %get3A_134 : vector<1x16xf32> to vector<16xf32>
        %add3A_136 = arith.constant 1250 : i32
        %add3A_137 = arith.addi %add3A_136, %scan3A_78 : i32
        %swap3A_138 = arith.index_cast %add3A_137 : i32 to index
        %swap3A_139 = arith.constant 0 : index
        %swap3A_140 = tpu.vector_load %arg8[%swap3A_138, %swap3A_139] {strides = array<i32>} : memref<2000x16xf32, #tpu.memory_space<vmem>>, vector<1x16xf32>,
        %swap3A_141 = vector.shape_cast %swap3A_140 : vector<1x16xf32> to vector<16xf32>
        %swap3A_142 = vector.shape_cast %get3A_135 : vector<16xf32> to vector<1x16xf32>
        tpu.vector_store %arg8[%swap3A_138, %swap3A_139], %swap3A_142 {strides = array<i32>} : memref<2000x16xf32, #tpu.memory_space<vmem>>, vector<1x16xf32>,
        %get3A_143 = arith.index_cast %scan3A_78 : i32 to index
        %get3A_144 = arith.constant 96 : index
        %get3A_145 = tpu.vector_load %arg7[%get3A_143, %get3A_144] {strides = array<i32>} : memref<250x128xf32, #tpu.memory_space<vmem>>, vector<1x16xf32>,
        %get3A_146 = vector.shape_cast %get3A_145 : vector<1x16xf32> to vector<16xf32>
        %add3A_147 = arith.constant 1500 : i32
        %add3A_148 = arith.addi %add3A_147, %scan3A_78 : i32
        %swap3A_149 = arith.index_cast %add3A_148 : i32 to index
        %swap3A_150 = arith.constant 0 : index
        %swap3A_151 = tpu.vector_load %arg8[%swap3A_149, %swap3A_150] {strides = array<i32>} : memref<2000x16xf32, #tpu.memory_space<vmem>>, vector<1x16xf32>,
        %swap3A_152 = vector.shape_cast %swap3A_151 : vector<1x16xf32> to vector<16xf32>
        %swap3A_153 = vector.shape_cast %get3A_146 : vector<16xf32> to vector<1x16xf32>
        tpu.vector_store %arg8[%swap3A_149, %swap3A_150], %swap3A_153 {strides = array<i32>} : memref<2000x16xf32, #tpu.memory_space<vmem>>, vector<1x16xf32>,
        %get3A_154 = arith.index_cast %scan3A_78 : i32 to index
        %get3A_155 = arith.constant 112 : index
        %get3A_156 = tpu.vector_load %arg7[%get3A_154, %get3A_155] {strides = array<i32>} : memref<250x128xf32, #tpu.memory_space<vmem>>, vector<1x16xf32>,
        %get3A_157 = vector.shape_cast %get3A_156 : vector<1x16xf32> to vector<16xf32>
        %add3A_158 = arith.constant 1750 : i32
        %add3A_159 = arith.addi %add3A_158, %scan3A_78 : i32
        %swap3A_160 = arith.index_cast %add3A_159 : i32 to index
        %swap3A_161 = arith.constant 0 : index
        %swap3A_162 = tpu.vector_load %arg8[%swap3A_160, %swap3A_161] {strides = array<i32>} : memref<2000x16xf32, #tpu.memory_space<vmem>>, vector<1x16xf32>,
        %swap3A_163 = vector.shape_cast %swap3A_162 : vector<1x16xf32> to vector<16xf32>
        %swap3A_164 = vector.shape_cast %get3A_157 : vector<16xf32> to vector<1x16xf32>
        tpu.vector_store %arg8[%swap3A_160, %swap3A_161], %swap3A_164 {strides = array<i32>} : memref<2000x16xf32, #tpu.memory_space<vmem>>, vector<1x16xf32>,
      }
      %scan3A_77 = arith.constant 250 : i32
      "tpu.region"() ({
        %run_scoped3A = tpu.sem_alloc : memref<!tpu.dma_semaphore, #tpu.memory_space<semaphore_mem>>
        %dma_start3A = arith.constant 0 : i32
        %dma_start3A_78 = arith.constant 0 : i32
        %dma_start3A_79 = tpu.memref_slice %arg11[%dma_start3A, %dma_start3A_78] : memref<10000x16xf32, #tpu.memory_space<vmem_shared>> -> memref<10000x16xf32, #tpu.memory_space<vmem_shared>>
        tpu.enqueue_indirect_dma source(%arg8 : memref<2000x16xf32, #tpu.memory_space<vmem>>) target(%dma_start3A_79 : memref<10000x16xf32, #tpu.memory_space<vmem_shared>>) offsets(%arg6 : memref<2000xi32, #tpu.memory_space<vmem>>) semaphore(%run_scoped3A : memref<!tpu.dma_semaphore, #tpu.memory_space<semaphore_mem>>) {add = true}
        %dma_wait3A = arith.constant 0 : i32
        %dma_wait3A_80 = arith.constant 0 : i32
        %dma_wait3A_81 = tpu.memref_slice %arg11[%dma_wait3A, %dma_wait3A_80] : memref<10000x16xf32, #tpu.memory_space<vmem_shared>> -> memref<10000x16xf32, #tpu.memory_space<vmem_shared>>
        tpu.wait_indirect_dma semaphore(%run_scoped3A : memref<!tpu.dma_semaphore, #tpu.memory_space<semaphore_mem>>) src(%arg8 : memref<2000x16xf32, #tpu.memory_space<vmem>>) dst(%dma_wait3A_81 : memref<10000x16xf32, #tpu.memory_space<vmem_shared>>)
        tpu.yield
      }) : () -> ()
    }
    %scan3A_11 = arith.constant 5 : i32
    %barrier3A_12 = arith.constant 0 : index
    tpu.barrier barrier_id(%barrier3A_12)
    %mul3A_13 = arith.constant 16 : i32
    %mul3A_14 = arith.muli %mul3A_4, %mul3A_13 : i32
    %jit3A = arith.constant 128 : i32
    %div3A = arith.divsi %mul3A_14, %jit3A : i32
    %sign3A = arith.constant 0 : i32
    %sign3A_15 = arith.cmpi sgt, %mul3A_14, %sign3A : i32
    %sign3A_16 = arith.extui %sign3A_15 : i1 to i32
    %sign3A_17 = arith.constant 0 : i32
    %sign3A_18 = arith.cmpi slt, %mul3A_14, %sign3A_17 : i32
    %sign3A_19 = arith.extui %sign3A_18 : i1 to i32
    %sign3A_20 = arith.subi %sign3A_16, %sign3A_19 : i32
    %sign3A_21 = arith.constant 0 : i32
    %sign3A_22 = arith.cmpi sgt, %jit3A, %sign3A_21 : i32
    %sign3A_23 = arith.extui %sign3A_22 : i1 to i32
    %sign3A_24 = arith.constant 0 : i32
    %sign3A_25 = arith.cmpi slt, %jit3A, %sign3A_24 : i32
    %sign3A_26 = arith.extui %sign3A_25 : i1 to i32
    %sign3A_27 = arith.subi %sign3A_23, %sign3A_26 : i32
    %ne3A = arith.cmpi ne, %sign3A_20, %sign3A_27 : i32
    %rem3A = arith.remsi %mul3A_14, %jit3A : i32
    %ne3A_28 = arith.constant 0 : i32
    %ne3A_29 = arith.cmpi ne, %rem3A, %ne3A_28 : i32
    %and3A = arith.andi %ne3A, %ne3A_29 : i1
    %sub3A = arith.constant 1 : i32
    %sub3A_30 = arith.subi %div3A, %sub3A : i32
    %select_n3A = arith.select %and3A, %sub3A_30, %div3A : i32
    "tpu.region"() ({
      %run_scoped3A = tpu.sem_alloc : memref<!tpu.dma_semaphore, #tpu.memory_space<semaphore_mem>>
      %dma_start3A = arith.constant 0 : i32
      %dma_start3A_42 = arith.constant 0 : i32
      %dma_start3A_43 = tpu.memref_slice %arg9[%dma_start3A, %dma_start3A_42] : memref<640x16xf32, #tpu.memory_space<vmem>> -> memref<624x16xf32, #tpu.memory_space<vmem>>
      %dma_start3A_44 = arith.constant 0 : i32
      %dma_start3A_45 = tpu.memref_slice %arg11[%mul3A_4, %dma_start3A_44] : memref<10000x16xf32, #tpu.memory_space<vmem_shared>> -> memref<624x16xf32, #tpu.memory_space<vmem_shared>>
      %dma_start3A_46 = arith.constant 0 : i32
      %dma_start3A_47 = arith.constant 0 : i32
      %dma_start3A_48 = tpu.memref_slice %arg9[%dma_start3A_46, %dma_start3A_47] : memref<640x16xf32, #tpu.memory_space<vmem>> -> memref<624x16xf32, #tpu.memory_space<vmem>>
      %dma_start3A_49 = arith.constant 0 : i32
      %dma_start3A_50 = tpu.memref_slice %arg11[%mul3A_4, %dma_start3A_49] : memref<10000x16xf32, #tpu.memory_space<vmem_shared>> -> memref<624x16xf32, #tpu.memory_space<vmem_shared>>
      tpu.enqueue_dma source(%dma_start3A_50 : memref<624x16xf32, #tpu.memory_space<vmem_shared>>) target(%dma_start3A_48 : memref<624x16xf32, #tpu.memory_space<vmem>>) target_semaphore(%run_scoped3A : memref<!tpu.dma_semaphore, #tpu.memory_space<semaphore_mem>>)
      %dma_wait3A = arith.constant 0 : i32
      %dma_wait3A_51 = arith.constant 0 : i32
      %dma_wait3A_52 = tpu.memref_slice %arg9[%dma_wait3A, %dma_wait3A_51] : memref<640x16xf32, #tpu.memory_space<vmem>> -> memref<624x16xf32, #tpu.memory_space<vmem>>
      %dma_wait3A_53 = arith.constant 0 : i32
      %dma_wait3A_54 = tpu.memref_slice %arg11[%mul3A_4, %dma_wait3A_53] : memref<10000x16xf32, #tpu.memory_space<vmem_shared>> -> memref<624x16xf32, #tpu.memory_space<vmem_shared>>
      %dma_wait3A_55 = arith.constant 0 : i32
      %dma_wait3A_56 = arith.constant 0 : i32
      %dma_wait3A_57 = tpu.memref_slice %arg9[%dma_wait3A_55, %dma_wait3A_56] : memref<640x16xf32, #tpu.memory_space<vmem>> -> memref<624x16xf32, #tpu.memory_space<vmem>>
      %dma_wait3A_58 = arith.constant 0 : i32
      %dma_wait3A_59 = tpu.memref_slice %arg11[%mul3A_4, %dma_wait3A_58] : memref<10000x16xf32, #tpu.memory_space<vmem_shared>> -> memref<624x16xf32, #tpu.memory_space<vmem_shared>>
      tpu.wait_dma2 semaphore(%run_scoped3A : memref<!tpu.dma_semaphore, #tpu.memory_space<semaphore_mem>>) src(%dma_wait3A_59 : memref<624x16xf32, #tpu.memory_space<vmem_shared>>) dst(%dma_wait3A_57 : memref<624x16xf32, #tpu.memory_space<vmem>>)
      tpu.yield
    }) : () -> ()
    %scan3A_31 = arith.constant 0 : i32
    %scan3A_32 = arith.constant 0 : i32
    %scan3A_33 = arith.constant 78 : i32
    %scan3A_34 = arith.addi %scan3A_32, %scan3A_33 : i32
    %scan3A_35 = arith.constant 1 : i32
    scf.for %scan3A_42 = %scan3A_32 to %scan3A_34 step %scan3A_35  : i32 {
      %mul3A_43 = arith.constant 8 : i32
      %mul3A_44 = arith.muli %scan3A_42, %mul3A_43 : i32
      %add3A_45 = arith.constant 0 : i32
      %add3A_46 = arith.addi %mul3A_44, %add3A_45 : i32
      %get3A = arith.index_cast %add3A_46 : i32 to index
      %get3A_47 = arith.constant 0 : index
      %get3A_48 = tpu.vector_load %arg9[%get3A, %get3A_47] {strides = array<i32>} : memref<640x16xf32, #tpu.memory_space<vmem>>, vector<1x16xf32>,
      %get3A_49 = vector.shape_cast %get3A_48 : vector<1x16xf32> to vector<16xf32>
      %swap3A = arith.index_cast %scan3A_42 : i32 to index
      %swap3A_50 = arith.constant 0 : index
      %swap3A_51 = tpu.vector_load %arg10[%swap3A, %swap3A_50] {strides = array<i32>} : memref<80x128xf32, #tpu.memory_space<vmem>>, vector<1x16xf32>,
      %swap3A_52 = vector.shape_cast %swap3A_51 : vector<1x16xf32> to vector<16xf32>
      %swap3A_53 = vector.shape_cast %get3A_49 : vector<16xf32> to vector<1x16xf32>
      tpu.vector_store %arg10[%swap3A, %swap3A_50], %swap3A_53 {strides = array<i32>} : memref<80x128xf32, #tpu.memory_space<vmem>>, vector<1x16xf32>,
      %mul3A_54 = arith.constant 8 : i32
      %mul3A_55 = arith.muli %scan3A_42, %mul3A_54 : i32
      %add3A_56 = arith.constant 1 : i32
      %add3A_57 = arith.addi %mul3A_55, %add3A_56 : i32
      %get3A_58 = arith.index_cast %add3A_57 : i32 to index
      %get3A_59 = arith.constant 0 : index
      %get3A_60 = tpu.vector_load %arg9[%get3A_58, %get3A_59] {strides = array<i32>} : memref<640x16xf32, #tpu.memory_space<vmem>>, vector<1x16xf32>,
      %get3A_61 = vector.shape_cast %get3A_60 : vector<1x16xf32> to vector<16xf32>
      %swap3A_62 = arith.index_cast %scan3A_42 : i32 to index
      %swap3A_63 = arith.constant 16 : index
      %swap3A_64 = tpu.vector_load %arg10[%swap3A_62, %swap3A_63] {strides = array<i32>} : memref<80x128xf32, #tpu.memory_space<vmem>>, vector<1x16xf32>,
      %swap3A_65 = vector.shape_cast %swap3A_64 : vector<1x16xf32> to vector<16xf32>
      %swap3A_66 = vector.shape_cast %get3A_61 : vector<16xf32> to vector<1x16xf32>
      tpu.vector_store %arg10[%swap3A_62, %swap3A_63], %swap3A_66 {strides = array<i32>} : memref<80x128xf32, #tpu.memory_space<vmem>>, vector<1x16xf32>,
      %mul3A_67 = arith.constant 8 : i32
      %mul3A_68 = arith.muli %scan3A_42, %mul3A_67 : i32
      %add3A_69 = arith.constant 2 : i32
      %add3A_70 = arith.addi %mul3A_68, %add3A_69 : i32
      %get3A_71 = arith.index_cast %add3A_70 : i32 to index
      %get3A_72 = arith.constant 0 : index
      %get3A_73 = tpu.vector_load %arg9[%get3A_71, %get3A_72] {strides = array<i32>} : memref<640x16xf32, #tpu.memory_space<vmem>>, vector<1x16xf32>,
      %get3A_74 = vector.shape_cast %get3A_73 : vector<1x16xf32> to vector<16xf32>
      %swap3A_75 = arith.index_cast %scan3A_42 : i32 to index
      %swap3A_76 = arith.constant 32 : index
      %swap3A_77 = tpu.vector_load %arg10[%swap3A_75, %swap3A_76] {strides = array<i32>} : memref<80x128xf32, #tpu.memory_space<vmem>>, vector<1x16xf32>,
      %swap3A_78 = vector.shape_cast %swap3A_77 : vector<1x16xf32> to vector<16xf32>
      %swap3A_79 = vector.shape_cast %get3A_74 : vector<16xf32> to vector<1x16xf32>
      tpu.vector_store %arg10[%swap3A_75, %swap3A_76], %swap3A_79 {strides = array<i32>} : memref<80x128xf32, #tpu.memory_space<vmem>>, vector<1x16xf32>,
      %mul3A_80 = arith.constant 8 : i32
      %mul3A_81 = arith.muli %scan3A_42, %mul3A_80 : i32
      %add3A_82 = arith.constant 3 : i32
      %add3A_83 = arith.addi %mul3A_81, %add3A_82 : i32
      %get3A_84 = arith.index_cast %add3A_83 : i32 to index
      %get3A_85 = arith.constant 0 : index
      %get3A_86 = tpu.vector_load %arg9[%get3A_84, %get3A_85] {strides = array<i32>} : memref<640x16xf32, #tpu.memory_space<vmem>>, vector<1x16xf32>,
      %get3A_87 = vector.shape_cast %get3A_86 : vector<1x16xf32> to vector<16xf32>
      %swap3A_88 = arith.index_cast %scan3A_42 : i32 to index
      %swap3A_89 = arith.constant 48 : index
      %swap3A_90 = tpu.vector_load %arg10[%swap3A_88, %swap3A_89] {strides = array<i32>} : memref<80x128xf32, #tpu.memory_space<vmem>>, vector<1x16xf32>,
      %swap3A_91 = vector.shape_cast %swap3A_90 : vector<1x16xf32> to vector<16xf32>
      %swap3A_92 = vector.shape_cast %get3A_87 : vector<16xf32> to vector<1x16xf32>
      tpu.vector_store %arg10[%swap3A_88, %swap3A_89], %swap3A_92 {strides = array<i32>} : memref<80x128xf32, #tpu.memory_space<vmem>>, vector<1x16xf32>,
      %mul3A_93 = arith.constant 8 : i32
      %mul3A_94 = arith.muli %scan3A_42, %mul3A_93 : i32
      %add3A_95 = arith.constant 4 : i32
      %add3A_96 = arith.addi %mul3A_94, %add3A_95 : i32
      %get3A_97 = arith.index_cast %add3A_96 : i32 to index
      %get3A_98 = arith.constant 0 : index
      %get3A_99 = tpu.vector_load %arg9[%get3A_97, %get3A_98] {strides = array<i32>} : memref<640x16xf32, #tpu.memory_space<vmem>>, vector<1x16xf32>,
      %get3A_100 = vector.shape_cast %get3A_99 : vector<1x16xf32> to vector<16xf32>
      %swap3A_101 = arith.index_cast %scan3A_42 : i32 to index
      %swap3A_102 = arith.constant 64 : index
      %swap3A_103 = tpu.vector_load %arg10[%swap3A_101, %swap3A_102] {strides = array<i32>} : memref<80x128xf32, #tpu.memory_space<vmem>>, vector<1x16xf32>,
      %swap3A_104 = vector.shape_cast %swap3A_103 : vector<1x16xf32> to vector<16xf32>
      %swap3A_105 = vector.shape_cast %get3A_100 : vector<16xf32> to vector<1x16xf32>
      tpu.vector_store %arg10[%swap3A_101, %swap3A_102], %swap3A_105 {strides = array<i32>} : memref<80x128xf32, #tpu.memory_space<vmem>>, vector<1x16xf32>,
      %mul3A_106 = arith.constant 8 : i32
      %mul3A_107 = arith.muli %scan3A_42, %mul3A_106 : i32
      %add3A_108 = arith.constant 5 : i32
      %add3A_109 = arith.addi %mul3A_107, %add3A_108 : i32
      %get3A_110 = arith.index_cast %add3A_109 : i32 to index
      %get3A_111 = arith.constant 0 : index
      %get3A_112 = tpu.vector_load %arg9[%get3A_110, %get3A_111] {strides = array<i32>} : memref<640x16xf32, #tpu.memory_space<vmem>>, vector<1x16xf32>,
      %get3A_113 = vector.shape_cast %get3A_112 : vector<1x16xf32> to vector<16xf32>
      %swap3A_114 = arith.index_cast %scan3A_42 : i32 to index
      %swap3A_115 = arith.constant 80 : index
      %swap3A_116 = tpu.vector_load %arg10[%swap3A_114, %swap3A_115] {strides = array<i32>} : memref<80x128xf32, #tpu.memory_space<vmem>>, vector<1x16xf32>,
      %swap3A_117 = vector.shape_cast %swap3A_116 : vector<1x16xf32> to vector<16xf32>
      %swap3A_118 = vector.shape_cast %get3A_113 : vector<16xf32> to vector<1x16xf32>
      tpu.vector_store %arg10[%swap3A_114, %swap3A_115], %swap3A_118 {strides = array<i32>} : memref<80x128xf32, #tpu.memory_space<vmem>>, vector<1x16xf32>,
      %mul3A_119 = arith.constant 8 : i32
      %mul3A_120 = arith.muli %scan3A_42, %mul3A_119 : i32
      %add3A_121 = arith.constant 6 : i32
      %add3A_122 = arith.addi %mul3A_120, %add3A_121 : i32
      %get3A_123 = arith.index_cast %add3A_122 : i32 to index
      %get3A_124 = arith.constant 0 : index
      %get3A_125 = tpu.vector_load %arg9[%get3A_123, %get3A_124] {strides = array<i32>} : memref<640x16xf32, #tpu.memory_space<vmem>>, vector<1x16xf32>,
      %get3A_126 = vector.shape_cast %get3A_125 : vector<1x16xf32> to vector<16xf32>
      %swap3A_127 = arith.index_cast %scan3A_42 : i32 to index
      %swap3A_128 = arith.constant 96 : index
      %swap3A_129 = tpu.vector_load %arg10[%swap3A_127, %swap3A_128] {strides = array<i32>} : memref<80x128xf32, #tpu.memory_space<vmem>>, vector<1x16xf32>,
      %swap3A_130 = vector.shape_cast %swap3A_129 : vector<1x16xf32> to vector<16xf32>
      %swap3A_131 = vector.shape_cast %get3A_126 : vector<16xf32> to vector<1x16xf32>
      tpu.vector_store %arg10[%swap3A_127, %swap3A_128], %swap3A_131 {strides = array<i32>} : memref<80x128xf32, #tpu.memory_space<vmem>>, vector<1x16xf32>,
      %mul3A_132 = arith.constant 8 : i32
      %mul3A_133 = arith.muli %scan3A_42, %mul3A_132 : i32
      %add3A_134 = arith.constant 7 : i32
      %add3A_135 = arith.addi %mul3A_133, %add3A_134 : i32
      %get3A_136 = arith.index_cast %add3A_135 : i32 to index
      %get3A_137 = arith.constant 0 : index
      %get3A_138 = tpu.vector_load %arg9[%get3A_136, %get3A_137] {strides = array<i32>} : memref<640x16xf32, #tpu.memory_space<vmem>>, vector<1x16xf32>,
      %get3A_139 = vector.shape_cast %get3A_138 : vector<1x16xf32> to vector<16xf32>
      %swap3A_140 = arith.index_cast %scan3A_42 : i32 to index
      %swap3A_141 = arith.constant 112 : index
      %swap3A_142 = tpu.vector_load %arg10[%swap3A_140, %swap3A_141] {strides = array<i32>} : memref<80x128xf32, #tpu.memory_space<vmem>>, vector<1x16xf32>,
      %swap3A_143 = vector.shape_cast %swap3A_142 : vector<1x16xf32> to vector<16xf32>
      %swap3A_144 = vector.shape_cast %get3A_139 : vector<16xf32> to vector<1x16xf32>
      tpu.vector_store %arg10[%swap3A_140, %swap3A_141], %swap3A_144 {strides = array<i32>} : memref<80x128xf32, #tpu.memory_space<vmem>>, vector<1x16xf32>,
    }
    %scan3A_36 = arith.constant 78 : i32
    "tpu.region"() ({
      %run_scoped3A = tpu.sem_alloc : memref<!tpu.dma_semaphore, #tpu.memory_space<semaphore_mem>>
      %dma_start3A = arith.constant 0 : i32
      %dma_start3A_42 = arith.constant 0 : i32
      %dma_start3A_43 = tpu.memref_slice %arg10[%dma_start3A, %dma_start3A_42] : memref<80x128xf32, #tpu.memory_space<vmem>> -> memref<78x128xf32, #tpu.memory_space<vmem>>
      %dma_start3A_44 = arith.constant 0 : i32
      %dma_start3A_45 = tpu.memref_slice %arg5[%arg0, %select_n3A, %dma_start3A_44] : memref<2x1280x128xf32, #tpu.memory_space<hbm>> -> memref<1x78x128xf32, #tpu.memory_space<hbm>>
      %dma_start3A_46 = tpu.memref_squeeze %dma_start3A_45 : memref<1x78x128xf32, #tpu.memory_space<hbm>> -> memref<78x128xf32, #tpu.memory_space<hbm>>
      %dma_start3A_47 = arith.constant 0 : i32
      %dma_start3A_48 = tpu.memref_slice %arg5[%arg0, %select_n3A, %dma_start3A_47] : memref<2x1280x128xf32, #tpu.memory_space<hbm>> -> memref<1x78x128xf32, #tpu.memory_space<hbm>>
      %dma_start3A_49 = tpu.memref_squeeze %dma_start3A_48 : memref<1x78x128xf32, #tpu.memory_space<hbm>> -> memref<78x128xf32, #tpu.memory_space<hbm>>
      %dma_start3A_50 = arith.constant 0 : i32
      %dma_start3A_51 = arith.constant 0 : i32
      %dma_start3A_52 = tpu.memref_slice %arg10[%dma_start3A_50, %dma_start3A_51] : memref<80x128xf32, #tpu.memory_space<vmem>> -> memref<78x128xf32, #tpu.memory_space<vmem>>
      tpu.enqueue_dma source(%dma_start3A_52 : memref<78x128xf32, #tpu.memory_space<vmem>>) target(%dma_start3A_49 : memref<78x128xf32, #tpu.memory_space<hbm>>) target_semaphore(%run_scoped3A : memref<!tpu.dma_semaphore, #tpu.memory_space<semaphore_mem>>)
      %dma_wait3A = arith.constant 0 : i32
      %dma_wait3A_53 = arith.constant 0 : i32
      %dma_wait3A_54 = tpu.memref_slice %arg10[%dma_wait3A, %dma_wait3A_53] : memref<80x128xf32, #tpu.memory_space<vmem>> -> memref<78x128xf32, #tpu.memory_space<vmem>>
      %dma_wait3A_55 = arith.constant 0 : i32
      %dma_wait3A_56 = tpu.memref_slice %arg5[%arg0, %select_n3A, %dma_wait3A_55] : memref<2x1280x128xf32, #tpu.memory_space<hbm>> -> memref<1x78x128xf32, #tpu.memory_space<hbm>>
      %dma_wait3A_57 = tpu.memref_squeeze %dma_wait3A_56 : memref<1x78x128xf32, #tpu.memory_space<hbm>> -> memref<78x128xf32, #tpu.memory_space<hbm>>
      %dma_wait3A_58 = arith.constant 0 : i32
      %dma_wait3A_59 = tpu.memref_slice %arg5[%arg0, %select_n3A, %dma_wait3A_58] : memref<2x1280x128xf32, #tpu.memory_space<hbm>> -> memref<1x78x128xf32, #tpu.memory_space<hbm>>
      %dma_wait3A_60 = tpu.memref_squeeze %dma_wait3A_59 : memref<1x78x128xf32, #tpu.memory_space<hbm>> -> memref<78x128xf32, #tpu.memory_space<hbm>>
      %dma_wait3A_61 = arith.constant 0 : i32
      %dma_wait3A_62 = arith.constant 0 : i32
      %dma_wait3A_63 = tpu.memref_slice %arg10[%dma_wait3A_61, %dma_wait3A_62] : memref<80x128xf32, #tpu.memory_space<vmem>> -> memref<78x128xf32, #tpu.memory_space<vmem>>
      tpu.wait_dma2 semaphore(%run_scoped3A : memref<!tpu.dma_semaphore, #tpu.memory_space<semaphore_mem>>) src(%dma_wait3A_63 : memref<78x128xf32, #tpu.memory_space<vmem>>) dst(%dma_wait3A_60 : memref<78x128xf32, #tpu.memory_space<hbm>>)
      tpu.yield
    }) : () -> ()
    %eq3A_37 = arith.constant 15 : i32
    %eq3A_38 = arith.cmpi eq, %arg1, %eq3A_37 : i32
    %convert_element_type3A_39 = arith.extui %eq3A_38 : i1 to i32
    %cond3A_40 = arith.constant 0 : i32
    %cond3A_41 = arith.cmpi ne, %convert_element_type3A_39, %cond3A_40 : i32
    scf.if %cond3A_41 {
      "tpu.region"() ({
        %run_scoped3A = tpu.sem_alloc : memref<!tpu.dma_semaphore, #tpu.memory_space<semaphore_mem>>
        %dma_start3A = arith.constant 0 : i32
        %dma_start3A_48 = arith.constant 0 : i32
        %dma_start3A_49 = tpu.memref_slice %arg9[%dma_start3A, %dma_start3A_48] : memref<640x16xf32, #tpu.memory_space<vmem>> -> memref<16x16xf32, #tpu.memory_space<vmem>>
        %dma_start3A_50 = arith.constant 9984 : i32
        %dma_start3A_51 = arith.constant 0 : i32
        %dma_start3A_52 = tpu.memref_slice %arg11[%dma_start3A_50, %dma_start3A_51] : memref<10000x16xf32, #tpu.memory_space<vmem_shared>> -> memref<16x16xf32, #tpu.memory_space<vmem_shared>>
        %dma_start3A_53 = arith.constant 0 : i32
        %dma_start3A_54 = arith.constant 0 : i32
        %dma_start3A_55 = tpu.memref_slice %arg9[%dma_start3A_53, %dma_start3A_54] : memref<640x16xf32, #tpu.memory_space<vmem>> -> memref<16x16xf32, #tpu.memory_space<vmem>>
        %dma_start3A_56 = arith.constant 9984 : i32
        %dma_start3A_57 = arith.constant 0 : i32
        %dma_start3A_58 = tpu.memref_slice %arg11[%dma_start3A_56, %dma_start3A_57] : memref<10000x16xf32, #tpu.memory_space<vmem_shared>> -> memref<16x16xf32, #tpu.memory_space<vmem_shared>>
        tpu.enqueue_dma source(%dma_start3A_58 : memref<16x16xf32, #tpu.memory_space<vmem_shared>>) target(%dma_start3A_55 : memref<16x16xf32, #tpu.memory_space<vmem>>) target_semaphore(%run_scoped3A : memref<!tpu.dma_semaphore, #tpu.memory_space<semaphore_mem>>)
        %dma_wait3A = arith.constant 0 : i32
        %dma_wait3A_59 = arith.constant 0 : i32
        %dma_wait3A_60 = tpu.memref_slice %arg9[%dma_wait3A, %dma_wait3A_59] : memref<640x16xf32, #tpu.memory_space<vmem>> -> memref<16x16xf32, #tpu.memory_space<vmem>>
        %dma_wait3A_61 = arith.constant 9984 : i32
        %dma_wait3A_62 = arith.constant 0 : i32
        %dma_wait3A_63 = tpu.memref_slice %arg11[%dma_wait3A_61, %dma_wait3A_62] : memref<10000x16xf32, #tpu.memory_space<vmem_shared>> -> memref<16x16xf32, #tpu.memory_space<vmem_shared>>
        %dma_wait3A_64 = arith.constant 0 : i32
        %dma_wait3A_65 = arith.constant 0 : i32
        %dma_wait3A_66 = tpu.memref_slice %arg9[%dma_wait3A_64, %dma_wait3A_65] : memref<640x16xf32, #tpu.memory_space<vmem>> -> memref<16x16xf32, #tpu.memory_space<vmem>>
        %dma_wait3A_67 = arith.constant 9984 : i32
        %dma_wait3A_68 = arith.constant 0 : i32
        %dma_wait3A_69 = tpu.memref_slice %arg11[%dma_wait3A_67, %dma_wait3A_68] : memref<10000x16xf32, #tpu.memory_space<vmem_shared>> -> memref<16x16xf32, #tpu.memory_space<vmem_shared>>
        tpu.wait_dma2 semaphore(%run_scoped3A : memref<!tpu.dma_semaphore, #tpu.memory_space<semaphore_mem>>) src(%dma_wait3A_69 : memref<16x16xf32, #tpu.memory_space<vmem_shared>>) dst(%dma_wait3A_66 : memref<16x16xf32, #tpu.memory_space<vmem>>)
        tpu.yield
      }) : () -> ()
      %scan3A_42 = arith.constant 0 : i32
      %scan3A_43 = arith.constant 0 : i32
      %scan3A_44 = arith.constant 2 : i32
      %scan3A_45 = arith.addi %scan3A_43, %scan3A_44 : i32
      %scan3A_46 = arith.constant 1 : i32
      scf.for %scan3A_48 = %scan3A_43 to %scan3A_45 step %scan3A_46  : i32 {
        %mul3A_49 = arith.constant 8 : i32
        %mul3A_50 = arith.muli %scan3A_48, %mul3A_49 : i32
        %add3A_51 = arith.constant 0 : i32
        %add3A_52 = arith.addi %mul3A_50, %add3A_51 : i32
        %get3A = arith.index_cast %add3A_52 : i32 to index
        %get3A_53 = arith.constant 0 : index
        %get3A_54 = tpu.vector_load %arg9[%get3A, %get3A_53] {strides = array<i32>} : memref<640x16xf32, #tpu.memory_space<vmem>>, vector<1x16xf32>,
        %get3A_55 = vector.shape_cast %get3A_54 : vector<1x16xf32> to vector<16xf32>
        %swap3A = arith.index_cast %scan3A_48 : i32 to index
        %swap3A_56 = arith.constant 0 : index
        %swap3A_57 = tpu.vector_load %arg10[%swap3A, %swap3A_56] {strides = array<i32>} : memref<80x128xf32, #tpu.memory_space<vmem>>, vector<1x16xf32>,
        %swap3A_58 = vector.shape_cast %swap3A_57 : vector<1x16xf32> to vector<16xf32>
        %swap3A_59 = vector.shape_cast %get3A_55 : vector<16xf32> to vector<1x16xf32>
        tpu.vector_store %arg10[%swap3A, %swap3A_56], %swap3A_59 {strides = array<i32>} : memref<80x128xf32, #tpu.memory_space<vmem>>, vector<1x16xf32>,
        %mul3A_60 = arith.constant 8 : i32
        %mul3A_61 = arith.muli %scan3A_48, %mul3A_60 : i32
        %add3A_62 = arith.constant 1 : i32
        %add3A_63 = arith.addi %mul3A_61, %add3A_62 : i32
        %get3A_64 = arith.index_cast %add3A_63 : i32 to index
        %get3A_65 = arith.constant 0 : index
        %get3A_66 = tpu.vector_load %arg9[%get3A_64, %get3A_65] {strides = array<i32>} : memref<640x16xf32, #tpu.memory_space<vmem>>, vector<1x16xf32>,
        %get3A_67 = vector.shape_cast %get3A_66 : vector<1x16xf32> to vector<16xf32>
        %swap3A_68 = arith.index_cast %scan3A_48 : i32 to index
        %swap3A_69 = arith.constant 16 : index
        %swap3A_70 = tpu.vector_load %arg10[%swap3A_68, %swap3A_69] {strides = array<i32>} : memref<80x128xf32, #tpu.memory_space<vmem>>, vector<1x16xf32>,
        %swap3A_71 = vector.shape_cast %swap3A_70 : vector<1x16xf32> to vector<16xf32>
        %swap3A_72 = vector.shape_cast %get3A_67 : vector<16xf32> to vector<1x16xf32>
        tpu.vector_store %arg10[%swap3A_68, %swap3A_69], %swap3A_72 {strides = array<i32>} : memref<80x128xf32, #tpu.memory_space<vmem>>, vector<1x16xf32>,
        %mul3A_73 = arith.constant 8 : i32
        %mul3A_74 = arith.muli %scan3A_48, %mul3A_73 : i32
        %add3A_75 = arith.constant 2 : i32
        %add3A_76 = arith.addi %mul3A_74, %add3A_75 : i32
        %get3A_77 = arith.index_cast %add3A_76 : i32 to index
        %get3A_78 = arith.constant 0 : index
        %get3A_79 = tpu.vector_load %arg9[%get3A_77, %get3A_78] {strides = array<i32>} : memref<640x16xf32, #tpu.memory_space<vmem>>, vector<1x16xf32>,
        %get3A_80 = vector.shape_cast %get3A_79 : vector<1x16xf32> to vector<16xf32>
        %swap3A_81 = arith.index_cast %scan3A_48 : i32 to index
        %swap3A_82 = arith.constant 32 : index
        %swap3A_83 = tpu.vector_load %arg10[%swap3A_81, %swap3A_82] {strides = array<i32>} : memref<80x128xf32, #tpu.memory_space<vmem>>, vector<1x16xf32>,
        %swap3A_84 = vector.shape_cast %swap3A_83 : vector<1x16xf32> to vector<16xf32>
        %swap3A_85 = vector.shape_cast %get3A_80 : vector<16xf32> to vector<1x16xf32>
        tpu.vector_store %arg10[%swap3A_81, %swap3A_82], %swap3A_85 {strides = array<i32>} : memref<80x128xf32, #tpu.memory_space<vmem>>, vector<1x16xf32>,
        %mul3A_86 = arith.constant 8 : i32
        %mul3A_87 = arith.muli %scan3A_48, %mul3A_86 : i32
        %add3A_88 = arith.constant 3 : i32
        %add3A_89 = arith.addi %mul3A_87, %add3A_88 : i32
        %get3A_90 = arith.index_cast %add3A_89 : i32 to index
        %get3A_91 = arith.constant 0 : index
        %get3A_92 = tpu.vector_load %arg9[%get3A_90, %get3A_91] {strides = array<i32>} : memref<640x16xf32, #tpu.memory_space<vmem>>, vector<1x16xf32>,
        %get3A_93 = vector.shape_cast %get3A_92 : vector<1x16xf32> to vector<16xf32>
        %swap3A_94 = arith.index_cast %scan3A_48 : i32 to index
        %swap3A_95 = arith.constant 48 : index
        %swap3A_96 = tpu.vector_load %arg10[%swap3A_94, %swap3A_95] {strides = array<i32>} : memref<80x128xf32, #tpu.memory_space<vmem>>, vector<1x16xf32>,
        %swap3A_97 = vector.shape_cast %swap3A_96 : vector<1x16xf32> to vector<16xf32>
        %swap3A_98 = vector.shape_cast %get3A_93 : vector<16xf32> to vector<1x16xf32>
        tpu.vector_store %arg10[%swap3A_94, %swap3A_95], %swap3A_98 {strides = array<i32>} : memref<80x128xf32, #tpu.memory_space<vmem>>, vector<1x16xf32>,
        %mul3A_99 = arith.constant 8 : i32
        %mul3A_100 = arith.muli %scan3A_48, %mul3A_99 : i32
        %add3A_101 = arith.constant 4 : i32
        %add3A_102 = arith.addi %mul3A_100, %add3A_101 : i32
        %get3A_103 = arith.index_cast %add3A_102 : i32 to index
        %get3A_104 = arith.constant 0 : index
        %get3A_105 = tpu.vector_load %arg9[%get3A_103, %get3A_104] {strides = array<i32>} : memref<640x16xf32, #tpu.memory_space<vmem>>, vector<1x16xf32>,
        %get3A_106 = vector.shape_cast %get3A_105 : vector<1x16xf32> to vector<16xf32>
        %swap3A_107 = arith.index_cast %scan3A_48 : i32 to index
        %swap3A_108 = arith.constant 64 : index
        %swap3A_109 = tpu.vector_load %arg10[%swap3A_107, %swap3A_108] {strides = array<i32>} : memref<80x128xf32, #tpu.memory_space<vmem>>, vector<1x16xf32>,
        %swap3A_110 = vector.shape_cast %swap3A_109 : vector<1x16xf32> to vector<16xf32>
        %swap3A_111 = vector.shape_cast %get3A_106 : vector<16xf32> to vector<1x16xf32>
        tpu.vector_store %arg10[%swap3A_107, %swap3A_108], %swap3A_111 {strides = array<i32>} : memref<80x128xf32, #tpu.memory_space<vmem>>, vector<1x16xf32>,
        %mul3A_112 = arith.constant 8 : i32
        %mul3A_113 = arith.muli %scan3A_48, %mul3A_112 : i32
        %add3A_114 = arith.constant 5 : i32
        %add3A_115 = arith.addi %mul3A_113, %add3A_114 : i32
        %get3A_116 = arith.index_cast %add3A_115 : i32 to index
        %get3A_117 = arith.constant 0 : index
        %get3A_118 = tpu.vector_load %arg9[%get3A_116, %get3A_117] {strides = array<i32>} : memref<640x16xf32, #tpu.memory_space<vmem>>, vector<1x16xf32>,
        %get3A_119 = vector.shape_cast %get3A_118 : vector<1x16xf32> to vector<16xf32>
        %swap3A_120 = arith.index_cast %scan3A_48 : i32 to index
        %swap3A_121 = arith.constant 80 : index
        %swap3A_122 = tpu.vector_load %arg10[%swap3A_120, %swap3A_121] {strides = array<i32>} : memref<80x128xf32, #tpu.memory_space<vmem>>, vector<1x16xf32>,
        %swap3A_123 = vector.shape_cast %swap3A_122 : vector<1x16xf32> to vector<16xf32>
        %swap3A_124 = vector.shape_cast %get3A_119 : vector<16xf32> to vector<1x16xf32>
        tpu.vector_store %arg10[%swap3A_120, %swap3A_121], %swap3A_124 {strides = array<i32>} : memref<80x128xf32, #tpu.memory_space<vmem>>, vector<1x16xf32>,
        %mul3A_125 = arith.constant 8 : i32
        %mul3A_126 = arith.muli %scan3A_48, %mul3A_125 : i32
        %add3A_127 = arith.constant 6 : i32
        %add3A_128 = arith.addi %mul3A_126, %add3A_127 : i32
        %get3A_129 = arith.index_cast %add3A_128 : i32 to index
        %get3A_130 = arith.constant 0 : index
        %get3A_131 = tpu.vector_load %arg9[%get3A_129, %get3A_130] {strides = array<i32>} : memref<640x16xf32, #tpu.memory_space<vmem>>, vector<1x16xf32>,
        %get3A_132 = vector.shape_cast %get3A_131 : vector<1x16xf32> to vector<16xf32>
        %swap3A_133 = arith.index_cast %scan3A_48 : i32 to index
        %swap3A_134 = arith.constant 96 : index
        %swap3A_135 = tpu.vector_load %arg10[%swap3A_133, %swap3A_134] {strides = array<i32>} : memref<80x128xf32, #tpu.memory_space<vmem>>, vector<1x16xf32>,
        %swap3A_136 = vector.shape_cast %swap3A_135 : vector<1x16xf32> to vector<16xf32>
        %swap3A_137 = vector.shape_cast %get3A_132 : vector<16xf32> to vector<1x16xf32>
        tpu.vector_store %arg10[%swap3A_133, %swap3A_134], %swap3A_137 {strides = array<i32>} : memref<80x128xf32, #tpu.memory_space<vmem>>, vector<1x16xf32>,
        %mul3A_138 = arith.constant 8 : i32
        %mul3A_139 = arith.muli %scan3A_48, %mul3A_138 : i32
        %add3A_140 = arith.constant 7 : i32
        %add3A_141 = arith.addi %mul3A_139, %add3A_140 : i32
        %get3A_142 = arith.index_cast %add3A_141 : i32 to index
        %get3A_143 = arith.constant 0 : index
        %get3A_144 = tpu.vector_load %arg9[%get3A_142, %get3A_143] {strides = array<i32>} : memref<640x16xf32, #tpu.memory_space<vmem>>, vector<1x16xf32>,
        %get3A_145 = vector.shape_cast %get3A_144 : vector<1x16xf32> to vector<16xf32>
        %swap3A_146 = arith.index_cast %scan3A_48 : i32 to index
        %swap3A_147 = arith.constant 112 : index
        %swap3A_148 = tpu.vector_load %arg10[%swap3A_146, %swap3A_147] {strides = array<i32>} : memref<80x128xf32, #tpu.memory_space<vmem>>, vector<1x16xf32>,
        %swap3A_149 = vector.shape_cast %swap3A_148 : vector<1x16xf32> to vector<16xf32>
        %swap3A_150 = vector.shape_cast %get3A_145 : vector<16xf32> to vector<1x16xf32>
        tpu.vector_store %arg10[%swap3A_146, %swap3A_147], %swap3A_150 {strides = array<i32>} : memref<80x128xf32, #tpu.memory_space<vmem>>, vector<1x16xf32>,
      }
      %scan3A_47 = arith.constant 2 : i32
      "tpu.region"() ({
        %run_scoped3A = tpu.sem_alloc : memref<!tpu.dma_semaphore, #tpu.memory_space<semaphore_mem>>
        %dma_start3A = arith.constant 0 : i32
        %dma_start3A_48 = arith.constant 0 : i32
        %dma_start3A_49 = tpu.memref_slice %arg10[%dma_start3A, %dma_start3A_48] : memref<80x128xf32, #tpu.memory_space<vmem>> -> memref<2x128xf32, #tpu.memory_space<vmem>>
        %dma_start3A_50 = arith.constant 1248 : i32
        %dma_start3A_51 = arith.constant 0 : i32
        %dma_start3A_52 = tpu.memref_slice %arg5[%arg0, %dma_start3A_50, %dma_start3A_51] : memref<2x1280x128xf32, #tpu.memory_space<hbm>> -> memref<1x2x128xf32, #tpu.memory_space<hbm>>
        %dma_start3A_53 = tpu.memref_squeeze %dma_start3A_52 : memref<1x2x128xf32, #tpu.memory_space<hbm>> -> memref<2x128xf32, #tpu.memory_space<hbm>>
        %dma_start3A_54 = arith.constant 1248 : i32
        %dma_start3A_55 = arith.constant 0 : i32
        %dma_start3A_56 = tpu.memref_slice %arg5[%arg0, %dma_start3A_54, %dma_start3A_55] : memref<2x1280x128xf32, #tpu.memory_space<hbm>> -> memref<1x2x128xf32, #tpu.memory_space<hbm>>
        %dma_start3A_57 = tpu.memref_squeeze %dma_start3A_56 : memref<1x2x128xf32, #tpu.memory_space<hbm>> -> memref<2x128xf32, #tpu.memory_space<hbm>>
        %dma_start3A_58 = arith.constant 0 : i32
        %dma_start3A_59 = arith.constant 0 : i32
        %dma_start3A_60 = tpu.memref_slice %arg10[%dma_start3A_58, %dma_start3A_59] : memref<80x128xf32, #tpu.memory_space<vmem>> -> memref<2x128xf32, #tpu.memory_space<vmem>>
        tpu.enqueue_dma source(%dma_start3A_60 : memref<2x128xf32, #tpu.memory_space<vmem>>) target(%dma_start3A_57 : memref<2x128xf32, #tpu.memory_space<hbm>>) target_semaphore(%run_scoped3A : memref<!tpu.dma_semaphore, #tpu.memory_space<semaphore_mem>>)
        %dma_wait3A = arith.constant 0 : i32
        %dma_wait3A_61 = arith.constant 0 : i32
        %dma_wait3A_62 = tpu.memref_slice %arg10[%dma_wait3A, %dma_wait3A_61] : memref<80x128xf32, #tpu.memory_space<vmem>> -> memref<2x128xf32, #tpu.memory_space<vmem>>
        %dma_wait3A_63 = arith.constant 1248 : i32
        %dma_wait3A_64 = arith.constant 0 : i32
        %dma_wait3A_65 = tpu.memref_slice %arg5[%arg0, %dma_wait3A_63, %dma_wait3A_64] : memref<2x1280x128xf32, #tpu.memory_space<hbm>> -> memref<1x2x128xf32, #tpu.memory_space<hbm>>
        %dma_wait3A_66 = tpu.memref_squeeze %dma_wait3A_65 : memref<1x2x128xf32, #tpu.memory_space<hbm>> -> memref<2x128xf32, #tpu.memory_space<hbm>>
        %dma_wait3A_67 = arith.constant 1248 : i32
        %dma_wait3A_68 = arith.constant 0 : i32
        %dma_wait3A_69 = tpu.memref_slice %arg5[%arg0, %dma_wait3A_67, %dma_wait3A_68] : memref<2x1280x128xf32, #tpu.memory_space<hbm>> -> memref<1x2x128xf32, #tpu.memory_space<hbm>>
        %dma_wait3A_70 = tpu.memref_squeeze %dma_wait3A_69 : memref<1x2x128xf32, #tpu.memory_space<hbm>> -> memref<2x128xf32, #tpu.memory_space<hbm>>
        %dma_wait3A_71 = arith.constant 0 : i32
        %dma_wait3A_72 = arith.constant 0 : i32
        %dma_wait3A_73 = tpu.memref_slice %arg10[%dma_wait3A_71, %dma_wait3A_72] : memref<80x128xf32, #tpu.memory_space<vmem>> -> memref<2x128xf32, #tpu.memory_space<vmem>>
        tpu.wait_dma2 semaphore(%run_scoped3A : memref<!tpu.dma_semaphore, #tpu.memory_space<semaphore_mem>>) src(%dma_wait3A_73 : memref<2x128xf32, #tpu.memory_space<vmem>>) dst(%dma_wait3A_70 : memref<2x128xf32, #tpu.memory_space<hbm>>)
        tpu.yield
      }) : () -> ()
    } else {
    }
    return
  }
}

#map = affine_map<(d0, d1) -> (0, 0)>
#map1 = affine_map<(d0, d1) -> (0)>
#map2 = affine_map<(d0, d1) -> (0, 0, 0)>
module attributes {stable_mosaic.version = 14 : i64} {
  func.func @k(%arg0: i32, %arg1: i32, %arg2: memref<10000x16xf32, #tpu.memory_space<hbm>>, %arg3: memref<640000xi32, #tpu.memory_space<hbm>>, %arg4: memref<160x250x128xf32, #tpu.memory_space<hbm>>, %arg5: memref<2000xi32, #tpu.memory_space<vmem>>, %arg6: memref<2000x16xf32, #tpu.memory_space<vmem>>, %arg7: memref<250x128xf32, #tpu.memory_space<vmem>>, %arg8: memref<!tpu.dma_semaphore, #tpu.memory_space<semaphore_mem>>) attributes {dimension_semantics = [#tpu.dimension_semantics<core_parallel>, #tpu.dimension_semantics<subcore_parallel>], iteration_bounds = array<i64: 2, 16>, scalar_prefetch = 0 : i64, scratch_operands = 4 : i64, tpu.core_type = #tpu.core_type<sc_vector_subcore>, window_params = [{transform_indices = #map}, {transform_indices = #map1}, {transform_indices = #map2}]} {
    %mul3A = arith.constant 2 : i32
    %mul3A_0 = arith.muli %arg1, %mul3A : i32
    %add3A = arith.addi %mul3A_0, %arg0 : i32
    %mul3A_1 = arith.constant 10000 : i32
    %mul3A_2 = arith.muli %add3A, %mul3A_1 : i32
    %scan3A = arith.constant 0 : i32
    %scan3A_3 = arith.constant 0 : i32
    %scan3A_4 = arith.constant 5 : i32
    %scan3A_5 = arith.addi %scan3A_3, %scan3A_4 : i32
    %scan3A_6 = arith.constant 1 : i32
    scf.for %scan3A_8 = %scan3A_3 to %scan3A_5 step %scan3A_6  : i32 {
      %mul3A_9 = arith.constant 2000 : i32
      %mul3A_10 = arith.muli %scan3A_8, %mul3A_9 : i32
      %add3A_11 = arith.addi %mul3A_2, %mul3A_10 : i32
      %add3A_12 = arith.constant 320000 : i32
      %add3A_13 = arith.addi %add3A_12, %add3A_11 : i32
      "tpu.region"() ({
        %run_scoped3A = tpu.sem_alloc : memref<!tpu.dma_semaphore, #tpu.memory_space<semaphore_mem>>
        %dma_start3A_40 = tpu.memref_slice %arg3[%add3A_13] : memref<640000xi32, #tpu.memory_space<hbm>> -> memref<2000xi32, #tpu.memory_space<hbm>>
        %dma_start3A_41 = tpu.memref_slice %arg3[%add3A_13] : memref<640000xi32, #tpu.memory_space<hbm>> -> memref<2000xi32, #tpu.memory_space<hbm>>
        tpu.enqueue_dma source(%dma_start3A_41 : memref<2000xi32, #tpu.memory_space<hbm>>) target(%arg5 : memref<2000xi32, #tpu.memory_space<vmem>>) target_semaphore(%run_scoped3A : memref<!tpu.dma_semaphore, #tpu.memory_space<semaphore_mem>>)
        %dma_wait3A_42 = tpu.memref_slice %arg3[%add3A_13] : memref<640000xi32, #tpu.memory_space<hbm>> -> memref<2000xi32, #tpu.memory_space<hbm>>
        %dma_wait3A_43 = tpu.memref_slice %arg3[%add3A_13] : memref<640000xi32, #tpu.memory_space<hbm>> -> memref<2000xi32, #tpu.memory_space<hbm>>
        tpu.wait_dma2 semaphore(%run_scoped3A : memref<!tpu.dma_semaphore, #tpu.memory_space<semaphore_mem>>) src(%dma_wait3A_43 : memref<2000xi32, #tpu.memory_space<hbm>>) dst(%arg5 : memref<2000xi32, #tpu.memory_space<vmem>>)
        tpu.yield
      }) : () -> ()
      %dma_start3A = arith.constant 0 : i32
      %dma_start3A_14 = arith.constant 0 : i32
      %dma_start3A_15 = tpu.memref_slice %arg2[%dma_start3A, %dma_start3A_14] : memref<10000x16xf32, #tpu.memory_space<hbm>> -> memref<10000x16xf32, #tpu.memory_space<hbm>>
      tpu.enqueue_indirect_dma source(%dma_start3A_15 : memref<10000x16xf32, #tpu.memory_space<hbm>>) target(%arg6 : memref<2000x16xf32, #tpu.memory_space<vmem>>) offsets(%arg5 : memref<2000xi32, #tpu.memory_space<vmem>>) semaphore(%arg8 : memref<!tpu.dma_semaphore, #tpu.memory_space<semaphore_mem>>)
      %dma_wait3A = arith.constant 0 : i32
      %dma_wait3A_16 = arith.constant 0 : i32
      %dma_wait3A_17 = tpu.memref_slice %arg2[%dma_wait3A, %dma_wait3A_16] : memref<10000x16xf32, #tpu.memory_space<hbm>> -> memref<10000x16xf32, #tpu.memory_space<hbm>>
      tpu.wait_indirect_dma semaphore(%arg8 : memref<!tpu.dma_semaphore, #tpu.memory_space<semaphore_mem>>) src(%dma_wait3A_17 : memref<10000x16xf32, #tpu.memory_space<hbm>>) dst(%arg6 : memref<2000x16xf32, #tpu.memory_space<vmem>>)
      %scan3A_18 = arith.constant 0 : i32
      %scan3A_19 = arith.constant 0 : i32
      %scan3A_20 = arith.constant 250 : i32
      %scan3A_21 = arith.addi %scan3A_19, %scan3A_20 : i32
      %scan3A_22 = arith.constant 1 : i32
      scf.for %scan3A_40 = %scan3A_19 to %scan3A_21 step %scan3A_22  : i32 {
        %add3A_41 = arith.constant 0 : i32
        %add3A_42 = arith.addi %add3A_41, %scan3A_40 : i32
        %get3A = arith.index_cast %add3A_42 : i32 to index
        %get3A_43 = arith.constant 0 : index
        %get3A_44 = tpu.vector_load %arg6[%get3A, %get3A_43] {strides = array<i32>} : memref<2000x16xf32, #tpu.memory_space<vmem>>, vector<1x16xf32>,
        %get3A_45 = vector.shape_cast %get3A_44 : vector<1x16xf32> to vector<16xf32>
        %swap3A = arith.index_cast %scan3A_40 : i32 to index
        %swap3A_46 = arith.constant 0 : index
        %swap3A_47 = tpu.vector_load %arg7[%swap3A, %swap3A_46] {strides = array<i32>} : memref<250x128xf32, #tpu.memory_space<vmem>>, vector<1x16xf32>,
        %swap3A_48 = vector.shape_cast %swap3A_47 : vector<1x16xf32> to vector<16xf32>
        %swap3A_49 = vector.shape_cast %get3A_45 : vector<16xf32> to vector<1x16xf32>
        tpu.vector_store %arg7[%swap3A, %swap3A_46], %swap3A_49 {strides = array<i32>} : memref<250x128xf32, #tpu.memory_space<vmem>>, vector<1x16xf32>,
        %add3A_50 = arith.constant 250 : i32
        %add3A_51 = arith.addi %add3A_50, %scan3A_40 : i32
        %get3A_52 = arith.index_cast %add3A_51 : i32 to index
        %get3A_53 = arith.constant 0 : index
        %get3A_54 = tpu.vector_load %arg6[%get3A_52, %get3A_53] {strides = array<i32>} : memref<2000x16xf32, #tpu.memory_space<vmem>>, vector<1x16xf32>,
        %get3A_55 = vector.shape_cast %get3A_54 : vector<1x16xf32> to vector<16xf32>
        %swap3A_56 = arith.index_cast %scan3A_40 : i32 to index
        %swap3A_57 = arith.constant 16 : index
        %swap3A_58 = tpu.vector_load %arg7[%swap3A_56, %swap3A_57] {strides = array<i32>} : memref<250x128xf32, #tpu.memory_space<vmem>>, vector<1x16xf32>,
        %swap3A_59 = vector.shape_cast %swap3A_58 : vector<1x16xf32> to vector<16xf32>
        %swap3A_60 = vector.shape_cast %get3A_55 : vector<16xf32> to vector<1x16xf32>
        tpu.vector_store %arg7[%swap3A_56, %swap3A_57], %swap3A_60 {strides = array<i32>} : memref<250x128xf32, #tpu.memory_space<vmem>>, vector<1x16xf32>,
        %add3A_61 = arith.constant 500 : i32
        %add3A_62 = arith.addi %add3A_61, %scan3A_40 : i32
        %get3A_63 = arith.index_cast %add3A_62 : i32 to index
        %get3A_64 = arith.constant 0 : index
        %get3A_65 = tpu.vector_load %arg6[%get3A_63, %get3A_64] {strides = array<i32>} : memref<2000x16xf32, #tpu.memory_space<vmem>>, vector<1x16xf32>,
        %get3A_66 = vector.shape_cast %get3A_65 : vector<1x16xf32> to vector<16xf32>
        %swap3A_67 = arith.index_cast %scan3A_40 : i32 to index
        %swap3A_68 = arith.constant 32 : index
        %swap3A_69 = tpu.vector_load %arg7[%swap3A_67, %swap3A_68] {strides = array<i32>} : memref<250x128xf32, #tpu.memory_space<vmem>>, vector<1x16xf32>,
        %swap3A_70 = vector.shape_cast %swap3A_69 : vector<1x16xf32> to vector<16xf32>
        %swap3A_71 = vector.shape_cast %get3A_66 : vector<16xf32> to vector<1x16xf32>
        tpu.vector_store %arg7[%swap3A_67, %swap3A_68], %swap3A_71 {strides = array<i32>} : memref<250x128xf32, #tpu.memory_space<vmem>>, vector<1x16xf32>,
        %add3A_72 = arith.constant 750 : i32
        %add3A_73 = arith.addi %add3A_72, %scan3A_40 : i32
        %get3A_74 = arith.index_cast %add3A_73 : i32 to index
        %get3A_75 = arith.constant 0 : index
        %get3A_76 = tpu.vector_load %arg6[%get3A_74, %get3A_75] {strides = array<i32>} : memref<2000x16xf32, #tpu.memory_space<vmem>>, vector<1x16xf32>,
        %get3A_77 = vector.shape_cast %get3A_76 : vector<1x16xf32> to vector<16xf32>
        %swap3A_78 = arith.index_cast %scan3A_40 : i32 to index
        %swap3A_79 = arith.constant 48 : index
        %swap3A_80 = tpu.vector_load %arg7[%swap3A_78, %swap3A_79] {strides = array<i32>} : memref<250x128xf32, #tpu.memory_space<vmem>>, vector<1x16xf32>,
        %swap3A_81 = vector.shape_cast %swap3A_80 : vector<1x16xf32> to vector<16xf32>
        %swap3A_82 = vector.shape_cast %get3A_77 : vector<16xf32> to vector<1x16xf32>
        tpu.vector_store %arg7[%swap3A_78, %swap3A_79], %swap3A_82 {strides = array<i32>} : memref<250x128xf32, #tpu.memory_space<vmem>>, vector<1x16xf32>,
        %add3A_83 = arith.constant 1000 : i32
        %add3A_84 = arith.addi %add3A_83, %scan3A_40 : i32
        %get3A_85 = arith.index_cast %add3A_84 : i32 to index
        %get3A_86 = arith.constant 0 : index
        %get3A_87 = tpu.vector_load %arg6[%get3A_85, %get3A_86] {strides = array<i32>} : memref<2000x16xf32, #tpu.memory_space<vmem>>, vector<1x16xf32>,
        %get3A_88 = vector.shape_cast %get3A_87 : vector<1x16xf32> to vector<16xf32>
        %swap3A_89 = arith.index_cast %scan3A_40 : i32 to index
        %swap3A_90 = arith.constant 64 : index
        %swap3A_91 = tpu.vector_load %arg7[%swap3A_89, %swap3A_90] {strides = array<i32>} : memref<250x128xf32, #tpu.memory_space<vmem>>, vector<1x16xf32>,
        %swap3A_92 = vector.shape_cast %swap3A_91 : vector<1x16xf32> to vector<16xf32>
        %swap3A_93 = vector.shape_cast %get3A_88 : vector<16xf32> to vector<1x16xf32>
        tpu.vector_store %arg7[%swap3A_89, %swap3A_90], %swap3A_93 {strides = array<i32>} : memref<250x128xf32, #tpu.memory_space<vmem>>, vector<1x16xf32>,
        %add3A_94 = arith.constant 1250 : i32
        %add3A_95 = arith.addi %add3A_94, %scan3A_40 : i32
        %get3A_96 = arith.index_cast %add3A_95 : i32 to index
        %get3A_97 = arith.constant 0 : index
        %get3A_98 = tpu.vector_load %arg6[%get3A_96, %get3A_97] {strides = array<i32>} : memref<2000x16xf32, #tpu.memory_space<vmem>>, vector<1x16xf32>,
        %get3A_99 = vector.shape_cast %get3A_98 : vector<1x16xf32> to vector<16xf32>
        %swap3A_100 = arith.index_cast %scan3A_40 : i32 to index
        %swap3A_101 = arith.constant 80 : index
        %swap3A_102 = tpu.vector_load %arg7[%swap3A_100, %swap3A_101] {strides = array<i32>} : memref<250x128xf32, #tpu.memory_space<vmem>>, vector<1x16xf32>,
        %swap3A_103 = vector.shape_cast %swap3A_102 : vector<1x16xf32> to vector<16xf32>
        %swap3A_104 = vector.shape_cast %get3A_99 : vector<16xf32> to vector<1x16xf32>
        tpu.vector_store %arg7[%swap3A_100, %swap3A_101], %swap3A_104 {strides = array<i32>} : memref<250x128xf32, #tpu.memory_space<vmem>>, vector<1x16xf32>,
        %add3A_105 = arith.constant 1500 : i32
        %add3A_106 = arith.addi %add3A_105, %scan3A_40 : i32
        %get3A_107 = arith.index_cast %add3A_106 : i32 to index
        %get3A_108 = arith.constant 0 : index
        %get3A_109 = tpu.vector_load %arg6[%get3A_107, %get3A_108] {strides = array<i32>} : memref<2000x16xf32, #tpu.memory_space<vmem>>, vector<1x16xf32>,
        %get3A_110 = vector.shape_cast %get3A_109 : vector<1x16xf32> to vector<16xf32>
        %swap3A_111 = arith.index_cast %scan3A_40 : i32 to index
        %swap3A_112 = arith.constant 96 : index
        %swap3A_113 = tpu.vector_load %arg7[%swap3A_111, %swap3A_112] {strides = array<i32>} : memref<250x128xf32, #tpu.memory_space<vmem>>, vector<1x16xf32>,
        %swap3A_114 = vector.shape_cast %swap3A_113 : vector<1x16xf32> to vector<16xf32>
        %swap3A_115 = vector.shape_cast %get3A_110 : vector<16xf32> to vector<1x16xf32>
        tpu.vector_store %arg7[%swap3A_111, %swap3A_112], %swap3A_115 {strides = array<i32>} : memref<250x128xf32, #tpu.memory_space<vmem>>, vector<1x16xf32>,
        %add3A_116 = arith.constant 1750 : i32
        %add3A_117 = arith.addi %add3A_116, %scan3A_40 : i32
        %get3A_118 = arith.index_cast %add3A_117 : i32 to index
        %get3A_119 = arith.constant 0 : index
        %get3A_120 = tpu.vector_load %arg6[%get3A_118, %get3A_119] {strides = array<i32>} : memref<2000x16xf32, #tpu.memory_space<vmem>>, vector<1x16xf32>,
        %get3A_121 = vector.shape_cast %get3A_120 : vector<1x16xf32> to vector<16xf32>
        %swap3A_122 = arith.index_cast %scan3A_40 : i32 to index
        %swap3A_123 = arith.constant 112 : index
        %swap3A_124 = tpu.vector_load %arg7[%swap3A_122, %swap3A_123] {strides = array<i32>} : memref<250x128xf32, #tpu.memory_space<vmem>>, vector<1x16xf32>,
        %swap3A_125 = vector.shape_cast %swap3A_124 : vector<1x16xf32> to vector<16xf32>
        %swap3A_126 = vector.shape_cast %get3A_121 : vector<16xf32> to vector<1x16xf32>
        tpu.vector_store %arg7[%swap3A_122, %swap3A_123], %swap3A_126 {strides = array<i32>} : memref<250x128xf32, #tpu.memory_space<vmem>>, vector<1x16xf32>,
      }
      %scan3A_23 = arith.constant 250 : i32
      %jit3A = arith.constant 2000 : i32
      %div3A = arith.divsi %add3A_11, %jit3A : i32
      %sign3A = arith.constant 0 : i32
      %sign3A_24 = arith.cmpi sgt, %add3A_11, %sign3A : i32
      %sign3A_25 = arith.extui %sign3A_24 : i1 to i32
      %sign3A_26 = arith.constant 0 : i32
      %sign3A_27 = arith.cmpi slt, %add3A_11, %sign3A_26 : i32
      %sign3A_28 = arith.extui %sign3A_27 : i1 to i32
      %sign3A_29 = arith.subi %sign3A_25, %sign3A_28 : i32
      %sign3A_30 = arith.constant 0 : i32
      %sign3A_31 = arith.cmpi sgt, %jit3A, %sign3A_30 : i32
      %sign3A_32 = arith.extui %sign3A_31 : i1 to i32
      %sign3A_33 = arith.constant 0 : i32
      %sign3A_34 = arith.cmpi slt, %jit3A, %sign3A_33 : i32
      %sign3A_35 = arith.extui %sign3A_34 : i1 to i32
      %sign3A_36 = arith.subi %sign3A_32, %sign3A_35 : i32
      %ne3A = arith.cmpi ne, %sign3A_29, %sign3A_36 : i32
      %rem3A = arith.remsi %add3A_11, %jit3A : i32
      %ne3A_37 = arith.constant 0 : i32
      %ne3A_38 = arith.cmpi ne, %rem3A, %ne3A_37 : i32
      %and3A = arith.andi %ne3A, %ne3A_38 : i1
      %sub3A = arith.constant 1 : i32
      %sub3A_39 = arith.subi %div3A, %sub3A : i32
      %select_n3A = arith.select %and3A, %sub3A_39, %div3A : i32
      "tpu.region"() ({
        %run_scoped3A = tpu.sem_alloc : memref<!tpu.dma_semaphore, #tpu.memory_space<semaphore_mem>>
        %dma_start3A_40 = arith.constant 0 : i32
        %dma_start3A_41 = arith.constant 0 : i32
        %dma_start3A_42 = tpu.memref_slice %arg4[%select_n3A, %dma_start3A_40, %dma_start3A_41] : memref<160x250x128xf32, #tpu.memory_space<hbm>> -> memref<1x250x128xf32, #tpu.memory_space<hbm>>
        %dma_start3A_43 = tpu.memref_squeeze %dma_start3A_42 : memref<1x250x128xf32, #tpu.memory_space<hbm>> -> memref<250x128xf32, #tpu.memory_space<hbm>>
        %dma_start3A_44 = arith.constant 0 : i32
        %dma_start3A_45 = arith.constant 0 : i32
        %dma_start3A_46 = tpu.memref_slice %arg4[%select_n3A, %dma_start3A_44, %dma_start3A_45] : memref<160x250x128xf32, #tpu.memory_space<hbm>> -> memref<1x250x128xf32, #tpu.memory_space<hbm>>
        %dma_start3A_47 = tpu.memref_squeeze %dma_start3A_46 : memref<1x250x128xf32, #tpu.memory_space<hbm>> -> memref<250x128xf32, #tpu.memory_space<hbm>>
        tpu.enqueue_dma source(%arg7 : memref<250x128xf32, #tpu.memory_space<vmem>>) target(%dma_start3A_47 : memref<250x128xf32, #tpu.memory_space<hbm>>) target_semaphore(%run_scoped3A : memref<!tpu.dma_semaphore, #tpu.memory_space<semaphore_mem>>)
        %dma_wait3A_48 = arith.constant 0 : i32
        %dma_wait3A_49 = arith.constant 0 : i32
        %dma_wait3A_50 = tpu.memref_slice %arg4[%select_n3A, %dma_wait3A_48, %dma_wait3A_49] : memref<160x250x128xf32, #tpu.memory_space<hbm>> -> memref<1x250x128xf32, #tpu.memory_space<hbm>>
        %dma_wait3A_51 = tpu.memref_squeeze %dma_wait3A_50 : memref<1x250x128xf32, #tpu.memory_space<hbm>> -> memref<250x128xf32, #tpu.memory_space<hbm>>
        %dma_wait3A_52 = arith.constant 0 : i32
        %dma_wait3A_53 = arith.constant 0 : i32
        %dma_wait3A_54 = tpu.memref_slice %arg4[%select_n3A, %dma_wait3A_52, %dma_wait3A_53] : memref<160x250x128xf32, #tpu.memory_space<hbm>> -> memref<1x250x128xf32, #tpu.memory_space<hbm>>
        %dma_wait3A_55 = tpu.memref_squeeze %dma_wait3A_54 : memref<1x250x128xf32, #tpu.memory_space<hbm>> -> memref<250x128xf32, #tpu.memory_space<hbm>>
        tpu.wait_dma2 semaphore(%run_scoped3A : memref<!tpu.dma_semaphore, #tpu.memory_space<semaphore_mem>>) src(%arg7 : memref<250x128xf32, #tpu.memory_space<vmem>>) dst(%dma_wait3A_55 : memref<250x128xf32, #tpu.memory_space<hbm>>)
        tpu.yield
      }) : () -> ()
    }
    %scan3A_7 = arith.constant 5 : i32
    return
  }
}

#map = affine_map<(d0, d1) -> (0, 0)>
#map1 = affine_map<(d0, d1) -> (0)>
#map2 = affine_map<(d0, d1) -> (0, 0, 0)>
module attributes {stable_mosaic.version = 14 : i64} {
  func.func @k(%arg0: i32, %arg1: i32, %arg2: memref<10000x16xf32, #tpu.memory_space<hbm>>, %arg3: memref<640000xi32, #tpu.memory_space<hbm>>, %arg4: memref<160x250x128xf32, #tpu.memory_space<hbm>>, %arg5: memref<2000xi32, #tpu.memory_space<vmem>>, %arg6: memref<2000x16xf32, #tpu.memory_space<vmem>>, %arg7: memref<250x128xf32, #tpu.memory_space<vmem>>, %arg8: memref<!tpu.dma_semaphore, #tpu.memory_space<semaphore_mem>>) attributes {dimension_semantics = [#tpu.dimension_semantics<core_parallel>, #tpu.dimension_semantics<subcore_parallel>], iteration_bounds = array<i64: 2, 16>, scalar_prefetch = 0 : i64, scratch_operands = 4 : i64, tpu.core_type = #tpu.core_type<sc_vector_subcore>, window_params = [{transform_indices = #map}, {transform_indices = #map1}, {transform_indices = #map2}]} {
    %mul3A = arith.constant 2 : i32
    %mul3A_0 = arith.muli %arg1, %mul3A : i32
    %add3A = arith.addi %mul3A_0, %arg0 : i32
    %mul3A_1 = arith.constant 10000 : i32
    %mul3A_2 = arith.muli %add3A, %mul3A_1 : i32
    %scan3A = arith.constant 0 : i32
    %scan3A_3 = arith.constant 0 : i32
    %scan3A_4 = arith.constant 5 : i32
    %scan3A_5 = arith.addi %scan3A_3, %scan3A_4 : i32
    %scan3A_6 = arith.constant 1 : i32
    scf.for %scan3A_8 = %scan3A_3 to %scan3A_5 step %scan3A_6  : i32 {
      %mul3A_9 = arith.constant 2000 : i32
      %mul3A_10 = arith.muli %scan3A_8, %mul3A_9 : i32
      %add3A_11 = arith.addi %mul3A_2, %mul3A_10 : i32
      %add3A_12 = arith.constant 0 : i32
      %add3A_13 = arith.addi %add3A_12, %add3A_11 : i32
      "tpu.region"() ({
        %run_scoped3A = tpu.sem_alloc : memref<!tpu.dma_semaphore, #tpu.memory_space<semaphore_mem>>
        %dma_start3A_40 = tpu.memref_slice %arg3[%add3A_13] : memref<640000xi32, #tpu.memory_space<hbm>> -> memref<2000xi32, #tpu.memory_space<hbm>>
        %dma_start3A_41 = tpu.memref_slice %arg3[%add3A_13] : memref<640000xi32, #tpu.memory_space<hbm>> -> memref<2000xi32, #tpu.memory_space<hbm>>
        tpu.enqueue_dma source(%dma_start3A_41 : memref<2000xi32, #tpu.memory_space<hbm>>) target(%arg5 : memref<2000xi32, #tpu.memory_space<vmem>>) target_semaphore(%run_scoped3A : memref<!tpu.dma_semaphore, #tpu.memory_space<semaphore_mem>>)
        %dma_wait3A_42 = tpu.memref_slice %arg3[%add3A_13] : memref<640000xi32, #tpu.memory_space<hbm>> -> memref<2000xi32, #tpu.memory_space<hbm>>
        %dma_wait3A_43 = tpu.memref_slice %arg3[%add3A_13] : memref<640000xi32, #tpu.memory_space<hbm>> -> memref<2000xi32, #tpu.memory_space<hbm>>
        tpu.wait_dma2 semaphore(%run_scoped3A : memref<!tpu.dma_semaphore, #tpu.memory_space<semaphore_mem>>) src(%dma_wait3A_43 : memref<2000xi32, #tpu.memory_space<hbm>>) dst(%arg5 : memref<2000xi32, #tpu.memory_space<vmem>>)
        tpu.yield
      }) : () -> ()
      %dma_start3A = arith.constant 0 : i32
      %dma_start3A_14 = arith.constant 0 : i32
      %dma_start3A_15 = tpu.memref_slice %arg2[%dma_start3A, %dma_start3A_14] : memref<10000x16xf32, #tpu.memory_space<hbm>> -> memref<10000x16xf32, #tpu.memory_space<hbm>>
      tpu.enqueue_indirect_dma source(%dma_start3A_15 : memref<10000x16xf32, #tpu.memory_space<hbm>>) target(%arg6 : memref<2000x16xf32, #tpu.memory_space<vmem>>) offsets(%arg5 : memref<2000xi32, #tpu.memory_space<vmem>>) semaphore(%arg8 : memref<!tpu.dma_semaphore, #tpu.memory_space<semaphore_mem>>)
      %dma_wait3A = arith.constant 0 : i32
      %dma_wait3A_16 = arith.constant 0 : i32
      %dma_wait3A_17 = tpu.memref_slice %arg2[%dma_wait3A, %dma_wait3A_16] : memref<10000x16xf32, #tpu.memory_space<hbm>> -> memref<10000x16xf32, #tpu.memory_space<hbm>>
      tpu.wait_indirect_dma semaphore(%arg8 : memref<!tpu.dma_semaphore, #tpu.memory_space<semaphore_mem>>) src(%dma_wait3A_17 : memref<10000x16xf32, #tpu.memory_space<hbm>>) dst(%arg6 : memref<2000x16xf32, #tpu.memory_space<vmem>>)
      %scan3A_18 = arith.constant 0 : i32
      %scan3A_19 = arith.constant 0 : i32
      %scan3A_20 = arith.constant 250 : i32
      %scan3A_21 = arith.addi %scan3A_19, %scan3A_20 : i32
      %scan3A_22 = arith.constant 1 : i32
      scf.for %scan3A_40 = %scan3A_19 to %scan3A_21 step %scan3A_22  : i32 {
        %add3A_41 = arith.constant 0 : i32
        %add3A_42 = arith.addi %add3A_41, %scan3A_40 : i32
        %get3A = arith.index_cast %add3A_42 : i32 to index
        %get3A_43 = arith.constant 0 : index
        %get3A_44 = tpu.vector_load %arg6[%get3A, %get3A_43] {strides = array<i32>} : memref<2000x16xf32, #tpu.memory_space<vmem>>, vector<1x16xf32>,
        %get3A_45 = vector.shape_cast %get3A_44 : vector<1x16xf32> to vector<16xf32>
        %swap3A = arith.index_cast %scan3A_40 : i32 to index
        %swap3A_46 = arith.constant 0 : index
        %swap3A_47 = tpu.vector_load %arg7[%swap3A, %swap3A_46] {strides = array<i32>} : memref<250x128xf32, #tpu.memory_space<vmem>>, vector<1x16xf32>,
        %swap3A_48 = vector.shape_cast %swap3A_47 : vector<1x16xf32> to vector<16xf32>
        %swap3A_49 = vector.shape_cast %get3A_45 : vector<16xf32> to vector<1x16xf32>
        tpu.vector_store %arg7[%swap3A, %swap3A_46], %swap3A_49 {strides = array<i32>} : memref<250x128xf32, #tpu.memory_space<vmem>>, vector<1x16xf32>,
        %add3A_50 = arith.constant 250 : i32
        %add3A_51 = arith.addi %add3A_50, %scan3A_40 : i32
        %get3A_52 = arith.index_cast %add3A_51 : i32 to index
        %get3A_53 = arith.constant 0 : index
        %get3A_54 = tpu.vector_load %arg6[%get3A_52, %get3A_53] {strides = array<i32>} : memref<2000x16xf32, #tpu.memory_space<vmem>>, vector<1x16xf32>,
        %get3A_55 = vector.shape_cast %get3A_54 : vector<1x16xf32> to vector<16xf32>
        %swap3A_56 = arith.index_cast %scan3A_40 : i32 to index
        %swap3A_57 = arith.constant 16 : index
        %swap3A_58 = tpu.vector_load %arg7[%swap3A_56, %swap3A_57] {strides = array<i32>} : memref<250x128xf32, #tpu.memory_space<vmem>>, vector<1x16xf32>,
        %swap3A_59 = vector.shape_cast %swap3A_58 : vector<1x16xf32> to vector<16xf32>
        %swap3A_60 = vector.shape_cast %get3A_55 : vector<16xf32> to vector<1x16xf32>
        tpu.vector_store %arg7[%swap3A_56, %swap3A_57], %swap3A_60 {strides = array<i32>} : memref<250x128xf32, #tpu.memory_space<vmem>>, vector<1x16xf32>,
        %add3A_61 = arith.constant 500 : i32
        %add3A_62 = arith.addi %add3A_61, %scan3A_40 : i32
        %get3A_63 = arith.index_cast %add3A_62 : i32 to index
        %get3A_64 = arith.constant 0 : index
        %get3A_65 = tpu.vector_load %arg6[%get3A_63, %get3A_64] {strides = array<i32>} : memref<2000x16xf32, #tpu.memory_space<vmem>>, vector<1x16xf32>,
        %get3A_66 = vector.shape_cast %get3A_65 : vector<1x16xf32> to vector<16xf32>
        %swap3A_67 = arith.index_cast %scan3A_40 : i32 to index
        %swap3A_68 = arith.constant 32 : index
        %swap3A_69 = tpu.vector_load %arg7[%swap3A_67, %swap3A_68] {strides = array<i32>} : memref<250x128xf32, #tpu.memory_space<vmem>>, vector<1x16xf32>,
        %swap3A_70 = vector.shape_cast %swap3A_69 : vector<1x16xf32> to vector<16xf32>
        %swap3A_71 = vector.shape_cast %get3A_66 : vector<16xf32> to vector<1x16xf32>
        tpu.vector_store %arg7[%swap3A_67, %swap3A_68], %swap3A_71 {strides = array<i32>} : memref<250x128xf32, #tpu.memory_space<vmem>>, vector<1x16xf32>,
        %add3A_72 = arith.constant 750 : i32
        %add3A_73 = arith.addi %add3A_72, %scan3A_40 : i32
        %get3A_74 = arith.index_cast %add3A_73 : i32 to index
        %get3A_75 = arith.constant 0 : index
        %get3A_76 = tpu.vector_load %arg6[%get3A_74, %get3A_75] {strides = array<i32>} : memref<2000x16xf32, #tpu.memory_space<vmem>>, vector<1x16xf32>,
        %get3A_77 = vector.shape_cast %get3A_76 : vector<1x16xf32> to vector<16xf32>
        %swap3A_78 = arith.index_cast %scan3A_40 : i32 to index
        %swap3A_79 = arith.constant 48 : index
        %swap3A_80 = tpu.vector_load %arg7[%swap3A_78, %swap3A_79] {strides = array<i32>} : memref<250x128xf32, #tpu.memory_space<vmem>>, vector<1x16xf32>,
        %swap3A_81 = vector.shape_cast %swap3A_80 : vector<1x16xf32> to vector<16xf32>
        %swap3A_82 = vector.shape_cast %get3A_77 : vector<16xf32> to vector<1x16xf32>
        tpu.vector_store %arg7[%swap3A_78, %swap3A_79], %swap3A_82 {strides = array<i32>} : memref<250x128xf32, #tpu.memory_space<vmem>>, vector<1x16xf32>,
        %add3A_83 = arith.constant 1000 : i32
        %add3A_84 = arith.addi %add3A_83, %scan3A_40 : i32
        %get3A_85 = arith.index_cast %add3A_84 : i32 to index
        %get3A_86 = arith.constant 0 : index
        %get3A_87 = tpu.vector_load %arg6[%get3A_85, %get3A_86] {strides = array<i32>} : memref<2000x16xf32, #tpu.memory_space<vmem>>, vector<1x16xf32>,
        %get3A_88 = vector.shape_cast %get3A_87 : vector<1x16xf32> to vector<16xf32>
        %swap3A_89 = arith.index_cast %scan3A_40 : i32 to index
        %swap3A_90 = arith.constant 64 : index
        %swap3A_91 = tpu.vector_load %arg7[%swap3A_89, %swap3A_90] {strides = array<i32>} : memref<250x128xf32, #tpu.memory_space<vmem>>, vector<1x16xf32>,
        %swap3A_92 = vector.shape_cast %swap3A_91 : vector<1x16xf32> to vector<16xf32>
        %swap3A_93 = vector.shape_cast %get3A_88 : vector<16xf32> to vector<1x16xf32>
        tpu.vector_store %arg7[%swap3A_89, %swap3A_90], %swap3A_93 {strides = array<i32>} : memref<250x128xf32, #tpu.memory_space<vmem>>, vector<1x16xf32>,
        %add3A_94 = arith.constant 1250 : i32
        %add3A_95 = arith.addi %add3A_94, %scan3A_40 : i32
        %get3A_96 = arith.index_cast %add3A_95 : i32 to index
        %get3A_97 = arith.constant 0 : index
        %get3A_98 = tpu.vector_load %arg6[%get3A_96, %get3A_97] {strides = array<i32>} : memref<2000x16xf32, #tpu.memory_space<vmem>>, vector<1x16xf32>,
        %get3A_99 = vector.shape_cast %get3A_98 : vector<1x16xf32> to vector<16xf32>
        %swap3A_100 = arith.index_cast %scan3A_40 : i32 to index
        %swap3A_101 = arith.constant 80 : index
        %swap3A_102 = tpu.vector_load %arg7[%swap3A_100, %swap3A_101] {strides = array<i32>} : memref<250x128xf32, #tpu.memory_space<vmem>>, vector<1x16xf32>,
        %swap3A_103 = vector.shape_cast %swap3A_102 : vector<1x16xf32> to vector<16xf32>
        %swap3A_104 = vector.shape_cast %get3A_99 : vector<16xf32> to vector<1x16xf32>
        tpu.vector_store %arg7[%swap3A_100, %swap3A_101], %swap3A_104 {strides = array<i32>} : memref<250x128xf32, #tpu.memory_space<vmem>>, vector<1x16xf32>,
        %add3A_105 = arith.constant 1500 : i32
        %add3A_106 = arith.addi %add3A_105, %scan3A_40 : i32
        %get3A_107 = arith.index_cast %add3A_106 : i32 to index
        %get3A_108 = arith.constant 0 : index
        %get3A_109 = tpu.vector_load %arg6[%get3A_107, %get3A_108] {strides = array<i32>} : memref<2000x16xf32, #tpu.memory_space<vmem>>, vector<1x16xf32>,
        %get3A_110 = vector.shape_cast %get3A_109 : vector<1x16xf32> to vector<16xf32>
        %swap3A_111 = arith.index_cast %scan3A_40 : i32 to index
        %swap3A_112 = arith.constant 96 : index
        %swap3A_113 = tpu.vector_load %arg7[%swap3A_111, %swap3A_112] {strides = array<i32>} : memref<250x128xf32, #tpu.memory_space<vmem>>, vector<1x16xf32>,
        %swap3A_114 = vector.shape_cast %swap3A_113 : vector<1x16xf32> to vector<16xf32>
        %swap3A_115 = vector.shape_cast %get3A_110 : vector<16xf32> to vector<1x16xf32>
        tpu.vector_store %arg7[%swap3A_111, %swap3A_112], %swap3A_115 {strides = array<i32>} : memref<250x128xf32, #tpu.memory_space<vmem>>, vector<1x16xf32>,
        %add3A_116 = arith.constant 1750 : i32
        %add3A_117 = arith.addi %add3A_116, %scan3A_40 : i32
        %get3A_118 = arith.index_cast %add3A_117 : i32 to index
        %get3A_119 = arith.constant 0 : index
        %get3A_120 = tpu.vector_load %arg6[%get3A_118, %get3A_119] {strides = array<i32>} : memref<2000x16xf32, #tpu.memory_space<vmem>>, vector<1x16xf32>,
        %get3A_121 = vector.shape_cast %get3A_120 : vector<1x16xf32> to vector<16xf32>
        %swap3A_122 = arith.index_cast %scan3A_40 : i32 to index
        %swap3A_123 = arith.constant 112 : index
        %swap3A_124 = tpu.vector_load %arg7[%swap3A_122, %swap3A_123] {strides = array<i32>} : memref<250x128xf32, #tpu.memory_space<vmem>>, vector<1x16xf32>,
        %swap3A_125 = vector.shape_cast %swap3A_124 : vector<1x16xf32> to vector<16xf32>
        %swap3A_126 = vector.shape_cast %get3A_121 : vector<16xf32> to vector<1x16xf32>
        tpu.vector_store %arg7[%swap3A_122, %swap3A_123], %swap3A_126 {strides = array<i32>} : memref<250x128xf32, #tpu.memory_space<vmem>>, vector<1x16xf32>,
      }
      %scan3A_23 = arith.constant 250 : i32
      %jit3A = arith.constant 2000 : i32
      %div3A = arith.divsi %add3A_11, %jit3A : i32
      %sign3A = arith.constant 0 : i32
      %sign3A_24 = arith.cmpi sgt, %add3A_11, %sign3A : i32
      %sign3A_25 = arith.extui %sign3A_24 : i1 to i32
      %sign3A_26 = arith.constant 0 : i32
      %sign3A_27 = arith.cmpi slt, %add3A_11, %sign3A_26 : i32
      %sign3A_28 = arith.extui %sign3A_27 : i1 to i32
      %sign3A_29 = arith.subi %sign3A_25, %sign3A_28 : i32
      %sign3A_30 = arith.constant 0 : i32
      %sign3A_31 = arith.cmpi sgt, %jit3A, %sign3A_30 : i32
      %sign3A_32 = arith.extui %sign3A_31 : i1 to i32
      %sign3A_33 = arith.constant 0 : i32
      %sign3A_34 = arith.cmpi slt, %jit3A, %sign3A_33 : i32
      %sign3A_35 = arith.extui %sign3A_34 : i1 to i32
      %sign3A_36 = arith.subi %sign3A_32, %sign3A_35 : i32
      %ne3A = arith.cmpi ne, %sign3A_29, %sign3A_36 : i32
      %rem3A = arith.remsi %add3A_11, %jit3A : i32
      %ne3A_37 = arith.constant 0 : i32
      %ne3A_38 = arith.cmpi ne, %rem3A, %ne3A_37 : i32
      %and3A = arith.andi %ne3A, %ne3A_38 : i1
      %sub3A = arith.constant 1 : i32
      %sub3A_39 = arith.subi %div3A, %sub3A : i32
      %select_n3A = arith.select %and3A, %sub3A_39, %div3A : i32
      "tpu.region"() ({
        %run_scoped3A = tpu.sem_alloc : memref<!tpu.dma_semaphore, #tpu.memory_space<semaphore_mem>>
        %dma_start3A_40 = arith.constant 0 : i32
        %dma_start3A_41 = arith.constant 0 : i32
        %dma_start3A_42 = tpu.memref_slice %arg4[%select_n3A, %dma_start3A_40, %dma_start3A_41] : memref<160x250x128xf32, #tpu.memory_space<hbm>> -> memref<1x250x128xf32, #tpu.memory_space<hbm>>
        %dma_start3A_43 = tpu.memref_squeeze %dma_start3A_42 : memref<1x250x128xf32, #tpu.memory_space<hbm>> -> memref<250x128xf32, #tpu.memory_space<hbm>>
        %dma_start3A_44 = arith.constant 0 : i32
        %dma_start3A_45 = arith.constant 0 : i32
        %dma_start3A_46 = tpu.memref_slice %arg4[%select_n3A, %dma_start3A_44, %dma_start3A_45] : memref<160x250x128xf32, #tpu.memory_space<hbm>> -> memref<1x250x128xf32, #tpu.memory_space<hbm>>
        %dma_start3A_47 = tpu.memref_squeeze %dma_start3A_46 : memref<1x250x128xf32, #tpu.memory_space<hbm>> -> memref<250x128xf32, #tpu.memory_space<hbm>>
        tpu.enqueue_dma source(%arg7 : memref<250x128xf32, #tpu.memory_space<vmem>>) target(%dma_start3A_47 : memref<250x128xf32, #tpu.memory_space<hbm>>) target_semaphore(%run_scoped3A : memref<!tpu.dma_semaphore, #tpu.memory_space<semaphore_mem>>)
        %dma_wait3A_48 = arith.constant 0 : i32
        %dma_wait3A_49 = arith.constant 0 : i32
        %dma_wait3A_50 = tpu.memref_slice %arg4[%select_n3A, %dma_wait3A_48, %dma_wait3A_49] : memref<160x250x128xf32, #tpu.memory_space<hbm>> -> memref<1x250x128xf32, #tpu.memory_space<hbm>>
        %dma_wait3A_51 = tpu.memref_squeeze %dma_wait3A_50 : memref<1x250x128xf32, #tpu.memory_space<hbm>> -> memref<250x128xf32, #tpu.memory_space<hbm>>
        %dma_wait3A_52 = arith.constant 0 : i32
        %dma_wait3A_53 = arith.constant 0 : i32
        %dma_wait3A_54 = tpu.memref_slice %arg4[%select_n3A, %dma_wait3A_52, %dma_wait3A_53] : memref<160x250x128xf32, #tpu.memory_space<hbm>> -> memref<1x250x128xf32, #tpu.memory_space<hbm>>
        %dma_wait3A_55 = tpu.memref_squeeze %dma_wait3A_54 : memref<1x250x128xf32, #tpu.memory_space<hbm>> -> memref<250x128xf32, #tpu.memory_space<hbm>>
        tpu.wait_dma2 semaphore(%run_scoped3A : memref<!tpu.dma_semaphore, #tpu.memory_space<semaphore_mem>>) src(%arg7 : memref<250x128xf32, #tpu.memory_space<vmem>>) dst(%dma_wait3A_55 : memref<250x128xf32, #tpu.memory_space<hbm>>)
        tpu.yield
      }) : () -> ()
    }
    %scan3A_7 = arith.constant 5 : i32
    return
  }
}

#map = affine_map<(d0, d1) -> (0, 0, 0)>
#map1 = affine_map<(d0, d1) -> (0)>
#map2 = affine_map<(d0, d1) -> (0, 0)>
module attributes {stable_mosaic.version = 14 : i64} {
  func.func @k(%arg0: i32, %arg1: i32, %arg2: memref<160x250x128xf32, #tpu.memory_space<hbm>>, %arg3: memref<640000xi32, #tpu.memory_space<hbm>>, %arg4: memref<10000x16xf32, #tpu.memory_space<hbm>>, %arg5: memref<2x1280x128xf32, #tpu.memory_space<hbm>>, %arg6: memref<2000xi32, #tpu.memory_space<vmem>>, %arg7: memref<250x128xf32, #tpu.memory_space<vmem>>, %arg8: memref<2000x16xf32, #tpu.memory_space<vmem>>, %arg9: memref<640x16xf32, #tpu.memory_space<vmem>>, %arg10: memref<80x128xf32, #tpu.memory_space<vmem>>, %arg11: memref<10000x16xf32, #tpu.memory_space<vmem_shared>>, %arg12: memref<!tpu.dma_semaphore, #tpu.memory_space<semaphore_mem>>) attributes {dimension_semantics = [#tpu.dimension_semantics<core_parallel>, #tpu.dimension_semantics<subcore_parallel>], iteration_bounds = array<i64: 2, 16>, scalar_prefetch = 0 : i64, scratch_operands = 7 : i64, tpu.core_type = #tpu.core_type<sc_vector_subcore>, window_params = [{transform_indices = #map}, {transform_indices = #map1}, {transform_indices = #map2}, {transform_indices = #map}]} {
    %mul3A = arith.constant 160000 : i32
    %mul3A_0 = arith.muli %arg0, %mul3A : i32
    %mul3A_1 = arith.constant 10000 : i32
    %mul3A_2 = arith.muli %arg1, %mul3A_1 : i32
    %add3A = arith.addi %mul3A_0, %mul3A_2 : i32
    %mul3A_3 = arith.constant 624 : i32
    %mul3A_4 = arith.muli %arg1, %mul3A_3 : i32
    "tpu.region"() ({
      %run_scoped3A = tpu.sem_alloc : memref<!tpu.dma_semaphore, #tpu.memory_space<semaphore_mem>>
      %dma_start3A = arith.constant 0 : i32
      %dma_start3A_42 = tpu.memref_slice %arg11[%mul3A_4, %dma_start3A] : memref<10000x16xf32, #tpu.memory_space<vmem_shared>> -> memref<624x16xf32, #tpu.memory_space<vmem_shared>>
      %dma_start3A_43 = arith.constant 0 : i32
      %dma_start3A_44 = tpu.memref_slice %arg4[%mul3A_4, %dma_start3A_43] : memref<10000x16xf32, #tpu.memory_space<hbm>> -> memref<624x16xf32, #tpu.memory_space<hbm>>
      tpu.enqueue_dma source(%dma_start3A_44 : memref<624x16xf32, #tpu.memory_space<hbm>>) target(%dma_start3A_42 : memref<624x16xf32, #tpu.memory_space<vmem_shared>>) target_semaphore(%run_scoped3A : memref<!tpu.dma_semaphore, #tpu.memory_space<semaphore_mem>>)
      %dma_wait3A = arith.constant 0 : i32
      %dma_wait3A_45 = tpu.memref_slice %arg11[%mul3A_4, %dma_wait3A] : memref<10000x16xf32, #tpu.memory_space<vmem_shared>> -> memref<624x16xf32, #tpu.memory_space<vmem_shared>>
      %dma_wait3A_46 = arith.constant 0 : i32
      %dma_wait3A_47 = tpu.memref_slice %arg4[%mul3A_4, %dma_wait3A_46] : memref<10000x16xf32, #tpu.memory_space<hbm>> -> memref<624x16xf32, #tpu.memory_space<hbm>>
      tpu.wait_dma2 semaphore(%run_scoped3A : memref<!tpu.dma_semaphore, #tpu.memory_space<semaphore_mem>>) src(%dma_wait3A_47 : memref<624x16xf32, #tpu.memory_space<hbm>>) dst(%dma_wait3A_45 : memref<624x16xf32, #tpu.memory_space<vmem_shared>>)
      tpu.yield
    }) : () -> ()
    %eq3A = arith.constant 15 : i32
    %eq3A_5 = arith.cmpi eq, %arg1, %eq3A : i32
    %convert_element_type3A = arith.extui %eq3A_5 : i1 to i32
    %cond3A = arith.constant 0 : i32
    %cond3A_6 = arith.cmpi ne, %convert_element_type3A, %cond3A : i32
    scf.if %cond3A_6 {
      "tpu.region"() ({
        %run_scoped3A = tpu.sem_alloc : memref<!tpu.dma_semaphore, #tpu.memory_space<semaphore_mem>>
        %dma_start3A = arith.constant 9984 : i32
        %dma_start3A_42 = arith.constant 0 : i32
        %dma_start3A_43 = tpu.memref_slice %arg11[%dma_start3A, %dma_start3A_42] : memref<10000x16xf32, #tpu.memory_space<vmem_shared>> -> memref<16x16xf32, #tpu.memory_space<vmem_shared>>
        %dma_start3A_44 = arith.constant 9984 : i32
        %dma_start3A_45 = arith.constant 0 : i32
        %dma_start3A_46 = tpu.memref_slice %arg4[%dma_start3A_44, %dma_start3A_45] : memref<10000x16xf32, #tpu.memory_space<hbm>> -> memref<16x16xf32, #tpu.memory_space<hbm>>
        tpu.enqueue_dma source(%dma_start3A_46 : memref<16x16xf32, #tpu.memory_space<hbm>>) target(%dma_start3A_43 : memref<16x16xf32, #tpu.memory_space<vmem_shared>>) target_semaphore(%run_scoped3A : memref<!tpu.dma_semaphore, #tpu.memory_space<semaphore_mem>>)
        %dma_wait3A = arith.constant 9984 : i32
        %dma_wait3A_47 = arith.constant 0 : i32
        %dma_wait3A_48 = tpu.memref_slice %arg11[%dma_wait3A, %dma_wait3A_47] : memref<10000x16xf32, #tpu.memory_space<vmem_shared>> -> memref<16x16xf32, #tpu.memory_space<vmem_shared>>
        %dma_wait3A_49 = arith.constant 9984 : i32
        %dma_wait3A_50 = arith.constant 0 : i32
        %dma_wait3A_51 = tpu.memref_slice %arg4[%dma_wait3A_49, %dma_wait3A_50] : memref<10000x16xf32, #tpu.memory_space<hbm>> -> memref<16x16xf32, #tpu.memory_space<hbm>>
        tpu.wait_dma2 semaphore(%run_scoped3A : memref<!tpu.dma_semaphore, #tpu.memory_space<semaphore_mem>>) src(%dma_wait3A_51 : memref<16x16xf32, #tpu.memory_space<hbm>>) dst(%dma_wait3A_48 : memref<16x16xf32, #tpu.memory_space<vmem_shared>>)
        tpu.yield
      }) : () -> ()
    } else {
    }
    %barrier3A = arith.constant 0 : index
    tpu.barrier barrier_id(%barrier3A)
    %scan3A = arith.constant 0 : i32
    %scan3A_7 = arith.constant 0 : i32
    %scan3A_8 = arith.constant 5 : i32
    %scan3A_9 = arith.addi %scan3A_7, %scan3A_8 : i32
    %scan3A_10 = arith.constant 1 : i32
    scf.for %scan3A_42 = %scan3A_7 to %scan3A_9 step %scan3A_10  : i32 {
      %mul3A_43 = arith.constant 2000 : i32
      %mul3A_44 = arith.muli %scan3A_42, %mul3A_43 : i32
      %add3A_45 = arith.addi %add3A, %mul3A_44 : i32
      %add3A_46 = arith.constant 320000 : i32
      %add3A_47 = arith.addi %add3A_46, %add3A_45 : i32
      "tpu.region"() ({
        %run_scoped3A = tpu.sem_alloc : memref<!tpu.dma_semaphore, #tpu.memory_space<semaphore_mem>>
        %dma_start3A = tpu.memref_slice %arg3[%add3A_47] : memref<640000xi32, #tpu.memory_space<hbm>> -> memref<2000xi32, #tpu.memory_space<hbm>>
        %dma_start3A_78 = tpu.memref_slice %arg3[%add3A_47] : memref<640000xi32, #tpu.memory_space<hbm>> -> memref<2000xi32, #tpu.memory_space<hbm>>
        tpu.enqueue_dma source(%dma_start3A_78 : memref<2000xi32, #tpu.memory_space<hbm>>) target(%arg6 : memref<2000xi32, #tpu.memory_space<vmem>>) target_semaphore(%run_scoped3A : memref<!tpu.dma_semaphore, #tpu.memory_space<semaphore_mem>>)
        %dma_wait3A = tpu.memref_slice %arg3[%add3A_47] : memref<640000xi32, #tpu.memory_space<hbm>> -> memref<2000xi32, #tpu.memory_space<hbm>>
        %dma_wait3A_79 = tpu.memref_slice %arg3[%add3A_47] : memref<640000xi32, #tpu.memory_space<hbm>> -> memref<2000xi32, #tpu.memory_space<hbm>>
        tpu.wait_dma2 semaphore(%run_scoped3A : memref<!tpu.dma_semaphore, #tpu.memory_space<semaphore_mem>>) src(%dma_wait3A_79 : memref<2000xi32, #tpu.memory_space<hbm>>) dst(%arg6 : memref<2000xi32, #tpu.memory_space<vmem>>)
        tpu.yield
      }) : () -> ()
      %jit3A_48 = arith.constant 2000 : i32
      %div3A_49 = arith.divsi %add3A_45, %jit3A_48 : i32
      %sign3A_50 = arith.constant 0 : i32
      %sign3A_51 = arith.cmpi sgt, %add3A_45, %sign3A_50 : i32
      %sign3A_52 = arith.extui %sign3A_51 : i1 to i32
      %sign3A_53 = arith.constant 0 : i32
      %sign3A_54 = arith.cmpi slt, %add3A_45, %sign3A_53 : i32
      %sign3A_55 = arith.extui %sign3A_54 : i1 to i32
      %sign3A_56 = arith.subi %sign3A_52, %sign3A_55 : i32
      %sign3A_57 = arith.constant 0 : i32
      %sign3A_58 = arith.cmpi sgt, %jit3A_48, %sign3A_57 : i32
      %sign3A_59 = arith.extui %sign3A_58 : i1 to i32
      %sign3A_60 = arith.constant 0 : i32
      %sign3A_61 = arith.cmpi slt, %jit3A_48, %sign3A_60 : i32
      %sign3A_62 = arith.extui %sign3A_61 : i1 to i32
      %sign3A_63 = arith.subi %sign3A_59, %sign3A_62 : i32
      %ne3A_64 = arith.cmpi ne, %sign3A_56, %sign3A_63 : i32
      %rem3A_65 = arith.remsi %add3A_45, %jit3A_48 : i32
      %ne3A_66 = arith.constant 0 : i32
      %ne3A_67 = arith.cmpi ne, %rem3A_65, %ne3A_66 : i32
      %and3A_68 = arith.andi %ne3A_64, %ne3A_67 : i1
      %sub3A_69 = arith.constant 1 : i32
      %sub3A_70 = arith.subi %div3A_49, %sub3A_69 : i32
      %select_n3A_71 = arith.select %and3A_68, %sub3A_70, %div3A_49 : i32
      "tpu.region"() ({
        %run_scoped3A = tpu.sem_alloc : memref<!tpu.dma_semaphore, #tpu.memory_space<semaphore_mem>>
        %dma_start3A = arith.constant 0 : i32
        %dma_start3A_78 = arith.constant 0 : i32
        %dma_start3A_79 = tpu.memref_slice %arg2[%select_n3A_71, %dma_start3A, %dma_start3A_78] : memref<160x250x128xf32, #tpu.memory_space<hbm>> -> memref<1x250x128xf32, #tpu.memory_space<hbm>>
        %dma_start3A_80 = tpu.memref_squeeze %dma_start3A_79 : memref<1x250x128xf32, #tpu.memory_space<hbm>> -> memref<250x128xf32, #tpu.memory_space<hbm>>
        %dma_start3A_81 = arith.constant 0 : i32
        %dma_start3A_82 = arith.constant 0 : i32
        %dma_start3A_83 = tpu.memref_slice %arg2[%select_n3A_71, %dma_start3A_81, %dma_start3A_82] : memref<160x250x128xf32, #tpu.memory_space<hbm>> -> memref<1x250x128xf32, #tpu.memory_space<hbm>>
        %dma_start3A_84 = tpu.memref_squeeze %dma_start3A_83 : memref<1x250x128xf32, #tpu.memory_space<hbm>> -> memref<250x128xf32, #tpu.memory_space<hbm>>
        tpu.enqueue_dma source(%dma_start3A_84 : memref<250x128xf32, #tpu.memory_space<hbm>>) target(%arg7 : memref<250x128xf32, #tpu.memory_space<vmem>>) target_semaphore(%run_scoped3A : memref<!tpu.dma_semaphore, #tpu.memory_space<semaphore_mem>>)
        %dma_wait3A = arith.constant 0 : i32
        %dma_wait3A_85 = arith.constant 0 : i32
        %dma_wait3A_86 = tpu.memref_slice %arg2[%select_n3A_71, %dma_wait3A, %dma_wait3A_85] : memref<160x250x128xf32, #tpu.memory_space<hbm>> -> memref<1x250x128xf32, #tpu.memory_space<hbm>>
        %dma_wait3A_87 = tpu.memref_squeeze %dma_wait3A_86 : memref<1x250x128xf32, #tpu.memory_space<hbm>> -> memref<250x128xf32, #tpu.memory_space<hbm>>
        %dma_wait3A_88 = arith.constant 0 : i32
        %dma_wait3A_89 = arith.constant 0 : i32
        %dma_wait3A_90 = tpu.memref_slice %arg2[%select_n3A_71, %dma_wait3A_88, %dma_wait3A_89] : memref<160x250x128xf32, #tpu.memory_space<hbm>> -> memref<1x250x128xf32, #tpu.memory_space<hbm>>
        %dma_wait3A_91 = tpu.memref_squeeze %dma_wait3A_90 : memref<1x250x128xf32, #tpu.memory_space<hbm>> -> memref<250x128xf32, #tpu.memory_space<hbm>>
        tpu.wait_dma2 semaphore(%run_scoped3A : memref<!tpu.dma_semaphore, #tpu.memory_space<semaphore_mem>>) src(%dma_wait3A_91 : memref<250x128xf32, #tpu.memory_space<hbm>>) dst(%arg7 : memref<250x128xf32, #tpu.memory_space<vmem>>)
        tpu.yield
      }) : () -> ()
      %scan3A_72 = arith.constant 0 : i32
      %scan3A_73 = arith.constant 0 : i32
      %scan3A_74 = arith.constant 250 : i32
      %scan3A_75 = arith.addi %scan3A_73, %scan3A_74 : i32
      %scan3A_76 = arith.constant 1 : i32
      scf.for %scan3A_78 = %scan3A_73 to %scan3A_75 step %scan3A_76  : i32 {
        %get3A = arith.index_cast %scan3A_78 : i32 to index
        %get3A_79 = arith.constant 0 : index
        %get3A_80 = tpu.vector_load %arg7[%get3A, %get3A_79] {strides = array<i32>} : memref<250x128xf32, #tpu.memory_space<vmem>>, vector<1x16xf32>,
        %get3A_81 = vector.shape_cast %get3A_80 : vector<1x16xf32> to vector<16xf32>
        %add3A_82 = arith.constant 0 : i32
        %add3A_83 = arith.addi %add3A_82, %scan3A_78 : i32
        %swap3A = arith.index_cast %add3A_83 : i32 to index
        %swap3A_84 = arith.constant 0 : index
        %swap3A_85 = tpu.vector_load %arg8[%swap3A, %swap3A_84] {strides = array<i32>} : memref<2000x16xf32, #tpu.memory_space<vmem>>, vector<1x16xf32>,
        %swap3A_86 = vector.shape_cast %swap3A_85 : vector<1x16xf32> to vector<16xf32>
        %swap3A_87 = vector.shape_cast %get3A_81 : vector<16xf32> to vector<1x16xf32>
        tpu.vector_store %arg8[%swap3A, %swap3A_84], %swap3A_87 {strides = array<i32>} : memref<2000x16xf32, #tpu.memory_space<vmem>>, vector<1x16xf32>,
        %get3A_88 = arith.index_cast %scan3A_78 : i32 to index
        %get3A_89 = arith.constant 16 : index
        %get3A_90 = tpu.vector_load %arg7[%get3A_88, %get3A_89] {strides = array<i32>} : memref<250x128xf32, #tpu.memory_space<vmem>>, vector<1x16xf32>,
        %get3A_91 = vector.shape_cast %get3A_90 : vector<1x16xf32> to vector<16xf32>
        %add3A_92 = arith.constant 250 : i32
        %add3A_93 = arith.addi %add3A_92, %scan3A_78 : i32
        %swap3A_94 = arith.index_cast %add3A_93 : i32 to index
        %swap3A_95 = arith.constant 0 : index
        %swap3A_96 = tpu.vector_load %arg8[%swap3A_94, %swap3A_95] {strides = array<i32>} : memref<2000x16xf32, #tpu.memory_space<vmem>>, vector<1x16xf32>,
        %swap3A_97 = vector.shape_cast %swap3A_96 : vector<1x16xf32> to vector<16xf32>
        %swap3A_98 = vector.shape_cast %get3A_91 : vector<16xf32> to vector<1x16xf32>
        tpu.vector_store %arg8[%swap3A_94, %swap3A_95], %swap3A_98 {strides = array<i32>} : memref<2000x16xf32, #tpu.memory_space<vmem>>, vector<1x16xf32>,
        %get3A_99 = arith.index_cast %scan3A_78 : i32 to index
        %get3A_100 = arith.constant 32 : index
        %get3A_101 = tpu.vector_load %arg7[%get3A_99, %get3A_100] {strides = array<i32>} : memref<250x128xf32, #tpu.memory_space<vmem>>, vector<1x16xf32>,
        %get3A_102 = vector.shape_cast %get3A_101 : vector<1x16xf32> to vector<16xf32>
        %add3A_103 = arith.constant 500 : i32
        %add3A_104 = arith.addi %add3A_103, %scan3A_78 : i32
        %swap3A_105 = arith.index_cast %add3A_104 : i32 to index
        %swap3A_106 = arith.constant 0 : index
        %swap3A_107 = tpu.vector_load %arg8[%swap3A_105, %swap3A_106] {strides = array<i32>} : memref<2000x16xf32, #tpu.memory_space<vmem>>, vector<1x16xf32>,
        %swap3A_108 = vector.shape_cast %swap3A_107 : vector<1x16xf32> to vector<16xf32>
        %swap3A_109 = vector.shape_cast %get3A_102 : vector<16xf32> to vector<1x16xf32>
        tpu.vector_store %arg8[%swap3A_105, %swap3A_106], %swap3A_109 {strides = array<i32>} : memref<2000x16xf32, #tpu.memory_space<vmem>>, vector<1x16xf32>,
        %get3A_110 = arith.index_cast %scan3A_78 : i32 to index
        %get3A_111 = arith.constant 48 : index
        %get3A_112 = tpu.vector_load %arg7[%get3A_110, %get3A_111] {strides = array<i32>} : memref<250x128xf32, #tpu.memory_space<vmem>>, vector<1x16xf32>,
        %get3A_113 = vector.shape_cast %get3A_112 : vector<1x16xf32> to vector<16xf32>
        %add3A_114 = arith.constant 750 : i32
        %add3A_115 = arith.addi %add3A_114, %scan3A_78 : i32
        %swap3A_116 = arith.index_cast %add3A_115 : i32 to index
        %swap3A_117 = arith.constant 0 : index
        %swap3A_118 = tpu.vector_load %arg8[%swap3A_116, %swap3A_117] {strides = array<i32>} : memref<2000x16xf32, #tpu.memory_space<vmem>>, vector<1x16xf32>,
        %swap3A_119 = vector.shape_cast %swap3A_118 : vector<1x16xf32> to vector<16xf32>
        %swap3A_120 = vector.shape_cast %get3A_113 : vector<16xf32> to vector<1x16xf32>
        tpu.vector_store %arg8[%swap3A_116, %swap3A_117], %swap3A_120 {strides = array<i32>} : memref<2000x16xf32, #tpu.memory_space<vmem>>, vector<1x16xf32>,
        %get3A_121 = arith.index_cast %scan3A_78 : i32 to index
        %get3A_122 = arith.constant 64 : index
        %get3A_123 = tpu.vector_load %arg7[%get3A_121, %get3A_122] {strides = array<i32>} : memref<250x128xf32, #tpu.memory_space<vmem>>, vector<1x16xf32>,
        %get3A_124 = vector.shape_cast %get3A_123 : vector<1x16xf32> to vector<16xf32>
        %add3A_125 = arith.constant 1000 : i32
        %add3A_126 = arith.addi %add3A_125, %scan3A_78 : i32
        %swap3A_127 = arith.index_cast %add3A_126 : i32 to index
        %swap3A_128 = arith.constant 0 : index
        %swap3A_129 = tpu.vector_load %arg8[%swap3A_127, %swap3A_128] {strides = array<i32>} : memref<2000x16xf32, #tpu.memory_space<vmem>>, vector<1x16xf32>,
        %swap3A_130 = vector.shape_cast %swap3A_129 : vector<1x16xf32> to vector<16xf32>
        %swap3A_131 = vector.shape_cast %get3A_124 : vector<16xf32> to vector<1x16xf32>
        tpu.vector_store %arg8[%swap3A_127, %swap3A_128], %swap3A_131 {strides = array<i32>} : memref<2000x16xf32, #tpu.memory_space<vmem>>, vector<1x16xf32>,
        %get3A_132 = arith.index_cast %scan3A_78 : i32 to index
        %get3A_133 = arith.constant 80 : index
        %get3A_134 = tpu.vector_load %arg7[%get3A_132, %get3A_133] {strides = array<i32>} : memref<250x128xf32, #tpu.memory_space<vmem>>, vector<1x16xf32>,
        %get3A_135 = vector.shape_cast %get3A_134 : vector<1x16xf32> to vector<16xf32>
        %add3A_136 = arith.constant 1250 : i32
        %add3A_137 = arith.addi %add3A_136, %scan3A_78 : i32
        %swap3A_138 = arith.index_cast %add3A_137 : i32 to index
        %swap3A_139 = arith.constant 0 : index
        %swap3A_140 = tpu.vector_load %arg8[%swap3A_138, %swap3A_139] {strides = array<i32>} : memref<2000x16xf32, #tpu.memory_space<vmem>>, vector<1x16xf32>,
        %swap3A_141 = vector.shape_cast %swap3A_140 : vector<1x16xf32> to vector<16xf32>
        %swap3A_142 = vector.shape_cast %get3A_135 : vector<16xf32> to vector<1x16xf32>
        tpu.vector_store %arg8[%swap3A_138, %swap3A_139], %swap3A_142 {strides = array<i32>} : memref<2000x16xf32, #tpu.memory_space<vmem>>, vector<1x16xf32>,
        %get3A_143 = arith.index_cast %scan3A_78 : i32 to index
        %get3A_144 = arith.constant 96 : index
        %get3A_145 = tpu.vector_load %arg7[%get3A_143, %get3A_144] {strides = array<i32>} : memref<250x128xf32, #tpu.memory_space<vmem>>, vector<1x16xf32>,
        %get3A_146 = vector.shape_cast %get3A_145 : vector<1x16xf32> to vector<16xf32>
        %add3A_147 = arith.constant 1500 : i32
        %add3A_148 = arith.addi %add3A_147, %scan3A_78 : i32
        %swap3A_149 = arith.index_cast %add3A_148 : i32 to index
        %swap3A_150 = arith.constant 0 : index
        %swap3A_151 = tpu.vector_load %arg8[%swap3A_149, %swap3A_150] {strides = array<i32>} : memref<2000x16xf32, #tpu.memory_space<vmem>>, vector<1x16xf32>,
        %swap3A_152 = vector.shape_cast %swap3A_151 : vector<1x16xf32> to vector<16xf32>
        %swap3A_153 = vector.shape_cast %get3A_146 : vector<16xf32> to vector<1x16xf32>
        tpu.vector_store %arg8[%swap3A_149, %swap3A_150], %swap3A_153 {strides = array<i32>} : memref<2000x16xf32, #tpu.memory_space<vmem>>, vector<1x16xf32>,
        %get3A_154 = arith.index_cast %scan3A_78 : i32 to index
        %get3A_155 = arith.constant 112 : index
        %get3A_156 = tpu.vector_load %arg7[%get3A_154, %get3A_155] {strides = array<i32>} : memref<250x128xf32, #tpu.memory_space<vmem>>, vector<1x16xf32>,
        %get3A_157 = vector.shape_cast %get3A_156 : vector<1x16xf32> to vector<16xf32>
        %add3A_158 = arith.constant 1750 : i32
        %add3A_159 = arith.addi %add3A_158, %scan3A_78 : i32
        %swap3A_160 = arith.index_cast %add3A_159 : i32 to index
        %swap3A_161 = arith.constant 0 : index
        %swap3A_162 = tpu.vector_load %arg8[%swap3A_160, %swap3A_161] {strides = array<i32>} : memref<2000x16xf32, #tpu.memory_space<vmem>>, vector<1x16xf32>,
        %swap3A_163 = vector.shape_cast %swap3A_162 : vector<1x16xf32> to vector<16xf32>
        %swap3A_164 = vector.shape_cast %get3A_157 : vector<16xf32> to vector<1x16xf32>
        tpu.vector_store %arg8[%swap3A_160, %swap3A_161], %swap3A_164 {strides = array<i32>} : memref<2000x16xf32, #tpu.memory_space<vmem>>, vector<1x16xf32>,
      }
      %scan3A_77 = arith.constant 250 : i32
      "tpu.region"() ({
        %run_scoped3A = tpu.sem_alloc : memref<!tpu.dma_semaphore, #tpu.memory_space<semaphore_mem>>
        %dma_start3A = arith.constant 0 : i32
        %dma_start3A_78 = arith.constant 0 : i32
        %dma_start3A_79 = tpu.memref_slice %arg11[%dma_start3A, %dma_start3A_78] : memref<10000x16xf32, #tpu.memory_space<vmem_shared>> -> memref<10000x16xf32, #tpu.memory_space<vmem_shared>>
        tpu.enqueue_indirect_dma source(%arg8 : memref<2000x16xf32, #tpu.memory_space<vmem>>) target(%dma_start3A_79 : memref<10000x16xf32, #tpu.memory_space<vmem_shared>>) offsets(%arg6 : memref<2000xi32, #tpu.memory_space<vmem>>) semaphore(%run_scoped3A : memref<!tpu.dma_semaphore, #tpu.memory_space<semaphore_mem>>) {add = true}
        %dma_wait3A = arith.constant 0 : i32
        %dma_wait3A_80 = arith.constant 0 : i32
        %dma_wait3A_81 = tpu.memref_slice %arg11[%dma_wait3A, %dma_wait3A_80] : memref<10000x16xf32, #tpu.memory_space<vmem_shared>> -> memref<10000x16xf32, #tpu.memory_space<vmem_shared>>
        tpu.wait_indirect_dma semaphore(%run_scoped3A : memref<!tpu.dma_semaphore, #tpu.memory_space<semaphore_mem>>) src(%arg8 : memref<2000x16xf32, #tpu.memory_space<vmem>>) dst(%dma_wait3A_81 : memref<10000x16xf32, #tpu.memory_space<vmem_shared>>)
        tpu.yield
      }) : () -> ()
    }
    %scan3A_11 = arith.constant 5 : i32
    %barrier3A_12 = arith.constant 0 : index
    tpu.barrier barrier_id(%barrier3A_12)
    %mul3A_13 = arith.constant 16 : i32
    %mul3A_14 = arith.muli %mul3A_4, %mul3A_13 : i32
    %jit3A = arith.constant 128 : i32
    %div3A = arith.divsi %mul3A_14, %jit3A : i32
    %sign3A = arith.constant 0 : i32
    %sign3A_15 = arith.cmpi sgt, %mul3A_14, %sign3A : i32
    %sign3A_16 = arith.extui %sign3A_15 : i1 to i32
    %sign3A_17 = arith.constant 0 : i32
    %sign3A_18 = arith.cmpi slt, %mul3A_14, %sign3A_17 : i32
    %sign3A_19 = arith.extui %sign3A_18 : i1 to i32
    %sign3A_20 = arith.subi %sign3A_16, %sign3A_19 : i32
    %sign3A_21 = arith.constant 0 : i32
    %sign3A_22 = arith.cmpi sgt, %jit3A, %sign3A_21 : i32
    %sign3A_23 = arith.extui %sign3A_22 : i1 to i32
    %sign3A_24 = arith.constant 0 : i32
    %sign3A_25 = arith.cmpi slt, %jit3A, %sign3A_24 : i32
    %sign3A_26 = arith.extui %sign3A_25 : i1 to i32
    %sign3A_27 = arith.subi %sign3A_23, %sign3A_26 : i32
    %ne3A = arith.cmpi ne, %sign3A_20, %sign3A_27 : i32
    %rem3A = arith.remsi %mul3A_14, %jit3A : i32
    %ne3A_28 = arith.constant 0 : i32
    %ne3A_29 = arith.cmpi ne, %rem3A, %ne3A_28 : i32
    %and3A = arith.andi %ne3A, %ne3A_29 : i1
    %sub3A = arith.constant 1 : i32
    %sub3A_30 = arith.subi %div3A, %sub3A : i32
    %select_n3A = arith.select %and3A, %sub3A_30, %div3A : i32
    "tpu.region"() ({
      %run_scoped3A = tpu.sem_alloc : memref<!tpu.dma_semaphore, #tpu.memory_space<semaphore_mem>>
      %dma_start3A = arith.constant 0 : i32
      %dma_start3A_42 = arith.constant 0 : i32
      %dma_start3A_43 = tpu.memref_slice %arg9[%dma_start3A, %dma_start3A_42] : memref<640x16xf32, #tpu.memory_space<vmem>> -> memref<624x16xf32, #tpu.memory_space<vmem>>
      %dma_start3A_44 = arith.constant 0 : i32
      %dma_start3A_45 = tpu.memref_slice %arg11[%mul3A_4, %dma_start3A_44] : memref<10000x16xf32, #tpu.memory_space<vmem_shared>> -> memref<624x16xf32, #tpu.memory_space<vmem_shared>>
      %dma_start3A_46 = arith.constant 0 : i32
      %dma_start3A_47 = arith.constant 0 : i32
      %dma_start3A_48 = tpu.memref_slice %arg9[%dma_start3A_46, %dma_start3A_47] : memref<640x16xf32, #tpu.memory_space<vmem>> -> memref<624x16xf32, #tpu.memory_space<vmem>>
      %dma_start3A_49 = arith.constant 0 : i32
      %dma_start3A_50 = tpu.memref_slice %arg11[%mul3A_4, %dma_start3A_49] : memref<10000x16xf32, #tpu.memory_space<vmem_shared>> -> memref<624x16xf32, #tpu.memory_space<vmem_shared>>
      tpu.enqueue_dma source(%dma_start3A_50 : memref<624x16xf32, #tpu.memory_space<vmem_shared>>) target(%dma_start3A_48 : memref<624x16xf32, #tpu.memory_space<vmem>>) target_semaphore(%run_scoped3A : memref<!tpu.dma_semaphore, #tpu.memory_space<semaphore_mem>>)
      %dma_wait3A = arith.constant 0 : i32
      %dma_wait3A_51 = arith.constant 0 : i32
      %dma_wait3A_52 = tpu.memref_slice %arg9[%dma_wait3A, %dma_wait3A_51] : memref<640x16xf32, #tpu.memory_space<vmem>> -> memref<624x16xf32, #tpu.memory_space<vmem>>
      %dma_wait3A_53 = arith.constant 0 : i32
      %dma_wait3A_54 = tpu.memref_slice %arg11[%mul3A_4, %dma_wait3A_53] : memref<10000x16xf32, #tpu.memory_space<vmem_shared>> -> memref<624x16xf32, #tpu.memory_space<vmem_shared>>
      %dma_wait3A_55 = arith.constant 0 : i32
      %dma_wait3A_56 = arith.constant 0 : i32
      %dma_wait3A_57 = tpu.memref_slice %arg9[%dma_wait3A_55, %dma_wait3A_56] : memref<640x16xf32, #tpu.memory_space<vmem>> -> memref<624x16xf32, #tpu.memory_space<vmem>>
      %dma_wait3A_58 = arith.constant 0 : i32
      %dma_wait3A_59 = tpu.memref_slice %arg11[%mul3A_4, %dma_wait3A_58] : memref<10000x16xf32, #tpu.memory_space<vmem_shared>> -> memref<624x16xf32, #tpu.memory_space<vmem_shared>>
      tpu.wait_dma2 semaphore(%run_scoped3A : memref<!tpu.dma_semaphore, #tpu.memory_space<semaphore_mem>>) src(%dma_wait3A_59 : memref<624x16xf32, #tpu.memory_space<vmem_shared>>) dst(%dma_wait3A_57 : memref<624x16xf32, #tpu.memory_space<vmem>>)
      tpu.yield
    }) : () -> ()
    %scan3A_31 = arith.constant 0 : i32
    %scan3A_32 = arith.constant 0 : i32
    %scan3A_33 = arith.constant 78 : i32
    %scan3A_34 = arith.addi %scan3A_32, %scan3A_33 : i32
    %scan3A_35 = arith.constant 1 : i32
    scf.for %scan3A_42 = %scan3A_32 to %scan3A_34 step %scan3A_35  : i32 {
      %mul3A_43 = arith.constant 8 : i32
      %mul3A_44 = arith.muli %scan3A_42, %mul3A_43 : i32
      %add3A_45 = arith.constant 0 : i32
      %add3A_46 = arith.addi %mul3A_44, %add3A_45 : i32
      %get3A = arith.index_cast %add3A_46 : i32 to index
      %get3A_47 = arith.constant 0 : index
      %get3A_48 = tpu.vector_load %arg9[%get3A, %get3A_47] {strides = array<i32>} : memref<640x16xf32, #tpu.memory_space<vmem>>, vector<1x16xf32>,
      %get3A_49 = vector.shape_cast %get3A_48 : vector<1x16xf32> to vector<16xf32>
      %swap3A = arith.index_cast %scan3A_42 : i32 to index
      %swap3A_50 = arith.constant 0 : index
      %swap3A_51 = tpu.vector_load %arg10[%swap3A, %swap3A_50] {strides = array<i32>} : memref<80x128xf32, #tpu.memory_space<vmem>>, vector<1x16xf32>,
      %swap3A_52 = vector.shape_cast %swap3A_51 : vector<1x16xf32> to vector<16xf32>
      %swap3A_53 = vector.shape_cast %get3A_49 : vector<16xf32> to vector<1x16xf32>
      tpu.vector_store %arg10[%swap3A, %swap3A_50], %swap3A_53 {strides = array<i32>} : memref<80x128xf32, #tpu.memory_space<vmem>>, vector<1x16xf32>,
      %mul3A_54 = arith.constant 8 : i32
      %mul3A_55 = arith.muli %scan3A_42, %mul3A_54 : i32
      %add3A_56 = arith.constant 1 : i32
      %add3A_57 = arith.addi %mul3A_55, %add3A_56 : i32
      %get3A_58 = arith.index_cast %add3A_57 : i32 to index
      %get3A_59 = arith.constant 0 : index
      %get3A_60 = tpu.vector_load %arg9[%get3A_58, %get3A_59] {strides = array<i32>} : memref<640x16xf32, #tpu.memory_space<vmem>>, vector<1x16xf32>,
      %get3A_61 = vector.shape_cast %get3A_60 : vector<1x16xf32> to vector<16xf32>
      %swap3A_62 = arith.index_cast %scan3A_42 : i32 to index
      %swap3A_63 = arith.constant 16 : index
      %swap3A_64 = tpu.vector_load %arg10[%swap3A_62, %swap3A_63] {strides = array<i32>} : memref<80x128xf32, #tpu.memory_space<vmem>>, vector<1x16xf32>,
      %swap3A_65 = vector.shape_cast %swap3A_64 : vector<1x16xf32> to vector<16xf32>
      %swap3A_66 = vector.shape_cast %get3A_61 : vector<16xf32> to vector<1x16xf32>
      tpu.vector_store %arg10[%swap3A_62, %swap3A_63], %swap3A_66 {strides = array<i32>} : memref<80x128xf32, #tpu.memory_space<vmem>>, vector<1x16xf32>,
      %mul3A_67 = arith.constant 8 : i32
      %mul3A_68 = arith.muli %scan3A_42, %mul3A_67 : i32
      %add3A_69 = arith.constant 2 : i32
      %add3A_70 = arith.addi %mul3A_68, %add3A_69 : i32
      %get3A_71 = arith.index_cast %add3A_70 : i32 to index
      %get3A_72 = arith.constant 0 : index
      %get3A_73 = tpu.vector_load %arg9[%get3A_71, %get3A_72] {strides = array<i32>} : memref<640x16xf32, #tpu.memory_space<vmem>>, vector<1x16xf32>,
      %get3A_74 = vector.shape_cast %get3A_73 : vector<1x16xf32> to vector<16xf32>
      %swap3A_75 = arith.index_cast %scan3A_42 : i32 to index
      %swap3A_76 = arith.constant 32 : index
      %swap3A_77 = tpu.vector_load %arg10[%swap3A_75, %swap3A_76] {strides = array<i32>} : memref<80x128xf32, #tpu.memory_space<vmem>>, vector<1x16xf32>,
      %swap3A_78 = vector.shape_cast %swap3A_77 : vector<1x16xf32> to vector<16xf32>
      %swap3A_79 = vector.shape_cast %get3A_74 : vector<16xf32> to vector<1x16xf32>
      tpu.vector_store %arg10[%swap3A_75, %swap3A_76], %swap3A_79 {strides = array<i32>} : memref<80x128xf32, #tpu.memory_space<vmem>>, vector<1x16xf32>,
      %mul3A_80 = arith.constant 8 : i32
      %mul3A_81 = arith.muli %scan3A_42, %mul3A_80 : i32
      %add3A_82 = arith.constant 3 : i32
      %add3A_83 = arith.addi %mul3A_81, %add3A_82 : i32
      %get3A_84 = arith.index_cast %add3A_83 : i32 to index
      %get3A_85 = arith.constant 0 : index
      %get3A_86 = tpu.vector_load %arg9[%get3A_84, %get3A_85] {strides = array<i32>} : memref<640x16xf32, #tpu.memory_space<vmem>>, vector<1x16xf32>,
      %get3A_87 = vector.shape_cast %get3A_86 : vector<1x16xf32> to vector<16xf32>
      %swap3A_88 = arith.index_cast %scan3A_42 : i32 to index
      %swap3A_89 = arith.constant 48 : index
      %swap3A_90 = tpu.vector_load %arg10[%swap3A_88, %swap3A_89] {strides = array<i32>} : memref<80x128xf32, #tpu.memory_space<vmem>>, vector<1x16xf32>,
      %swap3A_91 = vector.shape_cast %swap3A_90 : vector<1x16xf32> to vector<16xf32>
      %swap3A_92 = vector.shape_cast %get3A_87 : vector<16xf32> to vector<1x16xf32>
      tpu.vector_store %arg10[%swap3A_88, %swap3A_89], %swap3A_92 {strides = array<i32>} : memref<80x128xf32, #tpu.memory_space<vmem>>, vector<1x16xf32>,
      %mul3A_93 = arith.constant 8 : i32
      %mul3A_94 = arith.muli %scan3A_42, %mul3A_93 : i32
      %add3A_95 = arith.constant 4 : i32
      %add3A_96 = arith.addi %mul3A_94, %add3A_95 : i32
      %get3A_97 = arith.index_cast %add3A_96 : i32 to index
      %get3A_98 = arith.constant 0 : index
      %get3A_99 = tpu.vector_load %arg9[%get3A_97, %get3A_98] {strides = array<i32>} : memref<640x16xf32, #tpu.memory_space<vmem>>, vector<1x16xf32>,
      %get3A_100 = vector.shape_cast %get3A_99 : vector<1x16xf32> to vector<16xf32>
      %swap3A_101 = arith.index_cast %scan3A_42 : i32 to index
      %swap3A_102 = arith.constant 64 : index
      %swap3A_103 = tpu.vector_load %arg10[%swap3A_101, %swap3A_102] {strides = array<i32>} : memref<80x128xf32, #tpu.memory_space<vmem>>, vector<1x16xf32>,
      %swap3A_104 = vector.shape_cast %swap3A_103 : vector<1x16xf32> to vector<16xf32>
      %swap3A_105 = vector.shape_cast %get3A_100 : vector<16xf32> to vector<1x16xf32>
      tpu.vector_store %arg10[%swap3A_101, %swap3A_102], %swap3A_105 {strides = array<i32>} : memref<80x128xf32, #tpu.memory_space<vmem>>, vector<1x16xf32>,
      %mul3A_106 = arith.constant 8 : i32
      %mul3A_107 = arith.muli %scan3A_42, %mul3A_106 : i32
      %add3A_108 = arith.constant 5 : i32
      %add3A_109 = arith.addi %mul3A_107, %add3A_108 : i32
      %get3A_110 = arith.index_cast %add3A_109 : i32 to index
      %get3A_111 = arith.constant 0 : index
      %get3A_112 = tpu.vector_load %arg9[%get3A_110, %get3A_111] {strides = array<i32>} : memref<640x16xf32, #tpu.memory_space<vmem>>, vector<1x16xf32>,
      %get3A_113 = vector.shape_cast %get3A_112 : vector<1x16xf32> to vector<16xf32>
      %swap3A_114 = arith.index_cast %scan3A_42 : i32 to index
      %swap3A_115 = arith.constant 80 : index
      %swap3A_116 = tpu.vector_load %arg10[%swap3A_114, %swap3A_115] {strides = array<i32>} : memref<80x128xf32, #tpu.memory_space<vmem>>, vector<1x16xf32>,
      %swap3A_117 = vector.shape_cast %swap3A_116 : vector<1x16xf32> to vector<16xf32>
      %swap3A_118 = vector.shape_cast %get3A_113 : vector<16xf32> to vector<1x16xf32>
      tpu.vector_store %arg10[%swap3A_114, %swap3A_115], %swap3A_118 {strides = array<i32>} : memref<80x128xf32, #tpu.memory_space<vmem>>, vector<1x16xf32>,
      %mul3A_119 = arith.constant 8 : i32
      %mul3A_120 = arith.muli %scan3A_42, %mul3A_119 : i32
      %add3A_121 = arith.constant 6 : i32
      %add3A_122 = arith.addi %mul3A_120, %add3A_121 : i32
      %get3A_123 = arith.index_cast %add3A_122 : i32 to index
      %get3A_124 = arith.constant 0 : index
      %get3A_125 = tpu.vector_load %arg9[%get3A_123, %get3A_124] {strides = array<i32>} : memref<640x16xf32, #tpu.memory_space<vmem>>, vector<1x16xf32>,
      %get3A_126 = vector.shape_cast %get3A_125 : vector<1x16xf32> to vector<16xf32>
      %swap3A_127 = arith.index_cast %scan3A_42 : i32 to index
      %swap3A_128 = arith.constant 96 : index
      %swap3A_129 = tpu.vector_load %arg10[%swap3A_127, %swap3A_128] {strides = array<i32>} : memref<80x128xf32, #tpu.memory_space<vmem>>, vector<1x16xf32>,
      %swap3A_130 = vector.shape_cast %swap3A_129 : vector<1x16xf32> to vector<16xf32>
      %swap3A_131 = vector.shape_cast %get3A_126 : vector<16xf32> to vector<1x16xf32>
      tpu.vector_store %arg10[%swap3A_127, %swap3A_128], %swap3A_131 {strides = array<i32>} : memref<80x128xf32, #tpu.memory_space<vmem>>, vector<1x16xf32>,
      %mul3A_132 = arith.constant 8 : i32
      %mul3A_133 = arith.muli %scan3A_42, %mul3A_132 : i32
      %add3A_134 = arith.constant 7 : i32
      %add3A_135 = arith.addi %mul3A_133, %add3A_134 : i32
      %get3A_136 = arith.index_cast %add3A_135 : i32 to index
      %get3A_137 = arith.constant 0 : index
      %get3A_138 = tpu.vector_load %arg9[%get3A_136, %get3A_137] {strides = array<i32>} : memref<640x16xf32, #tpu.memory_space<vmem>>, vector<1x16xf32>,
      %get3A_139 = vector.shape_cast %get3A_138 : vector<1x16xf32> to vector<16xf32>
      %swap3A_140 = arith.index_cast %scan3A_42 : i32 to index
      %swap3A_141 = arith.constant 112 : index
      %swap3A_142 = tpu.vector_load %arg10[%swap3A_140, %swap3A_141] {strides = array<i32>} : memref<80x128xf32, #tpu.memory_space<vmem>>, vector<1x16xf32>,
      %swap3A_143 = vector.shape_cast %swap3A_142 : vector<1x16xf32> to vector<16xf32>
      %swap3A_144 = vector.shape_cast %get3A_139 : vector<16xf32> to vector<1x16xf32>
      tpu.vector_store %arg10[%swap3A_140, %swap3A_141], %swap3A_144 {strides = array<i32>} : memref<80x128xf32, #tpu.memory_space<vmem>>, vector<1x16xf32>,
    }
    %scan3A_36 = arith.constant 78 : i32
    "tpu.region"() ({
      %run_scoped3A = tpu.sem_alloc : memref<!tpu.dma_semaphore, #tpu.memory_space<semaphore_mem>>
      %dma_start3A = arith.constant 0 : i32
      %dma_start3A_42 = arith.constant 0 : i32
      %dma_start3A_43 = tpu.memref_slice %arg10[%dma_start3A, %dma_start3A_42] : memref<80x128xf32, #tpu.memory_space<vmem>> -> memref<78x128xf32, #tpu.memory_space<vmem>>
      %dma_start3A_44 = arith.constant 0 : i32
      %dma_start3A_45 = tpu.memref_slice %arg5[%arg0, %select_n3A, %dma_start3A_44] : memref<2x1280x128xf32, #tpu.memory_space<hbm>> -> memref<1x78x128xf32, #tpu.memory_space<hbm>>
      %dma_start3A_46 = tpu.memref_squeeze %dma_start3A_45 : memref<1x78x128xf32, #tpu.memory_space<hbm>> -> memref<78x128xf32, #tpu.memory_space<hbm>>
      %dma_start3A_47 = arith.constant 0 : i32
      %dma_start3A_48 = tpu.memref_slice %arg5[%arg0, %select_n3A, %dma_start3A_47] : memref<2x1280x128xf32, #tpu.memory_space<hbm>> -> memref<1x78x128xf32, #tpu.memory_space<hbm>>
      %dma_start3A_49 = tpu.memref_squeeze %dma_start3A_48 : memref<1x78x128xf32, #tpu.memory_space<hbm>> -> memref<78x128xf32, #tpu.memory_space<hbm>>
      %dma_start3A_50 = arith.constant 0 : i32
      %dma_start3A_51 = arith.constant 0 : i32
      %dma_start3A_52 = tpu.memref_slice %arg10[%dma_start3A_50, %dma_start3A_51] : memref<80x128xf32, #tpu.memory_space<vmem>> -> memref<78x128xf32, #tpu.memory_space<vmem>>
      tpu.enqueue_dma source(%dma_start3A_52 : memref<78x128xf32, #tpu.memory_space<vmem>>) target(%dma_start3A_49 : memref<78x128xf32, #tpu.memory_space<hbm>>) target_semaphore(%run_scoped3A : memref<!tpu.dma_semaphore, #tpu.memory_space<semaphore_mem>>)
      %dma_wait3A = arith.constant 0 : i32
      %dma_wait3A_53 = arith.constant 0 : i32
      %dma_wait3A_54 = tpu.memref_slice %arg10[%dma_wait3A, %dma_wait3A_53] : memref<80x128xf32, #tpu.memory_space<vmem>> -> memref<78x128xf32, #tpu.memory_space<vmem>>
      %dma_wait3A_55 = arith.constant 0 : i32
      %dma_wait3A_56 = tpu.memref_slice %arg5[%arg0, %select_n3A, %dma_wait3A_55] : memref<2x1280x128xf32, #tpu.memory_space<hbm>> -> memref<1x78x128xf32, #tpu.memory_space<hbm>>
      %dma_wait3A_57 = tpu.memref_squeeze %dma_wait3A_56 : memref<1x78x128xf32, #tpu.memory_space<hbm>> -> memref<78x128xf32, #tpu.memory_space<hbm>>
      %dma_wait3A_58 = arith.constant 0 : i32
      %dma_wait3A_59 = tpu.memref_slice %arg5[%arg0, %select_n3A, %dma_wait3A_58] : memref<2x1280x128xf32, #tpu.memory_space<hbm>> -> memref<1x78x128xf32, #tpu.memory_space<hbm>>
      %dma_wait3A_60 = tpu.memref_squeeze %dma_wait3A_59 : memref<1x78x128xf32, #tpu.memory_space<hbm>> -> memref<78x128xf32, #tpu.memory_space<hbm>>
      %dma_wait3A_61 = arith.constant 0 : i32
      %dma_wait3A_62 = arith.constant 0 : i32
      %dma_wait3A_63 = tpu.memref_slice %arg10[%dma_wait3A_61, %dma_wait3A_62] : memref<80x128xf32, #tpu.memory_space<vmem>> -> memref<78x128xf32, #tpu.memory_space<vmem>>
      tpu.wait_dma2 semaphore(%run_scoped3A : memref<!tpu.dma_semaphore, #tpu.memory_space<semaphore_mem>>) src(%dma_wait3A_63 : memref<78x128xf32, #tpu.memory_space<vmem>>) dst(%dma_wait3A_60 : memref<78x128xf32, #tpu.memory_space<hbm>>)
      tpu.yield
    }) : () -> ()
    %eq3A_37 = arith.constant 15 : i32
    %eq3A_38 = arith.cmpi eq, %arg1, %eq3A_37 : i32
    %convert_element_type3A_39 = arith.extui %eq3A_38 : i1 to i32
    %cond3A_40 = arith.constant 0 : i32
    %cond3A_41 = arith.cmpi ne, %convert_element_type3A_39, %cond3A_40 : i32
    scf.if %cond3A_41 {
      "tpu.region"() ({
        %run_scoped3A = tpu.sem_alloc : memref<!tpu.dma_semaphore, #tpu.memory_space<semaphore_mem>>
        %dma_start3A = arith.constant 0 : i32
        %dma_start3A_48 = arith.constant 0 : i32
        %dma_start3A_49 = tpu.memref_slice %arg9[%dma_start3A, %dma_start3A_48] : memref<640x16xf32, #tpu.memory_space<vmem>> -> memref<16x16xf32, #tpu.memory_space<vmem>>
        %dma_start3A_50 = arith.constant 9984 : i32
        %dma_start3A_51 = arith.constant 0 : i32
        %dma_start3A_52 = tpu.memref_slice %arg11[%dma_start3A_50, %dma_start3A_51] : memref<10000x16xf32, #tpu.memory_space<vmem_shared>> -> memref<16x16xf32, #tpu.memory_space<vmem_shared>>
        %dma_start3A_53 = arith.constant 0 : i32
        %dma_start3A_54 = arith.constant 0 : i32
        %dma_start3A_55 = tpu.memref_slice %arg9[%dma_start3A_53, %dma_start3A_54] : memref<640x16xf32, #tpu.memory_space<vmem>> -> memref<16x16xf32, #tpu.memory_space<vmem>>
        %dma_start3A_56 = arith.constant 9984 : i32
        %dma_start3A_57 = arith.constant 0 : i32
        %dma_start3A_58 = tpu.memref_slice %arg11[%dma_start3A_56, %dma_start3A_57] : memref<10000x16xf32, #tpu.memory_space<vmem_shared>> -> memref<16x16xf32, #tpu.memory_space<vmem_shared>>
        tpu.enqueue_dma source(%dma_start3A_58 : memref<16x16xf32, #tpu.memory_space<vmem_shared>>) target(%dma_start3A_55 : memref<16x16xf32, #tpu.memory_space<vmem>>) target_semaphore(%run_scoped3A : memref<!tpu.dma_semaphore, #tpu.memory_space<semaphore_mem>>)
        %dma_wait3A = arith.constant 0 : i32
        %dma_wait3A_59 = arith.constant 0 : i32
        %dma_wait3A_60 = tpu.memref_slice %arg9[%dma_wait3A, %dma_wait3A_59] : memref<640x16xf32, #tpu.memory_space<vmem>> -> memref<16x16xf32, #tpu.memory_space<vmem>>
        %dma_wait3A_61 = arith.constant 9984 : i32
        %dma_wait3A_62 = arith.constant 0 : i32
        %dma_wait3A_63 = tpu.memref_slice %arg11[%dma_wait3A_61, %dma_wait3A_62] : memref<10000x16xf32, #tpu.memory_space<vmem_shared>> -> memref<16x16xf32, #tpu.memory_space<vmem_shared>>
        %dma_wait3A_64 = arith.constant 0 : i32
        %dma_wait3A_65 = arith.constant 0 : i32
        %dma_wait3A_66 = tpu.memref_slice %arg9[%dma_wait3A_64, %dma_wait3A_65] : memref<640x16xf32, #tpu.memory_space<vmem>> -> memref<16x16xf32, #tpu.memory_space<vmem>>
        %dma_wait3A_67 = arith.constant 9984 : i32
        %dma_wait3A_68 = arith.constant 0 : i32
        %dma_wait3A_69 = tpu.memref_slice %arg11[%dma_wait3A_67, %dma_wait3A_68] : memref<10000x16xf32, #tpu.memory_space<vmem_shared>> -> memref<16x16xf32, #tpu.memory_space<vmem_shared>>
        tpu.wait_dma2 semaphore(%run_scoped3A : memref<!tpu.dma_semaphore, #tpu.memory_space<semaphore_mem>>) src(%dma_wait3A_69 : memref<16x16xf32, #tpu.memory_space<vmem_shared>>) dst(%dma_wait3A_66 : memref<16x16xf32, #tpu.memory_space<vmem>>)
        tpu.yield
      }) : () -> ()
      %scan3A_42 = arith.constant 0 : i32
      %scan3A_43 = arith.constant 0 : i32
      %scan3A_44 = arith.constant 2 : i32
      %scan3A_45 = arith.addi %scan3A_43, %scan3A_44 : i32
      %scan3A_46 = arith.constant 1 : i32
      scf.for %scan3A_48 = %scan3A_43 to %scan3A_45 step %scan3A_46  : i32 {
        %mul3A_49 = arith.constant 8 : i32
        %mul3A_50 = arith.muli %scan3A_48, %mul3A_49 : i32
        %add3A_51 = arith.constant 0 : i32
        %add3A_52 = arith.addi %mul3A_50, %add3A_51 : i32
        %get3A = arith.index_cast %add3A_52 : i32 to index
        %get3A_53 = arith.constant 0 : index
        %get3A_54 = tpu.vector_load %arg9[%get3A, %get3A_53] {strides = array<i32>} : memref<640x16xf32, #tpu.memory_space<vmem>>, vector<1x16xf32>,
        %get3A_55 = vector.shape_cast %get3A_54 : vector<1x16xf32> to vector<16xf32>
        %swap3A = arith.index_cast %scan3A_48 : i32 to index
        %swap3A_56 = arith.constant 0 : index
        %swap3A_57 = tpu.vector_load %arg10[%swap3A, %swap3A_56] {strides = array<i32>} : memref<80x128xf32, #tpu.memory_space<vmem>>, vector<1x16xf32>,
        %swap3A_58 = vector.shape_cast %swap3A_57 : vector<1x16xf32> to vector<16xf32>
        %swap3A_59 = vector.shape_cast %get3A_55 : vector<16xf32> to vector<1x16xf32>
        tpu.vector_store %arg10[%swap3A, %swap3A_56], %swap3A_59 {strides = array<i32>} : memref<80x128xf32, #tpu.memory_space<vmem>>, vector<1x16xf32>,
        %mul3A_60 = arith.constant 8 : i32
        %mul3A_61 = arith.muli %scan3A_48, %mul3A_60 : i32
        %add3A_62 = arith.constant 1 : i32
        %add3A_63 = arith.addi %mul3A_61, %add3A_62 : i32
        %get3A_64 = arith.index_cast %add3A_63 : i32 to index
        %get3A_65 = arith.constant 0 : index
        %get3A_66 = tpu.vector_load %arg9[%get3A_64, %get3A_65] {strides = array<i32>} : memref<640x16xf32, #tpu.memory_space<vmem>>, vector<1x16xf32>,
        %get3A_67 = vector.shape_cast %get3A_66 : vector<1x16xf32> to vector<16xf32>
        %swap3A_68 = arith.index_cast %scan3A_48 : i32 to index
        %swap3A_69 = arith.constant 16 : index
        %swap3A_70 = tpu.vector_load %arg10[%swap3A_68, %swap3A_69] {strides = array<i32>} : memref<80x128xf32, #tpu.memory_space<vmem>>, vector<1x16xf32>,
        %swap3A_71 = vector.shape_cast %swap3A_70 : vector<1x16xf32> to vector<16xf32>
        %swap3A_72 = vector.shape_cast %get3A_67 : vector<16xf32> to vector<1x16xf32>
        tpu.vector_store %arg10[%swap3A_68, %swap3A_69], %swap3A_72 {strides = array<i32>} : memref<80x128xf32, #tpu.memory_space<vmem>>, vector<1x16xf32>,
        %mul3A_73 = arith.constant 8 : i32
        %mul3A_74 = arith.muli %scan3A_48, %mul3A_73 : i32
        %add3A_75 = arith.constant 2 : i32
        %add3A_76 = arith.addi %mul3A_74, %add3A_75 : i32
        %get3A_77 = arith.index_cast %add3A_76 : i32 to index
        %get3A_78 = arith.constant 0 : index
        %get3A_79 = tpu.vector_load %arg9[%get3A_77, %get3A_78] {strides = array<i32>} : memref<640x16xf32, #tpu.memory_space<vmem>>, vector<1x16xf32>,
        %get3A_80 = vector.shape_cast %get3A_79 : vector<1x16xf32> to vector<16xf32>
        %swap3A_81 = arith.index_cast %scan3A_48 : i32 to index
        %swap3A_82 = arith.constant 32 : index
        %swap3A_83 = tpu.vector_load %arg10[%swap3A_81, %swap3A_82] {strides = array<i32>} : memref<80x128xf32, #tpu.memory_space<vmem>>, vector<1x16xf32>,
        %swap3A_84 = vector.shape_cast %swap3A_83 : vector<1x16xf32> to vector<16xf32>
        %swap3A_85 = vector.shape_cast %get3A_80 : vector<16xf32> to vector<1x16xf32>
        tpu.vector_store %arg10[%swap3A_81, %swap3A_82], %swap3A_85 {strides = array<i32>} : memref<80x128xf32, #tpu.memory_space<vmem>>, vector<1x16xf32>,
        %mul3A_86 = arith.constant 8 : i32
        %mul3A_87 = arith.muli %scan3A_48, %mul3A_86 : i32
        %add3A_88 = arith.constant 3 : i32
        %add3A_89 = arith.addi %mul3A_87, %add3A_88 : i32
        %get3A_90 = arith.index_cast %add3A_89 : i32 to index
        %get3A_91 = arith.constant 0 : index
        %get3A_92 = tpu.vector_load %arg9[%get3A_90, %get3A_91] {strides = array<i32>} : memref<640x16xf32, #tpu.memory_space<vmem>>, vector<1x16xf32>,
        %get3A_93 = vector.shape_cast %get3A_92 : vector<1x16xf32> to vector<16xf32>
        %swap3A_94 = arith.index_cast %scan3A_48 : i32 to index
        %swap3A_95 = arith.constant 48 : index
        %swap3A_96 = tpu.vector_load %arg10[%swap3A_94, %swap3A_95] {strides = array<i32>} : memref<80x128xf32, #tpu.memory_space<vmem>>, vector<1x16xf32>,
        %swap3A_97 = vector.shape_cast %swap3A_96 : vector<1x16xf32> to vector<16xf32>
        %swap3A_98 = vector.shape_cast %get3A_93 : vector<16xf32> to vector<1x16xf32>
        tpu.vector_store %arg10[%swap3A_94, %swap3A_95], %swap3A_98 {strides = array<i32>} : memref<80x128xf32, #tpu.memory_space<vmem>>, vector<1x16xf32>,
        %mul3A_99 = arith.constant 8 : i32
        %mul3A_100 = arith.muli %scan3A_48, %mul3A_99 : i32
        %add3A_101 = arith.constant 4 : i32
        %add3A_102 = arith.addi %mul3A_100, %add3A_101 : i32
        %get3A_103 = arith.index_cast %add3A_102 : i32 to index
        %get3A_104 = arith.constant 0 : index
        %get3A_105 = tpu.vector_load %arg9[%get3A_103, %get3A_104] {strides = array<i32>} : memref<640x16xf32, #tpu.memory_space<vmem>>, vector<1x16xf32>,
        %get3A_106 = vector.shape_cast %get3A_105 : vector<1x16xf32> to vector<16xf32>
        %swap3A_107 = arith.index_cast %scan3A_48 : i32 to index
        %swap3A_108 = arith.constant 64 : index
        %swap3A_109 = tpu.vector_load %arg10[%swap3A_107, %swap3A_108] {strides = array<i32>} : memref<80x128xf32, #tpu.memory_space<vmem>>, vector<1x16xf32>,
        %swap3A_110 = vector.shape_cast %swap3A_109 : vector<1x16xf32> to vector<16xf32>
        %swap3A_111 = vector.shape_cast %get3A_106 : vector<16xf32> to vector<1x16xf32>
        tpu.vector_store %arg10[%swap3A_107, %swap3A_108], %swap3A_111 {strides = array<i32>} : memref<80x128xf32, #tpu.memory_space<vmem>>, vector<1x16xf32>,
        %mul3A_112 = arith.constant 8 : i32
        %mul3A_113 = arith.muli %scan3A_48, %mul3A_112 : i32
        %add3A_114 = arith.constant 5 : i32
        %add3A_115 = arith.addi %mul3A_113, %add3A_114 : i32
        %get3A_116 = arith.index_cast %add3A_115 : i32 to index
        %get3A_117 = arith.constant 0 : index
        %get3A_118 = tpu.vector_load %arg9[%get3A_116, %get3A_117] {strides = array<i32>} : memref<640x16xf32, #tpu.memory_space<vmem>>, vector<1x16xf32>,
        %get3A_119 = vector.shape_cast %get3A_118 : vector<1x16xf32> to vector<16xf32>
        %swap3A_120 = arith.index_cast %scan3A_48 : i32 to index
        %swap3A_121 = arith.constant 80 : index
        %swap3A_122 = tpu.vector_load %arg10[%swap3A_120, %swap3A_121] {strides = array<i32>} : memref<80x128xf32, #tpu.memory_space<vmem>>, vector<1x16xf32>,
        %swap3A_123 = vector.shape_cast %swap3A_122 : vector<1x16xf32> to vector<16xf32>
        %swap3A_124 = vector.shape_cast %get3A_119 : vector<16xf32> to vector<1x16xf32>
        tpu.vector_store %arg10[%swap3A_120, %swap3A_121], %swap3A_124 {strides = array<i32>} : memref<80x128xf32, #tpu.memory_space<vmem>>, vector<1x16xf32>,
        %mul3A_125 = arith.constant 8 : i32
        %mul3A_126 = arith.muli %scan3A_48, %mul3A_125 : i32
        %add3A_127 = arith.constant 6 : i32
        %add3A_128 = arith.addi %mul3A_126, %add3A_127 : i32
        %get3A_129 = arith.index_cast %add3A_128 : i32 to index
        %get3A_130 = arith.constant 0 : index
        %get3A_131 = tpu.vector_load %arg9[%get3A_129, %get3A_130] {strides = array<i32>} : memref<640x16xf32, #tpu.memory_space<vmem>>, vector<1x16xf32>,
        %get3A_132 = vector.shape_cast %get3A_131 : vector<1x16xf32> to vector<16xf32>
        %swap3A_133 = arith.index_cast %scan3A_48 : i32 to index
        %swap3A_134 = arith.constant 96 : index
        %swap3A_135 = tpu.vector_load %arg10[%swap3A_133, %swap3A_134] {strides = array<i32>} : memref<80x128xf32, #tpu.memory_space<vmem>>, vector<1x16xf32>,
        %swap3A_136 = vector.shape_cast %swap3A_135 : vector<1x16xf32> to vector<16xf32>
        %swap3A_137 = vector.shape_cast %get3A_132 : vector<16xf32> to vector<1x16xf32>
        tpu.vector_store %arg10[%swap3A_133, %swap3A_134], %swap3A_137 {strides = array<i32>} : memref<80x128xf32, #tpu.memory_space<vmem>>, vector<1x16xf32>,
        %mul3A_138 = arith.constant 8 : i32
        %mul3A_139 = arith.muli %scan3A_48, %mul3A_138 : i32
        %add3A_140 = arith.constant 7 : i32
        %add3A_141 = arith.addi %mul3A_139, %add3A_140 : i32
        %get3A_142 = arith.index_cast %add3A_141 : i32 to index
        %get3A_143 = arith.constant 0 : index
        %get3A_144 = tpu.vector_load %arg9[%get3A_142, %get3A_143] {strides = array<i32>} : memref<640x16xf32, #tpu.memory_space<vmem>>, vector<1x16xf32>,
        %get3A_145 = vector.shape_cast %get3A_144 : vector<1x16xf32> to vector<16xf32>
        %swap3A_146 = arith.index_cast %scan3A_48 : i32 to index
        %swap3A_147 = arith.constant 112 : index
        %swap3A_148 = tpu.vector_load %arg10[%swap3A_146, %swap3A_147] {strides = array<i32>} : memref<80x128xf32, #tpu.memory_space<vmem>>, vector<1x16xf32>,
        %swap3A_149 = vector.shape_cast %swap3A_148 : vector<1x16xf32> to vector<16xf32>
        %swap3A_150 = vector.shape_cast %get3A_145 : vector<16xf32> to vector<1x16xf32>
        tpu.vector_store %arg10[%swap3A_146, %swap3A_147], %swap3A_150 {strides = array<i32>} : memref<80x128xf32, #tpu.memory_space<vmem>>, vector<1x16xf32>,
      }
      %scan3A_47 = arith.constant 2 : i32
      "tpu.region"() ({
        %run_scoped3A = tpu.sem_alloc : memref<!tpu.dma_semaphore, #tpu.memory_space<semaphore_mem>>
        %dma_start3A = arith.constant 0 : i32
        %dma_start3A_48 = arith.constant 0 : i32
        %dma_start3A_49 = tpu.memref_slice %arg10[%dma_start3A, %dma_start3A_48] : memref<80x128xf32, #tpu.memory_space<vmem>> -> memref<2x128xf32, #tpu.memory_space<vmem>>
        %dma_start3A_50 = arith.constant 1248 : i32
        %dma_start3A_51 = arith.constant 0 : i32
        %dma_start3A_52 = tpu.memref_slice %arg5[%arg0, %dma_start3A_50, %dma_start3A_51] : memref<2x1280x128xf32, #tpu.memory_space<hbm>> -> memref<1x2x128xf32, #tpu.memory_space<hbm>>
        %dma_start3A_53 = tpu.memref_squeeze %dma_start3A_52 : memref<1x2x128xf32, #tpu.memory_space<hbm>> -> memref<2x128xf32, #tpu.memory_space<hbm>>
        %dma_start3A_54 = arith.constant 1248 : i32
        %dma_start3A_55 = arith.constant 0 : i32
        %dma_start3A_56 = tpu.memref_slice %arg5[%arg0, %dma_start3A_54, %dma_start3A_55] : memref<2x1280x128xf32, #tpu.memory_space<hbm>> -> memref<1x2x128xf32, #tpu.memory_space<hbm>>
        %dma_start3A_57 = tpu.memref_squeeze %dma_start3A_56 : memref<1x2x128xf32, #tpu.memory_space<hbm>> -> memref<2x128xf32, #tpu.memory_space<hbm>>
        %dma_start3A_58 = arith.constant 0 : i32
        %dma_start3A_59 = arith.constant 0 : i32
        %dma_start3A_60 = tpu.memref_slice %arg10[%dma_start3A_58, %dma_start3A_59] : memref<80x128xf32, #tpu.memory_space<vmem>> -> memref<2x128xf32, #tpu.memory_space<vmem>>
        tpu.enqueue_dma source(%dma_start3A_60 : memref<2x128xf32, #tpu.memory_space<vmem>>) target(%dma_start3A_57 : memref<2x128xf32, #tpu.memory_space<hbm>>) target_semaphore(%run_scoped3A : memref<!tpu.dma_semaphore, #tpu.memory_space<semaphore_mem>>)
        %dma_wait3A = arith.constant 0 : i32
        %dma_wait3A_61 = arith.constant 0 : i32
        %dma_wait3A_62 = tpu.memref_slice %arg10[%dma_wait3A, %dma_wait3A_61] : memref<80x128xf32, #tpu.memory_space<vmem>> -> memref<2x128xf32, #tpu.memory_space<vmem>>
        %dma_wait3A_63 = arith.constant 1248 : i32
        %dma_wait3A_64 = arith.constant 0 : i32
        %dma_wait3A_65 = tpu.memref_slice %arg5[%arg0, %dma_wait3A_63, %dma_wait3A_64] : memref<2x1280x128xf32, #tpu.memory_space<hbm>> -> memref<1x2x128xf32, #tpu.memory_space<hbm>>
        %dma_wait3A_66 = tpu.memref_squeeze %dma_wait3A_65 : memref<1x2x128xf32, #tpu.memory_space<hbm>> -> memref<2x128xf32, #tpu.memory_space<hbm>>
        %dma_wait3A_67 = arith.constant 1248 : i32
        %dma_wait3A_68 = arith.constant 0 : i32
        %dma_wait3A_69 = tpu.memref_slice %arg5[%arg0, %dma_wait3A_67, %dma_wait3A_68] : memref<2x1280x128xf32, #tpu.memory_space<hbm>> -> memref<1x2x128xf32, #tpu.memory_space<hbm>>
        %dma_wait3A_70 = tpu.memref_squeeze %dma_wait3A_69 : memref<1x2x128xf32, #tpu.memory_space<hbm>> -> memref<2x128xf32, #tpu.memory_space<hbm>>
        %dma_wait3A_71 = arith.constant 0 : i32
        %dma_wait3A_72 = arith.constant 0 : i32
        %dma_wait3A_73 = tpu.memref_slice %arg10[%dma_wait3A_71, %dma_wait3A_72] : memref<80x128xf32, #tpu.memory_space<vmem>> -> memref<2x128xf32, #tpu.memory_space<vmem>>
        tpu.wait_dma2 semaphore(%run_scoped3A : memref<!tpu.dma_semaphore, #tpu.memory_space<semaphore_mem>>) src(%dma_wait3A_73 : memref<2x128xf32, #tpu.memory_space<vmem>>) dst(%dma_wait3A_70 : memref<2x128xf32, #tpu.memory_space<hbm>>)
        tpu.yield
      }) : () -> ()
    } else {
    }
    return
  }
}

module attributes {stable_mosaic.version = 14 : i64} {
  func.func @body(%arg0: i32, %arg1: memref<2000x4xbf16, #tpu.memory_space<vmem>>, %arg2: memref<1x250x128xf32, #tpu.memory_space<vmem>>, %arg3: memref<4x256xf32, #tpu.memory_space<vmem>>, %arg4: memref<256x256xf32, #tpu.memory_space<vmem>>, %arg5: memref<1024x256xf32, #tpu.memory_space<vmem>>, %arg6: memref<2048x128xf32, #tpu.memory_space<vmem>>, %arg7: memref<1x250x128xf32, #tpu.memory_space<vmem>>) attributes {dimension_semantics = [#tpu.dimension_semantics<arbitrary>], iteration_bounds = array<i64: 160>, scalar_prefetch = 0 : i64, scratch_operands = 0 : i64, tpu.core_type = #tpu.core_type<tc>, window_params = [{transform_indices = @transform_0, window_bounds = array<i64: 2000, 4>}, {transform_indices = @transform_1, window_bounds = array<i64: 1, 250, 128>}, {pipeline_mode = #tpu.pipeline_mode<synchronous>, transform_indices = @transform_2, window_bounds = array<i64: 4, 256>}, {pipeline_mode = #tpu.pipeline_mode<synchronous>, transform_indices = @transform_3, window_bounds = array<i64: 256, 256>}, {pipeline_mode = #tpu.pipeline_mode<synchronous>, transform_indices = @transform_4, window_bounds = array<i64: 1024, 256>}, {pipeline_mode = #tpu.pipeline_mode<synchronous>, transform_indices = @transform_5, window_bounds = array<i64: 2048, 128>}, {transform_indices = @transform_6, window_bounds = array<i64: 1, 250, 128>}]} {
    %get3A = arith.constant 0 : index
    %get3A_0 = arith.constant 0 : index
    %get3A_1 = vector.load %arg1[%get3A, %get3A_0] : memref<2000x4xbf16, #tpu.memory_space<vmem>>, vector<2000x4xbf16>
    %convert_element_type3A = arith.extf %get3A_1 : vector<2000x4xbf16> to vector<2000x4xf32>
    %get3A_2 = arith.constant 0 : index
    %get3A_3 = arith.constant 0 : index
    %get3A_4 = vector.load %arg3[%get3A_2, %get3A_3] : memref<4x256xf32, #tpu.memory_space<vmem>>, vector<4x256xf32>
    %dot_general3A = arith.constant dense<0.000000e+00> : vector<2000x256xf32>
    %dot_general3A_5 = tpu.matmul %convert_element_type3A, %get3A_4, %dot_general3A {dimension_numbers = #tpu.dot_dimension_numbers<[1], [0], [0], [1], [0, 0, 1, 1], [], []>, transpose_lhs_hint = false} : vector<2000x4xf32>, vector<4x256xf32>, vector<2000x256xf32> -> vector<2000x256xf32>
    %max3A = arith.constant 0.000000e+00 : f32
    %max3A_6 = vector.broadcast %max3A : f32 to vector<2000x256xf32>
    %max3A_7 = arith.maximumf %dot_general3A_5, %max3A_6 : vector<2000x256xf32>
    %get3A_8 = arith.constant 0 : index
    %get3A_9 = arith.constant 0 : index
    %get3A_10 = vector.load %arg4[%get3A_8, %get3A_9] : memref<256x256xf32, #tpu.memory_space<vmem>>, vector<256x256xf32>
    %dot_general3A_11 = arith.constant dense<0.000000e+00> : vector<2000x256xf32>
    %dot_general3A_12 = tpu.matmul %max3A_7, %get3A_10, %dot_general3A_11 {dimension_numbers = #tpu.dot_dimension_numbers<[1], [0], [0], [1], [0, 0, 1, 1], [], []>, transpose_lhs_hint = false} : vector<2000x256xf32>, vector<256x256xf32>, vector<2000x256xf32> -> vector<2000x256xf32>
    %slice3A = vector.extract_strided_slice %convert_element_type3A {offsets = [0, 3], sizes = [2000, 1], strides = [1, 1]} : vector<2000x4xf32> to vector<2000x1xf32>
    %mul3A = vector.broadcast %slice3A : vector<2000x1xf32> to vector<2000x256xf32>
    %mul3A_13 = arith.mulf %dot_general3A_12, %mul3A : vector<2000x256xf32>
    %get3A_14 = arith.constant 0 : index
    %get3A_15 = arith.constant 0 : index
    %get3A_16 = arith.constant 0 : index
    %get3A_17 = vector.load %arg2[%get3A_14, %get3A_15, %get3A_16] : memref<1x250x128xf32, #tpu.memory_space<vmem>>, vector<1x250x128xf32>
    %get3A_18 = vector.shape_cast %get3A_17 : vector<1x250x128xf32> to vector<250x128xf32>
    %get3A_19 = arith.constant 0 : index
    %get3A_20 = arith.constant 0 : index
    %get3A_21 = vector.load %arg5[%get3A_19, %get3A_20] : memref<1024x256xf32, #tpu.memory_space<vmem>>, vector<128x256xf32>
    %dot_general3A_22 = arith.constant dense<0.000000e+00> : vector<250x256xf32>
    %dot_general3A_23 = tpu.matmul %get3A_18, %get3A_21, %dot_general3A_22 {dimension_numbers = #tpu.dot_dimension_numbers<[1], [0], [0], [1], [0, 0, 1, 1], [], []>, transpose_lhs_hint = false} : vector<250x128xf32>, vector<128x256xf32>, vector<250x256xf32> -> vector<250x256xf32>
    %slice3A_24 = vector.extract_strided_slice %mul3A_13 {offsets = [0, 0], sizes = [250, 256], strides = [1, 1]} : vector<2000x256xf32> to vector<250x256xf32>
    %mul3A_25 = arith.mulf %dot_general3A_23, %slice3A_24 : vector<250x256xf32>
    %get3A_26 = arith.constant 0 : index
    %get3A_27 = arith.constant 0 : index
    %get3A_28 = vector.load %arg6[%get3A_26, %get3A_27] : memref<2048x128xf32, #tpu.memory_space<vmem>>, vector<256x128xf32>
    %dot_general3A_29 = arith.constant dense<0.000000e+00> : vector<250x128xf32>
    %dot_general3A_30 = tpu.matmul %mul3A_25, %get3A_28, %dot_general3A_29 {dimension_numbers = #tpu.dot_dimension_numbers<[1], [0], [0], [1], [0, 0, 1, 1], [], []>, transpose_lhs_hint = false} : vector<250x256xf32>, vector<256x128xf32>, vector<250x128xf32> -> vector<250x128xf32>
    %get3A_31 = arith.constant 128 : index
    %get3A_32 = arith.constant 0 : index
    %get3A_33 = vector.load %arg5[%get3A_31, %get3A_32] : memref<1024x256xf32, #tpu.memory_space<vmem>>, vector<128x256xf32>
    %dot_general3A_34 = arith.constant dense<0.000000e+00> : vector<250x256xf32>
    %dot_general3A_35 = tpu.matmul %get3A_18, %get3A_33, %dot_general3A_34 {dimension_numbers = #tpu.dot_dimension_numbers<[1], [0], [0], [1], [0, 0, 1, 1], [], []>, transpose_lhs_hint = false} : vector<250x128xf32>, vector<128x256xf32>, vector<250x256xf32> -> vector<250x256xf32>
    %slice3A_36 = vector.extract_strided_slice %mul3A_13 {offsets = [250, 0], sizes = [250, 256], strides = [1, 1]} : vector<2000x256xf32> to vector<250x256xf32>
    %mul3A_37 = arith.mulf %dot_general3A_35, %slice3A_36 : vector<250x256xf32>
    %get3A_38 = arith.constant 256 : index
    %get3A_39 = arith.constant 0 : index
    %get3A_40 = vector.load %arg6[%get3A_38, %get3A_39] : memref<2048x128xf32, #tpu.memory_space<vmem>>, vector<256x128xf32>
    %dot_general3A_41 = arith.constant dense<0.000000e+00> : vector<250x128xf32>
    %dot_general3A_42 = tpu.matmul %mul3A_37, %get3A_40, %dot_general3A_41 {dimension_numbers = #tpu.dot_dimension_numbers<[1], [0], [0], [1], [0, 0, 1, 1], [], []>, transpose_lhs_hint = false} : vector<250x256xf32>, vector<256x128xf32>, vector<250x128xf32> -> vector<250x128xf32>
    %add3A = arith.addf %dot_general3A_30, %dot_general3A_42 : vector<250x128xf32>
    %get3A_43 = arith.constant 256 : index
    %get3A_44 = arith.constant 0 : index
    %get3A_45 = vector.load %arg5[%get3A_43, %get3A_44] : memref<1024x256xf32, #tpu.memory_space<vmem>>, vector<128x256xf32>
    %dot_general3A_46 = arith.constant dense<0.000000e+00> : vector<250x256xf32>
    %dot_general3A_47 = tpu.matmul %get3A_18, %get3A_45, %dot_general3A_46 {dimension_numbers = #tpu.dot_dimension_numbers<[1], [0], [0], [1], [0, 0, 1, 1], [], []>, transpose_lhs_hint = false} : vector<250x128xf32>, vector<128x256xf32>, vector<250x256xf32> -> vector<250x256xf32>
    %slice3A_48 = vector.extract_strided_slice %mul3A_13 {offsets = [500, 0], sizes = [250, 256], strides = [1, 1]} : vector<2000x256xf32> to vector<250x256xf32>
    %mul3A_49 = arith.mulf %dot_general3A_47, %slice3A_48 : vector<250x256xf32>
    %get3A_50 = arith.constant 512 : index
    %get3A_51 = arith.constant 0 : index
    %get3A_52 = vector.load %arg6[%get3A_50, %get3A_51] : memref<2048x128xf32, #tpu.memory_space<vmem>>, vector<256x128xf32>
    %dot_general3A_53 = arith.constant dense<0.000000e+00> : vector<250x128xf32>
    %dot_general3A_54 = tpu.matmul %mul3A_49, %get3A_52, %dot_general3A_53 {dimension_numbers = #tpu.dot_dimension_numbers<[1], [0], [0], [1], [0, 0, 1, 1], [], []>, transpose_lhs_hint = false} : vector<250x256xf32>, vector<256x128xf32>, vector<250x128xf32> -> vector<250x128xf32>
    %add3A_55 = arith.addf %add3A, %dot_general3A_54 : vector<250x128xf32>
    %get3A_56 = arith.constant 384 : index
    %get3A_57 = arith.constant 0 : index
    %get3A_58 = vector.load %arg5[%get3A_56, %get3A_57] : memref<1024x256xf32, #tpu.memory_space<vmem>>, vector<128x256xf32>
    %dot_general3A_59 = arith.constant dense<0.000000e+00> : vector<250x256xf32>
    %dot_general3A_60 = tpu.matmul %get3A_18, %get3A_58, %dot_general3A_59 {dimension_numbers = #tpu.dot_dimension_numbers<[1], [0], [0], [1], [0, 0, 1, 1], [], []>, transpose_lhs_hint = false} : vector<250x128xf32>, vector<128x256xf32>, vector<250x256xf32> -> vector<250x256xf32>
    %slice3A_61 = vector.extract_strided_slice %mul3A_13 {offsets = [750, 0], sizes = [250, 256], strides = [1, 1]} : vector<2000x256xf32> to vector<250x256xf32>
    %mul3A_62 = arith.mulf %dot_general3A_60, %slice3A_61 : vector<250x256xf32>
    %get3A_63 = arith.constant 768 : index
    %get3A_64 = arith.constant 0 : index
    %get3A_65 = vector.load %arg6[%get3A_63, %get3A_64] : memref<2048x128xf32, #tpu.memory_space<vmem>>, vector<256x128xf32>
    %dot_general3A_66 = arith.constant dense<0.000000e+00> : vector<250x128xf32>
    %dot_general3A_67 = tpu.matmul %mul3A_62, %get3A_65, %dot_general3A_66 {dimension_numbers = #tpu.dot_dimension_numbers<[1], [0], [0], [1], [0, 0, 1, 1], [], []>, transpose_lhs_hint = false} : vector<250x256xf32>, vector<256x128xf32>, vector<250x128xf32> -> vector<250x128xf32>
    %add3A_68 = arith.addf %add3A_55, %dot_general3A_67 : vector<250x128xf32>
    %get3A_69 = arith.constant 512 : index
    %get3A_70 = arith.constant 0 : index
    %get3A_71 = vector.load %arg5[%get3A_69, %get3A_70] : memref<1024x256xf32, #tpu.memory_space<vmem>>, vector<128x256xf32>
    %dot_general3A_72 = arith.constant dense<0.000000e+00> : vector<250x256xf32>
    %dot_general3A_73 = tpu.matmul %get3A_18, %get3A_71, %dot_general3A_72 {dimension_numbers = #tpu.dot_dimension_numbers<[1], [0], [0], [1], [0, 0, 1, 1], [], []>, transpose_lhs_hint = false} : vector<250x128xf32>, vector<128x256xf32>, vector<250x256xf32> -> vector<250x256xf32>
    %slice3A_74 = vector.extract_strided_slice %mul3A_13 {offsets = [1000, 0], sizes = [250, 256], strides = [1, 1]} : vector<2000x256xf32> to vector<250x256xf32>
    %mul3A_75 = arith.mulf %dot_general3A_73, %slice3A_74 : vector<250x256xf32>
    %get3A_76 = arith.constant 1024 : index
    %get3A_77 = arith.constant 0 : index
    %get3A_78 = vector.load %arg6[%get3A_76, %get3A_77] : memref<2048x128xf32, #tpu.memory_space<vmem>>, vector<256x128xf32>
    %dot_general3A_79 = arith.constant dense<0.000000e+00> : vector<250x128xf32>
    %dot_general3A_80 = tpu.matmul %mul3A_75, %get3A_78, %dot_general3A_79 {dimension_numbers = #tpu.dot_dimension_numbers<[1], [0], [0], [1], [0, 0, 1, 1], [], []>, transpose_lhs_hint = false} : vector<250x256xf32>, vector<256x128xf32>, vector<250x128xf32> -> vector<250x128xf32>
    %add3A_81 = arith.addf %add3A_68, %dot_general3A_80 : vector<250x128xf32>
    %get3A_82 = arith.constant 640 : index
    %get3A_83 = arith.constant 0 : index
    %get3A_84 = vector.load %arg5[%get3A_82, %get3A_83] : memref<1024x256xf32, #tpu.memory_space<vmem>>, vector<128x256xf32>
    %dot_general3A_85 = arith.constant dense<0.000000e+00> : vector<250x256xf32>
    %dot_general3A_86 = tpu.matmul %get3A_18, %get3A_84, %dot_general3A_85 {dimension_numbers = #tpu.dot_dimension_numbers<[1], [0], [0], [1], [0, 0, 1, 1], [], []>, transpose_lhs_hint = false} : vector<250x128xf32>, vector<128x256xf32>, vector<250x256xf32> -> vector<250x256xf32>
    %slice3A_87 = vector.extract_strided_slice %mul3A_13 {offsets = [1250, 0], sizes = [250, 256], strides = [1, 1]} : vector<2000x256xf32> to vector<250x256xf32>
    %mul3A_88 = arith.mulf %dot_general3A_86, %slice3A_87 : vector<250x256xf32>
    %get3A_89 = arith.constant 1280 : index
    %get3A_90 = arith.constant 0 : index
    %get3A_91 = vector.load %arg6[%get3A_89, %get3A_90] : memref<2048x128xf32, #tpu.memory_space<vmem>>, vector<256x128xf32>
    %dot_general3A_92 = arith.constant dense<0.000000e+00> : vector<250x128xf32>
    %dot_general3A_93 = tpu.matmul %mul3A_88, %get3A_91, %dot_general3A_92 {dimension_numbers = #tpu.dot_dimension_numbers<[1], [0], [0], [1], [0, 0, 1, 1], [], []>, transpose_lhs_hint = false} : vector<250x256xf32>, vector<256x128xf32>, vector<250x128xf32> -> vector<250x128xf32>
    %add3A_94 = arith.addf %add3A_81, %dot_general3A_93 : vector<250x128xf32>
    %get3A_95 = arith.constant 768 : index
    %get3A_96 = arith.constant 0 : index
    %get3A_97 = vector.load %arg5[%get3A_95, %get3A_96] : memref<1024x256xf32, #tpu.memory_space<vmem>>, vector<128x256xf32>
    %dot_general3A_98 = arith.constant dense<0.000000e+00> : vector<250x256xf32>
    %dot_general3A_99 = tpu.matmul %get3A_18, %get3A_97, %dot_general3A_98 {dimension_numbers = #tpu.dot_dimension_numbers<[1], [0], [0], [1], [0, 0, 1, 1], [], []>, transpose_lhs_hint = false} : vector<250x128xf32>, vector<128x256xf32>, vector<250x256xf32> -> vector<250x256xf32>
    %slice3A_100 = vector.extract_strided_slice %mul3A_13 {offsets = [1500, 0], sizes = [250, 256], strides = [1, 1]} : vector<2000x256xf32> to vector<250x256xf32>
    %mul3A_101 = arith.mulf %dot_general3A_99, %slice3A_100 : vector<250x256xf32>
    %get3A_102 = arith.constant 1536 : index
    %get3A_103 = arith.constant 0 : index
    %get3A_104 = vector.load %arg6[%get3A_102, %get3A_103] : memref<2048x128xf32, #tpu.memory_space<vmem>>, vector<256x128xf32>
    %dot_general3A_105 = arith.constant dense<0.000000e+00> : vector<250x128xf32>
    %dot_general3A_106 = tpu.matmul %mul3A_101, %get3A_104, %dot_general3A_105 {dimension_numbers = #tpu.dot_dimension_numbers<[1], [0], [0], [1], [0, 0, 1, 1], [], []>, transpose_lhs_hint = false} : vector<250x256xf32>, vector<256x128xf32>, vector<250x128xf32> -> vector<250x128xf32>
    %add3A_107 = arith.addf %add3A_94, %dot_general3A_106 : vector<250x128xf32>
    %get3A_108 = arith.constant 896 : index
    %get3A_109 = arith.constant 0 : index
    %get3A_110 = vector.load %arg5[%get3A_108, %get3A_109] : memref<1024x256xf32, #tpu.memory_space<vmem>>, vector<128x256xf32>
    %dot_general3A_111 = arith.constant dense<0.000000e+00> : vector<250x256xf32>
    %dot_general3A_112 = tpu.matmul %get3A_18, %get3A_110, %dot_general3A_111 {dimension_numbers = #tpu.dot_dimension_numbers<[1], [0], [0], [1], [0, 0, 1, 1], [], []>, transpose_lhs_hint = false} : vector<250x128xf32>, vector<128x256xf32>, vector<250x256xf32> -> vector<250x256xf32>
    %slice3A_113 = vector.extract_strided_slice %mul3A_13 {offsets = [1750, 0], sizes = [250, 256], strides = [1, 1]} : vector<2000x256xf32> to vector<250x256xf32>
    %mul3A_114 = arith.mulf %dot_general3A_112, %slice3A_113 : vector<250x256xf32>
    %get3A_115 = arith.constant 1792 : index
    %get3A_116 = arith.constant 0 : index
    %get3A_117 = vector.load %arg6[%get3A_115, %get3A_116] : memref<2048x128xf32, #tpu.memory_space<vmem>>, vector<256x128xf32>
    %dot_general3A_118 = arith.constant dense<0.000000e+00> : vector<250x128xf32>
    %dot_general3A_119 = tpu.matmul %mul3A_114, %get3A_117, %dot_general3A_118 {dimension_numbers = #tpu.dot_dimension_numbers<[1], [0], [0], [1], [0, 0, 1, 1], [], []>, transpose_lhs_hint = false} : vector<250x256xf32>, vector<256x128xf32>, vector<250x128xf32> -> vector<250x128xf32>
    %add3A_120 = arith.addf %add3A_107, %dot_general3A_119 : vector<250x128xf32>
    %swap3A = arith.constant 0 : index
    %swap3A_121 = arith.constant 0 : index
    %swap3A_122 = arith.constant 0 : index
    %swap3A_123 = vector.load %arg7[%swap3A, %swap3A_121, %swap3A_122] : memref<1x250x128xf32, #tpu.memory_space<vmem>>, vector<1x250x128xf32>
    %swap3A_124 = vector.shape_cast %swap3A_123 : vector<1x250x128xf32> to vector<250x128xf32>
    %swap3A_125 = vector.shape_cast %add3A_120 : vector<250x128xf32> to vector<1x250x128xf32>
    tpu.vector_store %arg7[%swap3A, %swap3A_121, %swap3A_122], %swap3A_125 {strides = array<i32>} : memref<1x250x128xf32, #tpu.memory_space<vmem>>, vector<1x250x128xf32>,
    return
  }
  func.func @transform_0(%arg0: i32) -> (i32, i32) {
    %add3A = arith.constant 0 : i32
    %add3A_0 = arith.addi %arg0, %add3A : i32
    %c0_i32 = arith.constant 0 : i32
    %c0_i32_1 = arith.constant 0 : i32
    return %add3A_0, %c0_i32 : i32, i32
  }
  func.func @transform_1(%arg0: i32) -> (i32, i32, i32) {
    %c0_i32 = arith.constant 0 : i32
    %c0_i32_0 = arith.constant 0 : i32
    %c0_i32_1 = arith.constant 0 : i32
    return %arg0, %c0_i32, %c0_i32_0 : i32, i32, i32
  }
  func.func @transform_2(%arg0: i32) -> (i32, i32) {
    %c0_i32 = arith.constant 0 : i32
    %c0_i32_0 = arith.constant 0 : i32
    %c0_i32_1 = arith.constant 0 : i32
    return %c0_i32, %c0_i32_0 : i32, i32
  }
  func.func @transform_3(%arg0: i32) -> (i32, i32) {
    %c0_i32 = arith.constant 0 : i32
    %c0_i32_0 = arith.constant 0 : i32
    %c0_i32_1 = arith.constant 0 : i32
    return %c0_i32, %c0_i32_0 : i32, i32
  }
  func.func @transform_4(%arg0: i32) -> (i32, i32) {
    %c0_i32 = arith.constant 0 : i32
    %c0_i32_0 = arith.constant 0 : i32
    %c0_i32_1 = arith.constant 0 : i32
    return %c0_i32, %c0_i32_0 : i32, i32
  }
  func.func @transform_5(%arg0: i32) -> (i32, i32) {
    %c0_i32 = arith.constant 0 : i32
    %c0_i32_0 = arith.constant 0 : i32
    %c0_i32_1 = arith.constant 0 : i32
    return %c0_i32, %c0_i32_0 : i32, i32
  }
  func.func @transform_6(%arg0: i32) -> (i32, i32, i32) {
    %c0_i32 = arith.constant 0 : i32
    %c0_i32_0 = arith.constant 0 : i32
    %c0_i32_1 = arith.constant 0 : i32
    return %arg0, %c0_i32, %c0_i32_0 : i32, i32, i32
  }
}

module attributes {stable_mosaic.version = 14 : i64} {
  func.func @body(%arg0: i32, %arg1: memref<2000x4xbf16, #tpu.memory_space<vmem>>, %arg2: memref<1x250x128xf32, #tpu.memory_space<vmem>>, %arg3: memref<4x256xf32, #tpu.memory_space<vmem>>, %arg4: memref<256x256xf32, #tpu.memory_space<vmem>>, %arg5: memref<1024x256xf32, #tpu.memory_space<vmem>>, %arg6: memref<2048x128xf32, #tpu.memory_space<vmem>>, %arg7: memref<1x250x128xf32, #tpu.memory_space<vmem>>) attributes {dimension_semantics = [#tpu.dimension_semantics<arbitrary>], iteration_bounds = array<i64: 160>, scalar_prefetch = 0 : i64, scratch_operands = 0 : i64, tpu.core_type = #tpu.core_type<tc>, window_params = [{transform_indices = @transform_0, window_bounds = array<i64: 2000, 4>}, {transform_indices = @transform_1, window_bounds = array<i64: 1, 250, 128>}, {pipeline_mode = #tpu.pipeline_mode<synchronous>, transform_indices = @transform_2, window_bounds = array<i64: 4, 256>}, {pipeline_mode = #tpu.pipeline_mode<synchronous>, transform_indices = @transform_3, window_bounds = array<i64: 256, 256>}, {pipeline_mode = #tpu.pipeline_mode<synchronous>, transform_indices = @transform_4, window_bounds = array<i64: 1024, 256>}, {pipeline_mode = #tpu.pipeline_mode<synchronous>, transform_indices = @transform_5, window_bounds = array<i64: 2048, 128>}, {transform_indices = @transform_6, window_bounds = array<i64: 1, 250, 128>}]} {
    %get3A = arith.constant 0 : index
    %get3A_0 = arith.constant 0 : index
    %get3A_1 = vector.load %arg1[%get3A, %get3A_0] : memref<2000x4xbf16, #tpu.memory_space<vmem>>, vector<2000x4xbf16>
    %convert_element_type3A = arith.extf %get3A_1 : vector<2000x4xbf16> to vector<2000x4xf32>
    %get3A_2 = arith.constant 0 : index
    %get3A_3 = arith.constant 0 : index
    %get3A_4 = vector.load %arg3[%get3A_2, %get3A_3] : memref<4x256xf32, #tpu.memory_space<vmem>>, vector<4x256xf32>
    %dot_general3A = arith.constant dense<0.000000e+00> : vector<2000x256xf32>
    %dot_general3A_5 = tpu.matmul %convert_element_type3A, %get3A_4, %dot_general3A {dimension_numbers = #tpu.dot_dimension_numbers<[1], [0], [0], [1], [0, 0, 1, 1], [], []>, transpose_lhs_hint = false} : vector<2000x4xf32>, vector<4x256xf32>, vector<2000x256xf32> -> vector<2000x256xf32>
    %max3A = arith.constant 0.000000e+00 : f32
    %max3A_6 = vector.broadcast %max3A : f32 to vector<2000x256xf32>
    %max3A_7 = arith.maximumf %dot_general3A_5, %max3A_6 : vector<2000x256xf32>
    %get3A_8 = arith.constant 0 : index
    %get3A_9 = arith.constant 0 : index
    %get3A_10 = vector.load %arg4[%get3A_8, %get3A_9] : memref<256x256xf32, #tpu.memory_space<vmem>>, vector<256x256xf32>
    %dot_general3A_11 = arith.constant dense<0.000000e+00> : vector<2000x256xf32>
    %dot_general3A_12 = tpu.matmul %max3A_7, %get3A_10, %dot_general3A_11 {dimension_numbers = #tpu.dot_dimension_numbers<[1], [0], [0], [1], [0, 0, 1, 1], [], []>, transpose_lhs_hint = false} : vector<2000x256xf32>, vector<256x256xf32>, vector<2000x256xf32> -> vector<2000x256xf32>
    %slice3A = vector.extract_strided_slice %convert_element_type3A {offsets = [0, 3], sizes = [2000, 1], strides = [1, 1]} : vector<2000x4xf32> to vector<2000x1xf32>
    %mul3A = vector.broadcast %slice3A : vector<2000x1xf32> to vector<2000x256xf32>
    %mul3A_13 = arith.mulf %dot_general3A_12, %mul3A : vector<2000x256xf32>
    %get3A_14 = arith.constant 0 : index
    %get3A_15 = arith.constant 0 : index
    %get3A_16 = arith.constant 0 : index
    %get3A_17 = vector.load %arg2[%get3A_14, %get3A_15, %get3A_16] : memref<1x250x128xf32, #tpu.memory_space<vmem>>, vector<1x250x128xf32>
    %get3A_18 = vector.shape_cast %get3A_17 : vector<1x250x128xf32> to vector<250x128xf32>
    %get3A_19 = arith.constant 0 : index
    %get3A_20 = arith.constant 0 : index
    %get3A_21 = vector.load %arg5[%get3A_19, %get3A_20] : memref<1024x256xf32, #tpu.memory_space<vmem>>, vector<128x256xf32>
    %dot_general3A_22 = arith.constant dense<0.000000e+00> : vector<250x256xf32>
    %dot_general3A_23 = tpu.matmul %get3A_18, %get3A_21, %dot_general3A_22 {dimension_numbers = #tpu.dot_dimension_numbers<[1], [0], [0], [1], [0, 0, 1, 1], [], []>, transpose_lhs_hint = false} : vector<250x128xf32>, vector<128x256xf32>, vector<250x256xf32> -> vector<250x256xf32>
    %slice3A_24 = vector.extract_strided_slice %mul3A_13 {offsets = [0, 0], sizes = [250, 256], strides = [1, 1]} : vector<2000x256xf32> to vector<250x256xf32>
    %mul3A_25 = arith.mulf %dot_general3A_23, %slice3A_24 : vector<250x256xf32>
    %get3A_26 = arith.constant 0 : index
    %get3A_27 = arith.constant 0 : index
    %get3A_28 = vector.load %arg6[%get3A_26, %get3A_27] : memref<2048x128xf32, #tpu.memory_space<vmem>>, vector<256x128xf32>
    %dot_general3A_29 = arith.constant dense<0.000000e+00> : vector<250x128xf32>
    %dot_general3A_30 = tpu.matmul %mul3A_25, %get3A_28, %dot_general3A_29 {dimension_numbers = #tpu.dot_dimension_numbers<[1], [0], [0], [1], [0, 0, 1, 1], [], []>, transpose_lhs_hint = false} : vector<250x256xf32>, vector<256x128xf32>, vector<250x128xf32> -> vector<250x128xf32>
    %get3A_31 = arith.constant 128 : index
    %get3A_32 = arith.constant 0 : index
    %get3A_33 = vector.load %arg5[%get3A_31, %get3A_32] : memref<1024x256xf32, #tpu.memory_space<vmem>>, vector<128x256xf32>
    %dot_general3A_34 = arith.constant dense<0.000000e+00> : vector<250x256xf32>
    %dot_general3A_35 = tpu.matmul %get3A_18, %get3A_33, %dot_general3A_34 {dimension_numbers = #tpu.dot_dimension_numbers<[1], [0], [0], [1], [0, 0, 1, 1], [], []>, transpose_lhs_hint = false} : vector<250x128xf32>, vector<128x256xf32>, vector<250x256xf32> -> vector<250x256xf32>
    %slice3A_36 = vector.extract_strided_slice %mul3A_13 {offsets = [250, 0], sizes = [250, 256], strides = [1, 1]} : vector<2000x256xf32> to vector<250x256xf32>
    %mul3A_37 = arith.mulf %dot_general3A_35, %slice3A_36 : vector<250x256xf32>
    %get3A_38 = arith.constant 256 : index
    %get3A_39 = arith.constant 0 : index
    %get3A_40 = vector.load %arg6[%get3A_38, %get3A_39] : memref<2048x128xf32, #tpu.memory_space<vmem>>, vector<256x128xf32>
    %dot_general3A_41 = arith.constant dense<0.000000e+00> : vector<250x128xf32>
    %dot_general3A_42 = tpu.matmul %mul3A_37, %get3A_40, %dot_general3A_41 {dimension_numbers = #tpu.dot_dimension_numbers<[1], [0], [0], [1], [0, 0, 1, 1], [], []>, transpose_lhs_hint = false} : vector<250x256xf32>, vector<256x128xf32>, vector<250x128xf32> -> vector<250x128xf32>
    %add3A = arith.addf %dot_general3A_30, %dot_general3A_42 : vector<250x128xf32>
    %get3A_43 = arith.constant 256 : index
    %get3A_44 = arith.constant 0 : index
    %get3A_45 = vector.load %arg5[%get3A_43, %get3A_44] : memref<1024x256xf32, #tpu.memory_space<vmem>>, vector<128x256xf32>
    %dot_general3A_46 = arith.constant dense<0.000000e+00> : vector<250x256xf32>
    %dot_general3A_47 = tpu.matmul %get3A_18, %get3A_45, %dot_general3A_46 {dimension_numbers = #tpu.dot_dimension_numbers<[1], [0], [0], [1], [0, 0, 1, 1], [], []>, transpose_lhs_hint = false} : vector<250x128xf32>, vector<128x256xf32>, vector<250x256xf32> -> vector<250x256xf32>
    %slice3A_48 = vector.extract_strided_slice %mul3A_13 {offsets = [500, 0], sizes = [250, 256], strides = [1, 1]} : vector<2000x256xf32> to vector<250x256xf32>
    %mul3A_49 = arith.mulf %dot_general3A_47, %slice3A_48 : vector<250x256xf32>
    %get3A_50 = arith.constant 512 : index
    %get3A_51 = arith.constant 0 : index
    %get3A_52 = vector.load %arg6[%get3A_50, %get3A_51] : memref<2048x128xf32, #tpu.memory_space<vmem>>, vector<256x128xf32>
    %dot_general3A_53 = arith.constant dense<0.000000e+00> : vector<250x128xf32>
    %dot_general3A_54 = tpu.matmul %mul3A_49, %get3A_52, %dot_general3A_53 {dimension_numbers = #tpu.dot_dimension_numbers<[1], [0], [0], [1], [0, 0, 1, 1], [], []>, transpose_lhs_hint = false} : vector<250x256xf32>, vector<256x128xf32>, vector<250x128xf32> -> vector<250x128xf32>
    %add3A_55 = arith.addf %add3A, %dot_general3A_54 : vector<250x128xf32>
    %get3A_56 = arith.constant 384 : index
    %get3A_57 = arith.constant 0 : index
    %get3A_58 = vector.load %arg5[%get3A_56, %get3A_57] : memref<1024x256xf32, #tpu.memory_space<vmem>>, vector<128x256xf32>
    %dot_general3A_59 = arith.constant dense<0.000000e+00> : vector<250x256xf32>
    %dot_general3A_60 = tpu.matmul %get3A_18, %get3A_58, %dot_general3A_59 {dimension_numbers = #tpu.dot_dimension_numbers<[1], [0], [0], [1], [0, 0, 1, 1], [], []>, transpose_lhs_hint = false} : vector<250x128xf32>, vector<128x256xf32>, vector<250x256xf32> -> vector<250x256xf32>
    %slice3A_61 = vector.extract_strided_slice %mul3A_13 {offsets = [750, 0], sizes = [250, 256], strides = [1, 1]} : vector<2000x256xf32> to vector<250x256xf32>
    %mul3A_62 = arith.mulf %dot_general3A_60, %slice3A_61 : vector<250x256xf32>
    %get3A_63 = arith.constant 768 : index
    %get3A_64 = arith.constant 0 : index
    %get3A_65 = vector.load %arg6[%get3A_63, %get3A_64] : memref<2048x128xf32, #tpu.memory_space<vmem>>, vector<256x128xf32>
    %dot_general3A_66 = arith.constant dense<0.000000e+00> : vector<250x128xf32>
    %dot_general3A_67 = tpu.matmul %mul3A_62, %get3A_65, %dot_general3A_66 {dimension_numbers = #tpu.dot_dimension_numbers<[1], [0], [0], [1], [0, 0, 1, 1], [], []>, transpose_lhs_hint = false} : vector<250x256xf32>, vector<256x128xf32>, vector<250x128xf32> -> vector<250x128xf32>
    %add3A_68 = arith.addf %add3A_55, %dot_general3A_67 : vector<250x128xf32>
    %get3A_69 = arith.constant 512 : index
    %get3A_70 = arith.constant 0 : index
    %get3A_71 = vector.load %arg5[%get3A_69, %get3A_70] : memref<1024x256xf32, #tpu.memory_space<vmem>>, vector<128x256xf32>
    %dot_general3A_72 = arith.constant dense<0.000000e+00> : vector<250x256xf32>
    %dot_general3A_73 = tpu.matmul %get3A_18, %get3A_71, %dot_general3A_72 {dimension_numbers = #tpu.dot_dimension_numbers<[1], [0], [0], [1], [0, 0, 1, 1], [], []>, transpose_lhs_hint = false} : vector<250x128xf32>, vector<128x256xf32>, vector<250x256xf32> -> vector<250x256xf32>
    %slice3A_74 = vector.extract_strided_slice %mul3A_13 {offsets = [1000, 0], sizes = [250, 256], strides = [1, 1]} : vector<2000x256xf32> to vector<250x256xf32>
    %mul3A_75 = arith.mulf %dot_general3A_73, %slice3A_74 : vector<250x256xf32>
    %get3A_76 = arith.constant 1024 : index
    %get3A_77 = arith.constant 0 : index
    %get3A_78 = vector.load %arg6[%get3A_76, %get3A_77] : memref<2048x128xf32, #tpu.memory_space<vmem>>, vector<256x128xf32>
    %dot_general3A_79 = arith.constant dense<0.000000e+00> : vector<250x128xf32>
    %dot_general3A_80 = tpu.matmul %mul3A_75, %get3A_78, %dot_general3A_79 {dimension_numbers = #tpu.dot_dimension_numbers<[1], [0], [0], [1], [0, 0, 1, 1], [], []>, transpose_lhs_hint = false} : vector<250x256xf32>, vector<256x128xf32>, vector<250x128xf32> -> vector<250x128xf32>
    %add3A_81 = arith.addf %add3A_68, %dot_general3A_80 : vector<250x128xf32>
    %get3A_82 = arith.constant 640 : index
    %get3A_83 = arith.constant 0 : index
    %get3A_84 = vector.load %arg5[%get3A_82, %get3A_83] : memref<1024x256xf32, #tpu.memory_space<vmem>>, vector<128x256xf32>
    %dot_general3A_85 = arith.constant dense<0.000000e+00> : vector<250x256xf32>
    %dot_general3A_86 = tpu.matmul %get3A_18, %get3A_84, %dot_general3A_85 {dimension_numbers = #tpu.dot_dimension_numbers<[1], [0], [0], [1], [0, 0, 1, 1], [], []>, transpose_lhs_hint = false} : vector<250x128xf32>, vector<128x256xf32>, vector<250x256xf32> -> vector<250x256xf32>
    %slice3A_87 = vector.extract_strided_slice %mul3A_13 {offsets = [1250, 0], sizes = [250, 256], strides = [1, 1]} : vector<2000x256xf32> to vector<250x256xf32>
    %mul3A_88 = arith.mulf %dot_general3A_86, %slice3A_87 : vector<250x256xf32>
    %get3A_89 = arith.constant 1280 : index
    %get3A_90 = arith.constant 0 : index
    %get3A_91 = vector.load %arg6[%get3A_89, %get3A_90] : memref<2048x128xf32, #tpu.memory_space<vmem>>, vector<256x128xf32>
    %dot_general3A_92 = arith.constant dense<0.000000e+00> : vector<250x128xf32>
    %dot_general3A_93 = tpu.matmul %mul3A_88, %get3A_91, %dot_general3A_92 {dimension_numbers = #tpu.dot_dimension_numbers<[1], [0], [0], [1], [0, 0, 1, 1], [], []>, transpose_lhs_hint = false} : vector<250x256xf32>, vector<256x128xf32>, vector<250x128xf32> -> vector<250x128xf32>
    %add3A_94 = arith.addf %add3A_81, %dot_general3A_93 : vector<250x128xf32>
    %get3A_95 = arith.constant 768 : index
    %get3A_96 = arith.constant 0 : index
    %get3A_97 = vector.load %arg5[%get3A_95, %get3A_96] : memref<1024x256xf32, #tpu.memory_space<vmem>>, vector<128x256xf32>
    %dot_general3A_98 = arith.constant dense<0.000000e+00> : vector<250x256xf32>
    %dot_general3A_99 = tpu.matmul %get3A_18, %get3A_97, %dot_general3A_98 {dimension_numbers = #tpu.dot_dimension_numbers<[1], [0], [0], [1], [0, 0, 1, 1], [], []>, transpose_lhs_hint = false} : vector<250x128xf32>, vector<128x256xf32>, vector<250x256xf32> -> vector<250x256xf32>
    %slice3A_100 = vector.extract_strided_slice %mul3A_13 {offsets = [1500, 0], sizes = [250, 256], strides = [1, 1]} : vector<2000x256xf32> to vector<250x256xf32>
    %mul3A_101 = arith.mulf %dot_general3A_99, %slice3A_100 : vector<250x256xf32>
    %get3A_102 = arith.constant 1536 : index
    %get3A_103 = arith.constant 0 : index
    %get3A_104 = vector.load %arg6[%get3A_102, %get3A_103] : memref<2048x128xf32, #tpu.memory_space<vmem>>, vector<256x128xf32>
    %dot_general3A_105 = arith.constant dense<0.000000e+00> : vector<250x128xf32>
    %dot_general3A_106 = tpu.matmul %mul3A_101, %get3A_104, %dot_general3A_105 {dimension_numbers = #tpu.dot_dimension_numbers<[1], [0], [0], [1], [0, 0, 1, 1], [], []>, transpose_lhs_hint = false} : vector<250x256xf32>, vector<256x128xf32>, vector<250x128xf32> -> vector<250x128xf32>
    %add3A_107 = arith.addf %add3A_94, %dot_general3A_106 : vector<250x128xf32>
    %get3A_108 = arith.constant 896 : index
    %get3A_109 = arith.constant 0 : index
    %get3A_110 = vector.load %arg5[%get3A_108, %get3A_109] : memref<1024x256xf32, #tpu.memory_space<vmem>>, vector<128x256xf32>
    %dot_general3A_111 = arith.constant dense<0.000000e+00> : vector<250x256xf32>
    %dot_general3A_112 = tpu.matmul %get3A_18, %get3A_110, %dot_general3A_111 {dimension_numbers = #tpu.dot_dimension_numbers<[1], [0], [0], [1], [0, 0, 1, 1], [], []>, transpose_lhs_hint = false} : vector<250x128xf32>, vector<128x256xf32>, vector<250x256xf32> -> vector<250x256xf32>
    %slice3A_113 = vector.extract_strided_slice %mul3A_13 {offsets = [1750, 0], sizes = [250, 256], strides = [1, 1]} : vector<2000x256xf32> to vector<250x256xf32>
    %mul3A_114 = arith.mulf %dot_general3A_112, %slice3A_113 : vector<250x256xf32>
    %get3A_115 = arith.constant 1792 : index
    %get3A_116 = arith.constant 0 : index
    %get3A_117 = vector.load %arg6[%get3A_115, %get3A_116] : memref<2048x128xf32, #tpu.memory_space<vmem>>, vector<256x128xf32>
    %dot_general3A_118 = arith.constant dense<0.000000e+00> : vector<250x128xf32>
    %dot_general3A_119 = tpu.matmul %mul3A_114, %get3A_117, %dot_general3A_118 {dimension_numbers = #tpu.dot_dimension_numbers<[1], [0], [0], [1], [0, 0, 1, 1], [], []>, transpose_lhs_hint = false} : vector<250x256xf32>, vector<256x128xf32>, vector<250x128xf32> -> vector<250x128xf32>
    %add3A_120 = arith.addf %add3A_107, %dot_general3A_119 : vector<250x128xf32>
    %swap3A = arith.constant 0 : index
    %swap3A_121 = arith.constant 0 : index
    %swap3A_122 = arith.constant 0 : index
    %swap3A_123 = vector.load %arg7[%swap3A, %swap3A_121, %swap3A_122] : memref<1x250x128xf32, #tpu.memory_space<vmem>>, vector<1x250x128xf32>
    %swap3A_124 = vector.shape_cast %swap3A_123 : vector<1x250x128xf32> to vector<250x128xf32>
    %swap3A_125 = vector.shape_cast %add3A_120 : vector<250x128xf32> to vector<1x250x128xf32>
    tpu.vector_store %arg7[%swap3A, %swap3A_121, %swap3A_122], %swap3A_125 {strides = array<i32>} : memref<1x250x128xf32, #tpu.memory_space<vmem>>, vector<1x250x128xf32>,
    return
  }
  func.func @transform_0(%arg0: i32) -> (i32, i32) {
    %add3A = arith.constant 160 : i32
    %add3A_0 = arith.addi %arg0, %add3A : i32
    %c0_i32 = arith.constant 0 : i32
    %c0_i32_1 = arith.constant 0 : i32
    return %add3A_0, %c0_i32 : i32, i32
  }
  func.func @transform_1(%arg0: i32) -> (i32, i32, i32) {
    %c0_i32 = arith.constant 0 : i32
    %c0_i32_0 = arith.constant 0 : i32
    %c0_i32_1 = arith.constant 0 : i32
    return %arg0, %c0_i32, %c0_i32_0 : i32, i32, i32
  }
  func.func @transform_2(%arg0: i32) -> (i32, i32) {
    %c0_i32 = arith.constant 0 : i32
    %c0_i32_0 = arith.constant 0 : i32
    %c0_i32_1 = arith.constant 0 : i32
    return %c0_i32, %c0_i32_0 : i32, i32
  }
  func.func @transform_3(%arg0: i32) -> (i32, i32) {
    %c0_i32 = arith.constant 0 : i32
    %c0_i32_0 = arith.constant 0 : i32
    %c0_i32_1 = arith.constant 0 : i32
    return %c0_i32, %c0_i32_0 : i32, i32
  }
  func.func @transform_4(%arg0: i32) -> (i32, i32) {
    %c0_i32 = arith.constant 0 : i32
    %c0_i32_0 = arith.constant 0 : i32
    %c0_i32_1 = arith.constant 0 : i32
    return %c0_i32, %c0_i32_0 : i32, i32
  }
  func.func @transform_5(%arg0: i32) -> (i32, i32) {
    %c0_i32 = arith.constant 0 : i32
    %c0_i32_0 = arith.constant 0 : i32
    %c0_i32_1 = arith.constant 0 : i32
    return %c0_i32, %c0_i32_0 : i32, i32
  }
  func.func @transform_6(%arg0: i32) -> (i32, i32, i32) {
    %c0_i32 = arith.constant 0 : i32
    %c0_i32_0 = arith.constant 0 : i32
    %c0_i32_1 = arith.constant 0 : i32
    return %arg0, %c0_i32, %c0_i32_0 : i32, i32, i32
  }
}

module attributes {stable_mosaic.version = 14 : i64} {
  func.func @body(%arg0: i32, %arg1: memref<2x128x128xf32, #tpu.memory_space<vmem>>, %arg2: memref<2x128x128xf32, #tpu.memory_space<vmem>>, %arg3: memref<128x128xf32, #tpu.memory_space<vmem>>) attributes {dimension_semantics = [#tpu.dimension_semantics<arbitrary>], iteration_bounds = array<i64: 10>, scalar_prefetch = 0 : i64, scratch_operands = 0 : i64, tpu.core_type = #tpu.core_type<tc>, window_params = [{transform_indices = @transform_0, window_bounds = array<i64: 2, 128, 128>}, {transform_indices = @transform_1, window_bounds = array<i64: 2, 128, 128>}, {transform_indices = @transform_2, window_bounds = array<i64: 128, 128>}]} {
    %get3A = arith.constant 0 : index
    %get3A_0 = arith.constant 0 : index
    %get3A_1 = arith.constant 0 : index
    %get3A_2 = vector.load %arg1[%get3A, %get3A_0, %get3A_1] : memref<2x128x128xf32, #tpu.memory_space<vmem>>, vector<1x128x128xf32>
    %get3A_3 = vector.shape_cast %get3A_2 : vector<1x128x128xf32> to vector<128x128xf32>
    %get3A_4 = arith.constant 1 : index
    %get3A_5 = arith.constant 0 : index
    %get3A_6 = arith.constant 0 : index
    %get3A_7 = vector.load %arg1[%get3A_4, %get3A_5, %get3A_6] : memref<2x128x128xf32, #tpu.memory_space<vmem>>, vector<1x128x128xf32>
    %get3A_8 = vector.shape_cast %get3A_7 : vector<1x128x128xf32> to vector<128x128xf32>
    %add3A = arith.addf %get3A_3, %get3A_8 : vector<128x128xf32>
    %get3A_9 = arith.constant 0 : index
    %get3A_10 = arith.constant 0 : index
    %get3A_11 = arith.constant 0 : index
    %get3A_12 = vector.load %arg2[%get3A_9, %get3A_10, %get3A_11] : memref<2x128x128xf32, #tpu.memory_space<vmem>>, vector<1x128x128xf32>
    %get3A_13 = vector.shape_cast %get3A_12 : vector<1x128x128xf32> to vector<128x128xf32>
    %add3A_14 = arith.addf %add3A, %get3A_13 : vector<128x128xf32>
    %get3A_15 = arith.constant 1 : index
    %get3A_16 = arith.constant 0 : index
    %get3A_17 = arith.constant 0 : index
    %get3A_18 = vector.load %arg2[%get3A_15, %get3A_16, %get3A_17] : memref<2x128x128xf32, #tpu.memory_space<vmem>>, vector<1x128x128xf32>
    %get3A_19 = vector.shape_cast %get3A_18 : vector<1x128x128xf32> to vector<128x128xf32>
    %add3A_20 = arith.addf %add3A_14, %get3A_19 : vector<128x128xf32>
    %swap3A = arith.constant 0 : index
    %swap3A_21 = arith.constant 0 : index
    %swap3A_22 = vector.load %arg3[%swap3A, %swap3A_21] : memref<128x128xf32, #tpu.memory_space<vmem>>, vector<128x128xf32>
    tpu.vector_store %arg3[%swap3A, %swap3A_21], %add3A_20 {strides = array<i32>} : memref<128x128xf32, #tpu.memory_space<vmem>>, vector<128x128xf32>,
    return
  }
  func.func @transform_0(%arg0: i32) -> (i32, i32, i32) {
    %c0_i32 = arith.constant 0 : i32
    %c0_i32_0 = arith.constant 0 : i32
    %c0_i32_1 = arith.constant 0 : i32
    return %c0_i32, %arg0, %c0_i32_0 : i32, i32, i32
  }
  func.func @transform_1(%arg0: i32) -> (i32, i32, i32) {
    %c0_i32 = arith.constant 0 : i32
    %c0_i32_0 = arith.constant 0 : i32
    %c0_i32_1 = arith.constant 0 : i32
    return %c0_i32, %arg0, %c0_i32_0 : i32, i32, i32
  }
  func.func @transform_2(%arg0: i32) -> (i32, i32) {
    %c0_i32 = arith.constant 0 : i32
    %c0_i32_0 = arith.constant 0 : i32
    return %arg0, %c0_i32 : i32, i32
  }
}

</mosaic_0001>

<sc_bundles>
// kernel: kernel.12.cloned.1.call-start
scs
__scs_entry_jumppad:
0x0: {  	(pc) =	sbr.rel $0x88, $3  }
0x1: {  	(tag) =	ssettag $0x0;
	lr =	simm.s32 $0x1  }
0x2: {  	[smem:$0x3F99] =	sst lr;
	_ =	strace $0xD0000000  }
0x3: {  	_ = 	snop  }
0x4: {  	_ = 	snop  }
0x5: {  	_ = 	snop  }
0x6: {  	_ = 	snop  }
0x7: {  	_ = 	snop  }
__scs_overlays_trampoline_lowered:
0x8: {  	[smem:$0x3FA8] =	sst s0  }
0x9: {  	[smem:$0x3FA9] =	sst s1  }
0xa: {  	[smem:$0x3FAA] =	sst s2  }
0xb: {  	[smem:$0x3FAB] =	sst s3  }
0xc: {  	[smem:$0x3FAC] =	sst s4  }
0xd: {  	[smem:$0x3FAD] =	sst s5  }
0xe: {  	[smem:$0x3FAE] =	sst s6  }
0xf: {  	[smem:$0x3FAF] =	sst s7  }
0x10: {  	[smem:$0x3FB0] =	sst s8  }
0x11: {  	[smem:$0x3FB1] =	sst s9;
	s0 =	simm.s32 @!p0 $0x0  }
0x12: {  	s1 =	sld [smem:$0x3F97];
	s0 =	simm.s32 @p0 $0x1  }
0x13: {  	[smem:$0x3FB2] =	sst s0;
	s0 =	simm.s32 @!p1 $0x0  }
0x14: {  	s2 =	sld [smem:$0x3F96];
	s0 =	simm.s32 @p1 $0x1  }
0x15: {  	[smem:$0x3FB3] =	sst s0;
	s0 =	simm.s32 @!p2 $0x0  }
0x16: {  	s3 =	sld [smem:$0x3FDB];
	s0 =	simm.s32 @p2 $0x1  }
0x17: {  	s4 =	simm.s32 $0x1BF5;
	[smem:$0x3FB5] =	sst s0  }
0x18: {  	s0 =	sld [smem:$0x3F98];
	_ =	swait.ge [sflag:s4], $0x0  }
0x19: {  	s7 =	sld [smem:$0x3F99]  }
0x1a: {  	s8 =	sadd.s32 $0xFFFFE003, lr  }
0x1b: {  	s9 =	sadd.s32 $0xFFFFFEF7, lr;
	s5 =	simm.s32 $0xFFFFFFFF;
	p2 =	slt.u32 s8, $0xFFFFF086  }
0x1c: {  	p1 =	slt.u32 s9, $0xF7A;
	s5 =	simm.s32 @!p2 $0x0  }
0x1d: {  	s5 =	simm.s32 @p1 $0x1;
	p0 =	seq.s32 s7, s2  }
0x1e: {  	s7 =	smul.u32 @!p0 $0xF7A, s2;
	p2 =	seq.s32 @!p0 s5, $0x0  }
0x1f: {  	s9 =	smul.u32 $0xF7A, s1;
	s8 =	simm.s32 @!p0 $0x1BF5;
	p2 =	por !p2, p0  }
0x20: {  	[sflag:s8] =	ssyncset.s32 @!p0 $0xFFFFF086;
	s6 =	sadd.s32 @!p0 s3, s7;
	s7 =	simm.s32 @!p0 $0x108  }
0x21: {  	s3 =	sadd.s32 s3, s9;
	s6 =	sadd.s32 @!p0 $0x88, s6;
	s7 =	simm.s32 @p2 $0x1082  }
0x22: {  	[simem:s7], [sflag:s8] =	dma.local @!p0 [hbm:s6], $0xF7A  }
0x23: {  	s9 =	sor.u32 $0xD0000000, s2;
	s6 =	simm.s32 $0x108;
	_ =	swait.ge @!p0 [sflag:s8], $0x0  }
0x24: {  	s3 =	sadd.s32 $0x88, s3;
	s6 =	simm.s32 @!p1 $0x1082;
	[sflag:s4] =	ssyncset.s32 $0xFFFFF086  }
0x25: {  	[simem:s6], [sflag:s4] =	dma.local [hbm:s3], $0xF7A  }
0x26: {  	[smem:$0x3F99] =	sst s1;
	(tag) =	ssettag s2;
	_ =	strace s9  }
0x27: {  	s1 =	sld [smem:$0x3FA9]  }
0x28: {  	s2 =	sld [smem:$0x3FAA]  }
0x29: {  	s4 =	sld [smem:$0x3FAC]  }
0x2a: {  	p0 =	seq.s32 s5, $0x0;
	s5 =	sld [smem:$0x3FAD]  }
0x2b: {  	s6 =	sld [smem:$0x3FAE]  }
0x2c: {  	s7 =	sld [smem:$0x3FAF]  }
0x2d: {  	s3 =	simm.s32 $0x108;
	s8 =	sld [smem:$0x3FB0]  }
0x2e: {  	s3 =	simm.s32 @!p0 $0x1082;
	s9 =	sld [smem:$0x3FB1]  }
0x2f: {  	lr =	sadd.s32 s0, s3;
	s0 =	sld [smem:$0x3FA8]  }
0x30: {  	s3 =	sld [smem:$0x3FAB]  }
0x31: {  	[smem:$0x3FB4] =	sst s10  }
0x32: {  	s10 =	sld [smem:$0x3FB2];
	_ =	sdelay $0x3  }
0x33: {  	p0 =	seq.s32 s10, $0x1;
	s10 =	sld [smem:$0x3FB4];
	_ =	sdelay $0x3  }
0x34: {  	[smem:$0x3FB4] =	sst s10  }
0x35: {  	s10 =	sld [smem:$0x3FB3];
	_ =	sdelay $0x3  }
0x36: {  	p1 =	seq.s32 s10, $0x1;
	s10 =	sld [smem:$0x3FB4];
	_ =	sdelay $0x3  }
0x37: {  	[smem:$0x3FB4] =	sst s10  }
0x38: {  	s10 =	sld [smem:$0x3FB5]  }
0x39: {  	_ = 	snop;
	(pc) =	sbr.ind lr, $3  }
0x3a: {  	_ = 	snop  }
0x3b: {  	_ = 	snop  }
0x3c: {  	p2 =	seq.s32 s10, $0x1;
	s10 =	sld [smem:$0x3FB4]  }
0x3d: {  	_ =	shalt  }
0x3e: {  	_ =	shalt  }
0x3f: {  	_ =	shalt  }
0x40: {  	_ =	shalt  }
0x41: {  	_ =	shalt  }
0x42: {  	_ =	shalt  }
0x43: {  	_ =	shalt  }
0x44: {  	_ =	shalt  }
0x45: {  	_ =	shalt  }
0x46: {  	_ =	shalt  }
0x47: {  	_ =	shalt  }
0x48: {  	_ =	shalt  }
0x49: {  	_ =	shalt  }
0x4a: {  	_ =	shalt  }
0x4b: {  	_ =	shalt  }
0x4c: {  	_ =	shalt  }
0x4d: {  	_ =	shalt  }
0x4e: {  	_ =	shalt  }
0x4f: {  	_ =	shalt  }
0x50: {  	_ =	shalt  }
0x51: {  	_ =	shalt  }
0x52: {  	_ =	shalt  }
0x53: {  	_ =	shalt  }
0x54: {  	_ =	shalt  }
0x55: {  	_ =	shalt  }
0x56: {  	_ =	shalt  }
0x57: {  	_ =	shalt  }
0x58: {  	_ =	shalt  }
0x59: {  	_ =	shalt  }
0x5a: {  	_ =	shalt  }
0x5b: {  	_ =	shalt  }
0x5c: {  	_ =	shalt  }
0x5d: {  	_ =	shalt  }
0x5e: {  	_ =	shalt  }
0x5f: {  	_ =	shalt  }
0x60: {  	_ =	shalt  }
0x61: {  	_ =	shalt  }
0x62: {  	_ =	shalt  }
0x63: {  	_ =	shalt  }
0x64: {  	_ =	shalt  }
0x65: {  	_ =	shalt  }
0x66: {  	_ =	shalt  }
0x67: {  	_ =	shalt  }
0x68: {  	_ =	shalt  }
0x69: {  	_ =	shalt  }
0x6a: {  	_ =	shalt  }
0x6b: {  	_ =	shalt  }
0x6c: {  	_ =	shalt  }
0x6d: {  	_ =	shalt  }
0x6e: {  	_ =	shalt  }
0x6f: {  	_ =	shalt  }
0x70: {  	_ =	shalt  }
0x71: {  	_ =	shalt  }
0x72: {  	_ =	shalt  }
0x73: {  	_ =	shalt  }
0x74: {  	_ =	shalt  }
0x75: {  	_ =	shalt  }
0x76: {  	_ =	shalt  }
0x77: {  	_ =	shalt  }
0x78: {  	_ =	shalt  }
0x79: {  	_ =	shalt  }
0x7a: {  	_ =	shalt  }
0x7b: {  	_ =	shalt  }
0x7c: {  	_ =	shalt  }
0x7d: {  	_ =	shalt  }
0x7e: {  	_ =	shalt  }
0x7f: {  	_ =	shalt  }
0x80: {  	_ =	shalt  }
0x81: {  	_ =	shalt  }
0x82: {  	_ =	shalt  }
0x83: {  	_ =	shalt  }
0x84: {  	_ =	shalt  }
0x85: {  	_ =	shalt  }
0x86: {  	_ =	shalt  }
0x87: {  	_ =	shalt  }
.Lfunc_end0:
.L_simem_size_0:
called_computation.1_lowered:
.L_overlay_start_0:
0x88: {  	s2 =	sld [smem:$0x3FD9]  }
0x89: {  	s3 =	sld [smem:$0x3FFE];
	_ =	sdelay $0x1  }
0x8a: {  	s1 =	srdreg.scid  }
0x8b: {  	s0 =	sand.u32 $0x1, s1  }
0x8c: {  	s17 =	sshll.u32 s0, $0xA;
	s2 =	sadd.s32 s3, s2  }
0x8d: {  	s2 =	sadd.s32 s2, s17  }
0x8e: {  	[smem:$0x3FC0] =	sst s2  }
0x8f: {  	_ = 	snop  }
0x90: {  	s18 =	sld [smem:$0x3FC9]  }
0x91: {  	s4 =	sld [smem:$0x3FD0];
	(tm) =	ssettm $0x1  }
0x92: {  	s19 =	sld [smem:$0x3FFB];
	_ =	sdelay $0x3  }
0x93: {  	_ =	strace s19  }
0x94: {  	s2 =	sld [smem:$0x3FFC];
	_ =	sdelay $0x3  }
0x95: {  	_ =	strace s2  }
0x96: {  	s2 =	sld [smem:$0x3FFD];
	_ =	sdelay $0x3  }
0x97: {  	_ =	strace s2  }
0x98: {  	_ =	strace $0x8FFFFFFF  }
0x99: {  	s20 =	sld [smem:$0x3FDB];
	_ =	sdelay $0x1  }
0x9a: {  	s5 =	simm.s32 $_scs_section_size  }
0x9b: {  	s6 =	simm.s32 $_size__tile_overlayer_lowered;
	s7 =	simm.s32 $_tile_overlayer_lowered  }
0x9c: {  	s8 =	simm.s32 $0x1BFF;
	s21 =	sshll.u32 s7, $0x1;
	s5 =	sadd.s32 s5, s20  }
0x9d: {  	s22 =	simm.s32 $0x0;
	s6 =	sshll.u32 s6, $0x1;
	s7 =	sadd.s32 s21, s5  }
0x9e: {  	[timem:s22], [sflag:s8] =	dma.local [hbm:s7], s6  }
0x9f: {  	_ =	swait.ge [sflag:s8], s6  }
0xa0: {  	s6 =	ssub.s32 $0x0, s6;
	[sflag:s8] =	ssyncset.done $0x0  }
0xa1: {  	[sflag:s8] =	ssyncadd.s32 s6;
	_ =	sdelay $0x1  }
0xa2: {  	s23 =	simm.s32 $0x1B8B  }
0xa3: {  	_ =	swait.ge [sflag:s23], $0x1  }
0xa4: {  	[sflag:s23] =	ssyncset.done $0x0  }
0xa5: {  	[sflag:s23] =	ssyncadd.s32 $0xFFFFFFFF  }
0xa6: {  	s6 =	sld [smem:$0x0]  }
0xa7: {  	s7 =	sand.u32 $0xFFFFFFFE, s1  }
0xa8: {  	p0 =	sne.s32 s1, s7  }
0xa9: {  	s7 =	sshll.u32 @p0 s7, $0xE  }
0xaa: {  	s7 =	sadd.s32 @p0 $0x11B8D, s7;
	s8 =	sshll.u32 @p0 s6, $0x11  }
0xab: {  	s7 =	sor.u32 @p0 s8, s7  }
0xac: {  	[sflag:s7] =	ssyncadd.remote.s32 @p0 $0x1;
	_ =	sdelay $0x1  }
0xad: {  	s7 =	simm.s32 @p0 $0x1B8D  }
0xae: {  	_ =	swait.eq @p0 [sflag:s7], $0x1  }
0xaf: {  	[sflag:s7] =	ssyncadd.s32 @p0 $0xFFFFFFFF  }
0xb0: {  	s8 =	sshll.u32 @!p0 s1, $0xE  }
0xb1: {  	s8 =	sor.u32 @!p0 $0x4000, s8;
	s7 =	simm.s32 @!p0 $0x1B8D  }
0xb2: {  	s6 =	sshll.u32 @!p0 s6, $0x11;
	s8 =	sadd.s32 @!p0 $0x11B8D, s8;
	_ =	swait.eq @!p0 [sflag:s7], $0x1  }
0xb3: {  	s6 =	sor.u32 @!p0 s6, s8;
	[sflag:s7] =	ssyncadd.s32 @!p0 $0xFFFFFFFF  }
0xb4: {  	s25 =	simm.s32 $0x1B8E;
	s24 =	sld [smem:$0x3FFE];
	[sflag:s6] =	ssyncadd.remote.s32 @!p0 $0x1  }
0xb5: {  	s26 =	simm.s32 $execute0_lowered;
	[smem:$0x3FD2] =	sst s25  }
0xb6: {  	s7 =	sshll.u32 s26, $0x1;
	_ =	strace $0x80000049;
	[dreg:$0x1] =	wrdreg $0xFFFFFFFF  }
0xb7: {  	s28 =	simm.s32 $_size_execute0_lowered;
	s5 =	sadd.s32 s5, s7;
	[dreg:$0x0] =	wrdreg $0x0  }
0xb8: {  	s7 =	sshll.u32 s28, $0x1;
	[dreg:$0x2] =	wrdreg s5  }
0xb9: {  	[dreg:$0x3] =	wrdreg s7  }
0xba: {  	[dreg:$0x4] =	wrdreg $0xC0  }
0xbb: {  	_ =	task [dreg:s22], $0x5FFFF  }
0xbc: {  	[dreg:$0x1] =	wrdreg $0xFFFFFFFF  }
0xbd: {  	[dreg:$0x0] =	wrdreg $0x60  }
0xbe: {  	[dreg:$0x2] =	wrdreg s4  }
0xbf: {  	[dreg:$0x3] =	wrdreg s18  }
0xc0: {  	[dreg:$0x4] =	wrdreg s24  }
0xc1: {  	[dreg:$0x5] =	wrdreg $0x9  }
0xc2: {  	_ =	task.clear_ibuf [dreg:s22], $0x6FFFF;
	_ =	strace $0x90000049  }
0xc3: {  	s29 =	simm.s32 $0x9;
	_ =	strace $0x8000004B  }
0xc4: {  	_ =	swait.ge [sflag:s29], $0x1  }
0xc5: {  	[sflag:s29] =	ssyncadd.s32 $0xFFFFFFFF  }
0xc6: {  	_ =	strace $0x9000004B  }
0xc7: {  	_ =	sfence  }
0xc8: {  	s30 =	sld [smem:$0x0];
	_ =	sdelay $0x2  }
0xc9: {  	s31 =	sshll.u32 s1, $0xD;
	s1 =	sshrl.u32 s1, $0x2  }
0xca: {  	s4 =	sand.u32 $0x4000, s31;
	s1 =	sadd.s32 s1, s30  }
0xcb: {  	s0 =	sor.u32 s4, s0;
	s1 =	sshll.u32 s1, $0x11  }
0xcc: {  	s0 =	sor.u32 s1, s0  }
0xcd: {  	s0 =	sadd.s32 $0x8F2B, s0  }
0xce: {  	[sflag:s0] =	ssyncadd.remote.s32 $0x1  }
0xcf: {  	_ =	sfence.sel $0xFFFF  }
0xd0: {  	[dreg:$0x0] =	wrdreg $0xFFFFFFFF;
	(pc) =	sbr.abs _section_cstart, $3  }
0xd1: {  	[dreg:$0x1] =	wrdreg $0xFFFFFFFF  }
0xd2: {  	_ =	task.clear_ibuf [dreg:s22], $0x2FFFF;
	_ =	strace $0x9FFFFFFF  }
0xd3: {  	(tm) =	ssettm $0x7FFFFFFF  }
tec
execute0_lowered:
.L_overlay_start_1:
0x0: {  	(tag) =	ssettag $0x1  }
0x1: {  	s1 =	rddreg [dreg:$0x0]  }
0x2: {  	s2 =	rddreg [dreg:$0x1]  }
0x3: {  	s5 =	rddreg [dreg:$0x2]  }
0x4: {  	s0 =	rddreg [dreg:$0x3];
	s6 =	srdreg.scid  }
0x5: {  	s4 =	simm.s32 $0x0;
	s3 =	stileid.u32;
	s10 =	simm.s32 $0x1  }
0x6: {  	s11 =	simm.s32 $0x84D0;
	s12 =	simm.s32 $0x0;
	s6 =	sand.u32 $0x1, s6  }
0x7: {  	[smem:$0x7FF] =	sst s4;
	s8 =	sshll.u32 s3, $0x1;
	s7 =	ssub.s32 $0x2, s6  }
0x8: {  	s5 =	sadd.s32 $0x9EE00, s5;
	_ =	strace $0x8000004A;
	s9 =	sshrl.u32 s7, $0x1  }
0x9: {  	s6 =	sor.u32 s6, s8;
	s8 =	simm.s32 $0x2;
	s7 =	ssub.s32 s7, s9  }
0xa: {  	s6 =	smul.u32 $0x2710, s6;
	s9 =	simm.s32 $0x7D0;
	s7 =	smax.u32 s7, $0x1  }
.LBB2_1:
0xb: {  	s13 =	simm.s32 $0x0  }
.LBB2_2:
0xc: {  	s14 =	smul.u32 $0x7D0, s13;
	_ =	sdelay $0x1  }
0xd: {  	s14 =	sadd.s32 s6, s14  }
0xe: {  	s15 =	sshrl.u32 s14, $0x3  }
0xf: {  	s15 =	sadd.s32 s2, s15  }
0x10: {  	s16 =	simm.s32 $0x0;
	s15 =	sadd.s32 $0x9C40, s15  }
0x11: {  	[tilespmem:s16], [sflag:$0x2] =	stream.linear.gather [hbm4b:s15+s16], $0x7D0, $0x38;
	[tilespmem:$0x101D0] =	vst v63  }
0x12: {  	_ =	swait.ge [sflag:s8], $0x7D0  }
0x13: {  	[sflag:s8] =	ssyncset.done $0x0  }
0x14: {  	[sflag:s8] =	ssyncadd.s32 $0xFFFFF830  }
0x15: {  	[tilespmem:s9], [sflag:$0x1] =	stream.indirect.gather [hbm4b:s1+s9], $0x10, s16, s9, $0xb8;
	[tilespmem:$0x101D0] =	vst v63  }
0x16: {  	_ =	swait.ge [sflag:s10], $0x7D00  }
0x17: {  	[sflag:s10] =	ssyncset.done $0x0  }
0x18: {  	s31 =	simm.s32 $0x0;
	[sflag:s10] =	ssyncadd.s32 $0xFFFF8300  }
0x19: {  	v0 =	vld [tilespmem:s31+$0x7D0];
	_ =	sdelay $0x3  }
0x1a: {  	s15 =	simm.s32 $0x8510  }
0x1b: {  	[tilespmem:s15+$0xFFFFFFC0] =	vst v0  }
0x1c: {  	v0 =	vld [tilespmem:s31+$0x1770];
	_ =	sdelay $0x4  }
0x1d: {  	[tilespmem:s15+$0xFFFFFFD0] =	vst v0  }
0x1e: {  	v0 =	vld [tilespmem:s31+$0x2710];
	_ =	sdelay $0x4  }
0x1f: {  	[tilespmem:s15+$0xFFFFFFE0] =	vst v0  }
0x20: {  	v0 =	vld [tilespmem:s31+$0x36B0];
	_ =	sdelay $0x4  }
0x21: {  	[tilespmem:s15+$0xFFFFFFF0] =	vst v0  }
0x22: {  	v0 =	vld [tilespmem:s31+$0x4650];
	_ =	sdelay $0x4  }
0x23: {  	[tilespmem:s15+$0x0] =	vst v0  }
0x24: {  	v0 =	vld [tilespmem:s31+$0x55F0];
	_ =	sdelay $0x4  }
0x25: {  	[tilespmem:s15+$0x10] =	vst v0  }
0x26: {  	v0 =	vld [tilespmem:s31+$0x6590];
	_ =	sdelay $0x4  }
0x27: {  	[tilespmem:s15+$0x20] =	vst v0  }
0x28: {  	v0 =	vld [tilespmem:s31+$0x7530];
	_ =	sdelay $0x4  }
0x29: {  	s17 =	simm.s32 $0x80;
	s16 =	simm.s32 $0x10;
	[tilespmem:s15+$0x30] =	vst v0  }
.LBB2_3:
0x2a: {  	p0 =	sne.s32 s17, $0x3E40;
	v0 =	vld [tilespmem:s16+$0x7D0];
	_ =	sdelay $0x3  }
0x2b: {  	s15 =	sadd.s32 $0x80, s15  }
0x2c: {  	[tilespmem:s15+$0xFFFFFFC0] =	vst v0  }
0x2d: {  	v0 =	vld [tilespmem:s16+$0x1770];
	_ =	sdelay $0x4  }
0x2e: {  	[tilespmem:s15+$0xFFFFFFD0] =	vst v0  }
0x2f: {  	v0 =	vld [tilespmem:s16+$0x2710];
	_ =	sdelay $0x4  }
0x30: {  	[tilespmem:s15+$0xFFFFFFE0] =	vst v0  }
0x31: {  	v0 =	vld [tilespmem:s16+$0x36B0];
	_ =	sdelay $0x4  }
0x32: {  	[tilespmem:s15+$0xFFFFFFF0] =	vst v0  }
0x33: {  	v0 =	vld [tilespmem:s16+$0x4650];
	_ =	sdelay $0x4  }
0x34: {  	[tilespmem:s15+$0x0] =	vst v0  }
0x35: {  	v0 =	vld [tilespmem:s16+$0x55F0];
	_ =	sdelay $0x4  }
0x36: {  	[tilespmem:s15+$0x10] =	vst v0  }
0x37: {  	v0 =	vld [tilespmem:s16+$0x6590];
	_ =	sdelay $0x4  }
0x38: {  	[tilespmem:s15+$0x20] =	vst v0  }
0x39: {  	v0 =	vld [tilespmem:s16+$0x7530]  }
.Ltmp0:
0x3a: {  	(pc) =	sbr.rel @p0 .LBB2_3-.Ltmp0, $2  }
0x3b: {  	_ =	sdelay $0x2  }
0x3c: {  	s16 =	sshra.s32 s17, $0x2;
	s17 =	sadd.s32 $0x40, s17;
	[tilespmem:s15+$0x30] =	vst v0  }
0x3d: {  	v0 =	vld [tilespmem:s16+$0x7D0];
	_ =	sdelay $0x3  }
0x3e: {  	s15 =	sadd.s32 $0x80, s15  }
0x3f: {  	[tilespmem:s15+$0xFFFFFFC0] =	vst v0  }
0x40: {  	v0 =	vld [tilespmem:s16+$0x1770];
	_ =	sdelay $0x4  }
0x41: {  	[tilespmem:s15+$0xFFFFFFD0] =	vst v0  }
0x42: {  	v0 =	vld [tilespmem:s16+$0x2710];
	_ =	sdelay $0x4  }
0x43: {  	[tilespmem:s15+$0xFFFFFFE0] =	vst v0  }
0x44: {  	v0 =	vld [tilespmem:s16+$0x36B0];
	_ =	sdelay $0x4  }
0x45: {  	[tilespmem:s15+$0xFFFFFFF0] =	vst v0  }
0x46: {  	v0 =	vld [tilespmem:s16+$0x4650];
	_ =	sdelay $0x4  }
0x47: {  	[tilespmem:s15+$0x0] =	vst v0  }
0x48: {  	v0 =	vld [tilespmem:s16+$0x55F0];
	_ =	sdelay $0x4  }
0x49: {  	[tilespmem:s15+$0x10] =	vst v0  }
0x4a: {  	v0 =	vld [tilespmem:s16+$0x6590];
	_ =	sdelay $0x4  }
0x4b: {  	[tilespmem:s15+$0x20] =	vst v0  }
0x4c: {  	s14 =	smulhi.u32 $0x10624DD3, s14;
	v0 =	vld [tilespmem:s16+$0x7530];
	_ =	sdelay $0x1  }
0x4d: {  	s14 =	sshrl.u32 s14, $0x7  }
0x4e: {  	s13 =	sadd.s32 $0x1, s13;
	s14 =	smul.u32 $0xFA0, s14  }
0x4f: {  	p0 =	sne.s32 s13, $0x5  }
.Ltmp1:
0x50: {  	s14 =	sadd.s32 s5, s14;
	[tilespmem:s15+$0x30] =	vst v0;
	(pc) =	sbr.rel @p0 .LBB2_2-.Ltmp1, $4  }
0x51: {  	[hbm4b:s14+s4] =	stream.linear.scatter [tilespmem:s11], [sflag:$0x2], $0x7D00, $0x38;
	[tilespmem:$0x101D0] =	vst v63  }
0x52: {  	_ =	swait.ge [sflag:s8], $0x7D00  }
0x53: {  	[sflag:s8] =	ssyncset.done $0x0  }
0x54: {  	[sflag:s8] =	ssyncadd.s32 $0xFFFF8300  }
0x55: {  	s12 =	sadd.s32 $0x1, s12  }
0x56: {  	p0 =	sne.s32 s12, s7  }
.Ltmp2:
0x57: {  	_ = 	snop;
	(pc) =	sbr.rel @p0 .LBB2_1-.Ltmp2, $1  }
0x58: {  	_ =	sdelay $0x3  }
0x59: {  	_ =	sfence.sel $0x180000  }
0x5a: {  	[bflag:$0x0] =	sbarrier.arrive $0xFFFF  }
0x5b: {  	p0 =	sne.s32 s3, $0x0;
	_ =	strace $0x9000004A  }
0x5c: {  	s0 =	sadd.s32 @!p0 $0x100000, s0;
	[bflag:$0x2] =	sbarrier.arrive $0xFFFF  }
0x5d: {  	[sflag:s0] =	ssyncadd.tile.s32 @!p0 $0x1;
	_ =	shalt  }
.Lfunc_end2:
_tile_overlayer_lowered:
.L_overlay_start_2:
0x5e: {  	(tag) =	ssettag $0x2  }
0x5f: {  	s0 =	rddreg [dreg:$0x0];
	s2 =	stileid.u32  }
0x60: {  	s1 =	rddreg [dreg:$0x1];
	p0 =	sne.s32 s2, $0x0  }
0x61: {  	s3 =	rddreg [dreg:$0x2];
	[bflag:$0x3] =	sbarrier.arrive $0xFFFF;
	s2 =	simm.s32 @!p0 $0x1C02  }
0x62: {  	[timem:s3], [sflag:s2] =	dma.local @!p0 [hbm:s0], s1  }
0x63: {  	s0 =	simm.s32 @!p0 $0x2  }
0x64: {  	_ =	swait.ge @!p0 [sflag:s0], s1  }
0x65: {  	s1 =	ssub.s32 @!p0 $0x0, s1;
	[sflag:s0] =	ssyncset.done @!p0 $0x0  }
0x66: {  	[sflag:s0] =	ssyncadd.s32 @!p0 s1  }
0x67: {  	[bflag:$0x3] =	sbarrier.arrive $0xFFFF  }
0x68: {  	_ =	shalt  }

// kernel: kernel.15.cloned.1.call-start
scs
__scs_entry_jumppad:
0x0: {  	(pc) =	sbr.rel $0x88, $3  }
0x1: {  	(tag) =	ssettag $0x0;
	lr =	simm.s32 $0x1  }
0x2: {  	[smem:$0x3F99] =	sst lr;
	_ =	strace $0xD0000000  }
0x3: {  	_ = 	snop  }
0x4: {  	_ = 	snop  }
0x5: {  	_ = 	snop  }
0x6: {  	_ = 	snop  }
0x7: {  	_ = 	snop  }
__scs_overlays_trampoline_lowered:
0x8: {  	[smem:$0x3FA8] =	sst s0  }
0x9: {  	[smem:$0x3FA9] =	sst s1  }
0xa: {  	[smem:$0x3FAA] =	sst s2  }
0xb: {  	[smem:$0x3FAB] =	sst s3  }
0xc: {  	[smem:$0x3FAC] =	sst s4  }
0xd: {  	[smem:$0x3FAD] =	sst s5  }
0xe: {  	[smem:$0x3FAE] =	sst s6  }
0xf: {  	[smem:$0x3FAF] =	sst s7  }
0x10: {  	[smem:$0x3FB0] =	sst s8  }
0x11: {  	[smem:$0x3FB1] =	sst s9;
	s0 =	simm.s32 @!p0 $0x0  }
0x12: {  	s1 =	sld [smem:$0x3F97];
	s0 =	simm.s32 @p0 $0x1  }
0x13: {  	[smem:$0x3FB2] =	sst s0;
	s0 =	simm.s32 @!p1 $0x0  }
0x14: {  	s2 =	sld [smem:$0x3F96];
	s0 =	simm.s32 @p1 $0x1  }
0x15: {  	[smem:$0x3FB3] =	sst s0;
	s0 =	simm.s32 @!p2 $0x0  }
0x16: {  	s3 =	sld [smem:$0x3FDB];
	s0 =	simm.s32 @p2 $0x1  }
0x17: {  	s4 =	simm.s32 $0x1BF5;
	[smem:$0x3FB5] =	sst s0  }
0x18: {  	s0 =	sld [smem:$0x3F98];
	_ =	swait.ge [sflag:s4], $0x0  }
0x19: {  	s7 =	sld [smem:$0x3F99]  }
0x1a: {  	s8 =	sadd.s32 $0xFFFFE003, lr  }
0x1b: {  	s9 =	sadd.s32 $0xFFFFFEF7, lr;
	s5 =	simm.s32 $0xFFFFFFFF;
	p2 =	slt.u32 s8, $0xFFFFF086  }
0x1c: {  	p1 =	slt.u32 s9, $0xF7A;
	s5 =	simm.s32 @!p2 $0x0  }
0x1d: {  	s5 =	simm.s32 @p1 $0x1;
	p0 =	seq.s32 s7, s2  }
0x1e: {  	s7 =	smul.u32 @!p0 $0xF7A, s2;
	p2 =	seq.s32 @!p0 s5, $0x0  }
0x1f: {  	s9 =	smul.u32 $0xF7A, s1;
	s8 =	simm.s32 @!p0 $0x1BF5;
	p2 =	por !p2, p0  }
0x20: {  	[sflag:s8] =	ssyncset.s32 @!p0 $0xFFFFF086;
	s6 =	sadd.s32 @!p0 s3, s7;
	s7 =	simm.s32 @!p0 $0x108  }
0x21: {  	s3 =	sadd.s32 s3, s9;
	s6 =	sadd.s32 @!p0 $0x88, s6;
	s7 =	simm.s32 @p2 $0x1082  }
0x22: {  	[simem:s7], [sflag:s8] =	dma.local @!p0 [hbm:s6], $0xF7A  }
0x23: {  	s9 =	sor.u32 $0xD0000000, s2;
	s6 =	simm.s32 $0x108;
	_ =	swait.ge @!p0 [sflag:s8], $0x0  }
0x24: {  	s3 =	sadd.s32 $0x88, s3;
	s6 =	simm.s32 @!p1 $0x1082;
	[sflag:s4] =	ssyncset.s32 $0xFFFFF086  }
0x25: {  	[simem:s6], [sflag:s4] =	dma.local [hbm:s3], $0xF7A  }
0x26: {  	[smem:$0x3F99] =	sst s1;
	(tag) =	ssettag s2;
	_ =	strace s9  }
0x27: {  	s1 =	sld [smem:$0x3FA9]  }
0x28: {  	s2 =	sld [smem:$0x3FAA]  }
0x29: {  	s4 =	sld [smem:$0x3FAC]  }
0x2a: {  	p0 =	seq.s32 s5, $0x0;
	s5 =	sld [smem:$0x3FAD]  }
0x2b: {  	s6 =	sld [smem:$0x3FAE]  }
0x2c: {  	s7 =	sld [smem:$0x3FAF]  }
0x2d: {  	s3 =	simm.s32 $0x108;
	s8 =	sld [smem:$0x3FB0]  }
0x2e: {  	s3 =	simm.s32 @!p0 $0x1082;
	s9 =	sld [smem:$0x3FB1]  }
0x2f: {  	lr =	sadd.s32 s0, s3;
	s0 =	sld [smem:$0x3FA8]  }
0x30: {  	s3 =	sld [smem:$0x3FAB]  }
0x31: {  	[smem:$0x3FB4] =	sst s10  }
0x32: {  	s10 =	sld [smem:$0x3FB2];
	_ =	sdelay $0x3  }
0x33: {  	p0 =	seq.s32 s10, $0x1;
	s10 =	sld [smem:$0x3FB4];
	_ =	sdelay $0x3  }
0x34: {  	[smem:$0x3FB4] =	sst s10  }
0x35: {  	s10 =	sld [smem:$0x3FB3];
	_ =	sdelay $0x3  }
0x36: {  	p1 =	seq.s32 s10, $0x1;
	s10 =	sld [smem:$0x3FB4];
	_ =	sdelay $0x3  }
0x37: {  	[smem:$0x3FB4] =	sst s10  }
0x38: {  	s10 =	sld [smem:$0x3FB5]  }
0x39: {  	_ = 	snop;
	(pc) =	sbr.ind lr, $3  }
0x3a: {  	_ = 	snop  }
0x3b: {  	_ = 	snop  }
0x3c: {  	p2 =	seq.s32 s10, $0x1;
	s10 =	sld [smem:$0x3FB4]  }
0x3d: {  	_ =	shalt  }
0x3e: {  	_ =	shalt  }
0x3f: {  	_ =	shalt  }
0x40: {  	_ =	shalt  }
0x41: {  	_ =	shalt  }
0x42: {  	_ =	shalt  }
0x43: {  	_ =	shalt  }
0x44: {  	_ =	shalt  }
0x45: {  	_ =	shalt  }
0x46: {  	_ =	shalt  }
0x47: {  	_ =	shalt  }
0x48: {  	_ =	shalt  }
0x49: {  	_ =	shalt  }
0x4a: {  	_ =	shalt  }
0x4b: {  	_ =	shalt  }
0x4c: {  	_ =	shalt  }
0x4d: {  	_ =	shalt  }
0x4e: {  	_ =	shalt  }
0x4f: {  	_ =	shalt  }
0x50: {  	_ =	shalt  }
0x51: {  	_ =	shalt  }
0x52: {  	_ =	shalt  }
0x53: {  	_ =	shalt  }
0x54: {  	_ =	shalt  }
0x55: {  	_ =	shalt  }
0x56: {  	_ =	shalt  }
0x57: {  	_ =	shalt  }
0x58: {  	_ =	shalt  }
0x59: {  	_ =	shalt  }
0x5a: {  	_ =	shalt  }
0x5b: {  	_ =	shalt  }
0x5c: {  	_ =	shalt  }
0x5d: {  	_ =	shalt  }
0x5e: {  	_ =	shalt  }
0x5f: {  	_ =	shalt  }
0x60: {  	_ =	shalt  }
0x61: {  	_ =	shalt  }
0x62: {  	_ =	shalt  }
0x63: {  	_ =	shalt  }
0x64: {  	_ =	shalt  }
0x65: {  	_ =	shalt  }
0x66: {  	_ =	shalt  }
0x67: {  	_ =	shalt  }
0x68: {  	_ =	shalt  }
0x69: {  	_ =	shalt  }
0x6a: {  	_ =	shalt  }
0x6b: {  	_ =	shalt  }
0x6c: {  	_ =	shalt  }
0x6d: {  	_ =	shalt  }
0x6e: {  	_ =	shalt  }
0x6f: {  	_ =	shalt  }
0x70: {  	_ =	shalt  }
0x71: {  	_ =	shalt  }
0x72: {  	_ =	shalt  }
0x73: {  	_ =	shalt  }
0x74: {  	_ =	shalt  }
0x75: {  	_ =	shalt  }
0x76: {  	_ =	shalt  }
0x77: {  	_ =	shalt  }
0x78: {  	_ =	shalt  }
0x79: {  	_ =	shalt  }
0x7a: {  	_ =	shalt  }
0x7b: {  	_ =	shalt  }
0x7c: {  	_ =	shalt  }
0x7d: {  	_ =	shalt  }
0x7e: {  	_ =	shalt  }
0x7f: {  	_ =	shalt  }
0x80: {  	_ =	shalt  }
0x81: {  	_ =	shalt  }
0x82: {  	_ =	shalt  }
0x83: {  	_ =	shalt  }
0x84: {  	_ =	shalt  }
0x85: {  	_ =	shalt  }
0x86: {  	_ =	shalt  }
0x87: {  	_ =	shalt  }
.Lfunc_end0:
.L_simem_size_0:
called_computation.2_lowered:
.L_overlay_start_0:
0x88: {  	s2 =	sld [smem:$0x3FD9]  }
0x89: {  	s3 =	sld [smem:$0x3FFE];
	_ =	sdelay $0x1  }
0x8a: {  	s1 =	srdreg.scid  }
0x8b: {  	s0 =	sand.u32 $0x1, s1  }
0x8c: {  	s17 =	sshll.u32 s0, $0xA;
	s2 =	sadd.s32 s3, s2  }
0x8d: {  	s2 =	sadd.s32 s2, s17  }
0x8e: {  	[smem:$0x3FC0] =	sst s2  }
0x8f: {  	_ = 	snop  }
0x90: {  	s18 =	sld [smem:$0x3FC8];
	(tm) =	ssettm $0x1  }
0x91: {  	s19 =	sld [smem:$0x3FFB];
	_ =	sdelay $0x3  }
0x92: {  	_ =	strace s19  }
0x93: {  	s2 =	sld [smem:$0x3FFC];
	_ =	sdelay $0x3  }
0x94: {  	_ =	strace s2  }
0x95: {  	s2 =	sld [smem:$0x3FFD];
	_ =	sdelay $0x3  }
0x96: {  	_ =	strace s2  }
0x97: {  	_ =	strace $0x8FFFFFFF  }
0x98: {  	s20 =	sld [smem:$0x3FDB];
	_ =	sdelay $0x1  }
0x99: {  	s4 =	simm.s32 $_scs_section_size  }
0x9a: {  	s5 =	simm.s32 $_size__tile_overlayer_lowered;
	s6 =	simm.s32 $_tile_overlayer_lowered  }
0x9b: {  	s7 =	simm.s32 $0x1BFF;
	s21 =	sshll.u32 s6, $0x1;
	s4 =	sadd.s32 s4, s20  }
0x9c: {  	s22 =	simm.s32 $0x0;
	s5 =	sshll.u32 s5, $0x1;
	s6 =	sadd.s32 s21, s4  }
0x9d: {  	[timem:s22], [sflag:s7] =	dma.local [hbm:s6], s5  }
0x9e: {  	_ =	swait.ge [sflag:s7], s5  }
0x9f: {  	s5 =	ssub.s32 $0x0, s5;
	[sflag:s7] =	ssyncset.done $0x0  }
0xa0: {  	[sflag:s7] =	ssyncadd.s32 s5;
	_ =	sdelay $0x1  }
0xa1: {  	s23 =	simm.s32 $0x1B8B  }
0xa2: {  	_ =	swait.ge [sflag:s23], $0x1  }
0xa3: {  	[sflag:s23] =	ssyncset.done $0x0  }
0xa4: {  	[sflag:s23] =	ssyncadd.s32 $0xFFFFFFFF  }
0xa5: {  	s5 =	sld [smem:$0x0]  }
0xa6: {  	s6 =	sand.u32 $0xFFFFFFFE, s1  }
0xa7: {  	p0 =	sne.s32 s1, s6  }
0xa8: {  	s6 =	sshll.u32 @p0 s6, $0xE  }
0xa9: {  	s6 =	sadd.s32 @p0 $0x11B8D, s6;
	s7 =	sshll.u32 @p0 s5, $0x11  }
0xaa: {  	s6 =	sor.u32 @p0 s7, s6  }
0xab: {  	[sflag:s6] =	ssyncadd.remote.s32 @p0 $0x1;
	_ =	sdelay $0x1  }
0xac: {  	s6 =	simm.s32 @p0 $0x1B8D  }
0xad: {  	_ =	swait.eq @p0 [sflag:s6], $0x1  }
0xae: {  	[sflag:s6] =	ssyncadd.s32 @p0 $0xFFFFFFFF  }
0xaf: {  	s7 =	sshll.u32 @!p0 s1, $0xE  }
0xb0: {  	s7 =	sor.u32 @!p0 $0x4000, s7;
	s6 =	simm.s32 @!p0 $0x1B8D  }
0xb1: {  	s5 =	sshll.u32 @!p0 s5, $0x11;
	s7 =	sadd.s32 @!p0 $0x11B8D, s7;
	_ =	swait.eq @!p0 [sflag:s6], $0x1  }
0xb2: {  	s5 =	sor.u32 @!p0 s5, s7;
	[sflag:s6] =	ssyncadd.s32 @!p0 $0xFFFFFFFF  }
0xb3: {  	s25 =	simm.s32 $0x1B8E;
	s24 =	sld [smem:$0x3FFE];
	[sflag:s5] =	ssyncadd.remote.s32 @!p0 $0x1  }
0xb4: {  	s26 =	simm.s32 $execute0_lowered;
	[smem:$0x3FD2] =	sst s25  }
0xb5: {  	s6 =	sshll.u32 s26, $0x1;
	_ =	strace $0x8000004C;
	[dreg:$0x1] =	wrdreg $0xFFFFFFFF  }
0xb6: {  	s28 =	simm.s32 $_size_execute0_lowered;
	s4 =	sadd.s32 s4, s6;
	[dreg:$0x0] =	wrdreg $0x0  }
0xb7: {  	s6 =	sshll.u32 s28, $0x1;
	[dreg:$0x2] =	wrdreg s4  }
0xb8: {  	[dreg:$0x3] =	wrdreg s6  }
0xb9: {  	[dreg:$0x4] =	wrdreg $0xC0  }
0xba: {  	_ =	task [dreg:s22], $0x5FFFF  }
0xbb: {  	[dreg:$0x1] =	wrdreg $0xFFFFFFFF  }
0xbc: {  	[dreg:$0x0] =	wrdreg $0x60  }
0xbd: {  	[dreg:$0x2] =	wrdreg s24  }
0xbe: {  	[dreg:$0x3] =	wrdreg s18  }
0xbf: {  	[dreg:$0x4] =	wrdreg $0x151D00  }
0xc0: {  	[dreg:$0x5] =	wrdreg $0xA  }
0xc1: {  	_ =	task.clear_ibuf [dreg:s22], $0x6FFFF;
	_ =	strace $0x9000004C  }
0xc2: {  	s29 =	simm.s32 $0xA;
	_ =	strace $0x8000004E  }
0xc3: {  	_ =	swait.ge [sflag:s29], $0x1  }
0xc4: {  	[sflag:s29] =	ssyncadd.s32 $0xFFFFFFFF  }
0xc5: {  	_ =	strace $0x9000004E  }
0xc6: {  	_ =	sfence  }
0xc7: {  	s30 =	sld [smem:$0x0];
	_ =	sdelay $0x2  }
0xc8: {  	s31 =	sshll.u32 s1, $0xD;
	s1 =	sshrl.u32 s1, $0x2  }
0xc9: {  	s4 =	sand.u32 $0x4000, s31;
	s1 =	sadd.s32 s1, s30  }
0xca: {  	s0 =	sor.u32 s4, s0;
	s1 =	sshll.u32 s1, $0x11  }
0xcb: {  	s0 =	sor.u32 s1, s0  }
0xcc: {  	s0 =	sadd.s32 $0x8F2B, s0  }
0xcd: {  	[sflag:s0] =	ssyncadd.remote.s32 $0x1  }
0xce: {  	_ =	sfence.sel $0xFFFF  }
0xcf: {  	[dreg:$0x0] =	wrdreg $0xFFFFFFFF;
	(pc) =	sbr.abs _section_cstart, $3  }
0xd0: {  	[dreg:$0x1] =	wrdreg $0xFFFFFFFF  }
0xd1: {  	_ =	task.clear_ibuf [dreg:s22], $0x2FFFF;
	_ =	strace $0x9FFFFFFF  }
0xd2: {  	(tm) =	ssettm $0x7FFFFFFF  }
0xd3: {  	_ =	shalt  }
tec
execute0_lowered:
.L_overlay_start_1:
0x0: {  	(tag) =	ssettag $0x1  }
0x1: {  	s11 =	rddreg [dreg:$0x0]  }
0x2: {  	s1 =	rddreg [dreg:$0x1]  }
0x3: {  	s3 =	rddreg [dreg:$0x2]  }
0x4: {  	s0 =	rddreg [dreg:$0x3];
	s4 =	simm.s32 $0x0  }
0x5: {  	s2 =	stileid.u32;
	s5 =	srdreg.scid;
	s16 =	simm.s32 $0x1  }
0x6: {  	s18 =	simm.s32 $0x7D0;
	s19 =	simm.s32 $0x84D0;
	s20 =	simm.s32 $0x101D0  }
0x7: {  	s21 =	simm.s32 $0x129D0;
	s22 =	simm.s32 $0x0;
	[smem:$0x7FF] =	sst s4  }
0x8: {  	s12 =	smul.u32 $0x2700, s2;
	s7 =	sand.u32 $0x1, s5;
	s5 =	sadd.s32 $0x2A00, s11  }
0x9: {  	s13 =	smul.u32 $0x2710, s2;
	s14 =	sadd.s32 $0x622200, s11;
	s30 =	sshll.u32 s2, $0x6  }
0xa: {  	p0 =	sne.s32 s2, $0xF;
	_ =	strace $0x8000004D;
	s8 =	smul.u32 $0x27100, s7  }
0xb: {  	s6 =	ssub.s32 $0x2, s7;
	s31 =	smul.u32 $0x28000, s7;
	s9 =	sshrl.u32 s12, $0x3  }
0xc: {  	s10 =	sshrl.u32 s6, $0x1;
	s7 =	sadd.s32 s12, s3;
	s9 =	sadd.s32 s9, s11  }
0xd: {  	s15 =	ssub.s32 s6, s10;
	s6 =	sadd.s32 s13, s8;
	s10 =	sadd.s32 $0x27000, s3  }
0xe: {  	s12 =	sadd.s32 s12, s31;
	s13 =	sshrl.u32 s31, $0x3;
	s11 =	sadd.s32 $0x622000, s11  }
0xf: {  	s8 =	sadd.s32 $0x61D200, s9;
	s9 =	sor.u32 $0x1C01, s30;
	s12 =	sshrl.u32 s12, $0x3  }
0x10: {  	s13 =	sadd.s32 s14, s13;
	s17 =	sshrl.u32 @!p0 s10, $0x3;
	s12 =	sadd.s32 s14, s12  }
0x11: {  	s13 =	sadd.s32 $0x4E00, s13;
	s14 =	smax.u32 s15, $0x1;
	s15 =	sshrl.u32 s7, $0x3  }
.LBB2_1:
0x12: {  	[spmem:s15], [sflag:s9] =	dma.local [hbm:s8], $0x4E0  }
0x13: {  	_ =	swait.ge [sflag:s16], $0x4E0  }
0x14: {  	[sflag:s16] =	ssyncset.done $0x0  }
0x15: {  	s23 =	simm.s32 @!p0 $0x1;
	[sflag:s16] =	ssyncadd.s32 $0xFFFFFB20  }
0x16: {  	[spmem:s17], [sflag:s9] =	dma.local @!p0 [hbm:s11], $0x20  }
0x17: {  	_ =	swait.ge @!p0 [sflag:s23], $0x20  }
0x18: {  	[sflag:s23] =	ssyncset.done @!p0 $0x0  }
0x19: {  	[sflag:s23] =	ssyncadd.s32 @!p0 $0xFFFFFFE0  }
0x1a: {  	s23 =	simm.s32 $0x0;
	[bflag:$0x0] =	sbarrier.arrive $0xFFFF  }
.LBB2_2:
0x1b: {  	s24 =	smul.u32 $0x7D0, s23;
	_ =	sdelay $0x1  }
0x1c: {  	s24 =	sadd.s32 s24, s6  }
0x1d: {  	s25 =	sshrl.u32 s24, $0x3  }
0x1e: {  	s24 =	smulhi.u32 $0x10624DD3, s24;
	s26 =	sadd.s32 s1, s25;
	s25 =	simm.s32 $0x0  }
0x1f: {  	[tilespmem:s25], [sflag:$0x1] =	stream.linear.gather [hbm4b:s26+s25], $0x7D0, $0x38;
	[tilespmem:$0x178E0] =	vst v63  }
0x20: {  	s24 =	sshrl.u32 s24, $0x7  }
0x21: {  	_ =	swait.ge [sflag:s16], $0x7D0;
	s24 =	smul.u32 $0xFA0, s24  }
0x22: {  	[sflag:s16] =	ssyncset.done $0x0  }
0x23: {  	[sflag:s16] =	ssyncadd.s32 $0xFFFFF830;
	s24 =	sadd.s32 s5, s24  }
0x24: {  	[tilespmem:s18], [sflag:$0x1] =	stream.linear.gather [hbm4b:s24+s25], $0x7D00, $0x38;
	[tilespmem:$0x178E0] =	vst v63  }
0x25: {  	_ =	swait.ge [sflag:s16], $0x7D00  }
0x26: {  	[sflag:s16] =	ssyncset.done $0x0  }
0x27: {  	s24 =	simm.s32 $0x810;
	[sflag:s16] =	ssyncadd.s32 $0xFFFF8300  }
0x28: {  	s26 =	simm.s32 $0x40;
	v0 =	vld [tilespmem:s24+$0xFFFFFFC0]  }
.LBB2_3:
0x29: {  	p1 =	sne.s32 s26, $0x3E40;
	_ =	sdelay $0x2  }
0x2a: {  	s28 =	sshra.s32 s25, $0x2;
	s25 =	smov.u32 s26  }
0x2b: {  	[tilespmem:s28+$0x84D0] =	vst v0  }
0x2c: {  	v0 =	vld [tilespmem:s24+$0xFFFFFFD0];
	_ =	sdelay $0x4  }
0x2d: {  	[tilespmem:s28+$0x9470] =	vst v0  }
0x2e: {  	v0 =	vld [tilespmem:s24+$0xFFFFFFE0];
	_ =	sdelay $0x4  }
0x2f: {  	[tilespmem:s28+$0xA410] =	vst v0  }
0x30: {  	v0 =	vld [tilespmem:s24+$0xFFFFFFF0];
	_ =	sdelay $0x4  }
0x31: {  	[tilespmem:s28+$0xB3B0] =	vst v0  }
0x32: {  	v0 =	vld [tilespmem:s24+$0x0];
	_ =	sdelay $0x4  }
0x33: {  	[tilespmem:s28+$0xC350] =	vst v0  }
0x34: {  	v0 =	vld [tilespmem:s24+$0x10];
	_ =	sdelay $0x4  }
0x35: {  	[tilespmem:s28+$0xD2F0] =	vst v0  }
0x36: {  	v0 =	vld [tilespmem:s24+$0x20];
	_ =	sdelay $0x4  }
0x37: {  	[tilespmem:s28+$0xE290] =	vst v0  }
0x38: {  	v0 =	vld [tilespmem:s24+$0x30];
	_ =	sdelay $0x1  }
.Ltmp0:
0x39: {  	(pc) =	sbr.rel @p1 .LBB2_3-.Ltmp0, $3  }
0x3a: {  	_ =	sdelay $0x1  }
0x3b: {  	s24 =	sadd.s32 $0x80, s24;
	[tilespmem:s28+$0xF230] =	vst v0  }
0x3c: {  	s26 =	sadd.s32 $0x40, s26;
	v0 =	vld [tilespmem:s24+$0xFFFFFFC0]  }
0x3d: {  	_ =	sdelay $0x2  }
0x3e: {  	s25 =	sshra.s32 s25, $0x2  }
0x3f: {  	[tilespmem:s25+$0x84D0] =	vst v0  }
0x40: {  	v0 =	vld [tilespmem:s24+$0xFFFFFFD0];
	_ =	sdelay $0x4  }
0x41: {  	[tilespmem:s25+$0x9470] =	vst v0  }
0x42: {  	v0 =	vld [tilespmem:s24+$0xFFFFFFE0];
	_ =	sdelay $0x4  }
0x43: {  	[tilespmem:s25+$0xA410] =	vst v0  }
0x44: {  	v0 =	vld [tilespmem:s24+$0xFFFFFFF0];
	_ =	sdelay $0x4  }
0x45: {  	[tilespmem:s25+$0xB3B0] =	vst v0  }
0x46: {  	v0 =	vld [tilespmem:s24+$0x0];
	_ =	sdelay $0x4  }
0x47: {  	[tilespmem:s25+$0xC350] =	vst v0  }
0x48: {  	v0 =	vld [tilespmem:s24+$0x10];
	_ =	sdelay $0x4  }
0x49: {  	[tilespmem:s25+$0xD2F0] =	vst v0  }
0x4a: {  	v0 =	vld [tilespmem:s24+$0x20];
	_ =	sdelay $0x4  }
0x4b: {  	[tilespmem:s25+$0xE290] =	vst v0  }
0x4c: {  	v0 =	vld [tilespmem:s24+$0x30];
	_ =	sdelay $0x2  }
0x4d: {  	s23 =	sadd.s32 $0x1, s23  }
0x4e: {  	p1 =	sne.s32 s23, $0x5  }
.Ltmp1:
0x4f: {  	[tilespmem:s25+$0xF230] =	vst v0;
	(pc) =	sbr.rel @p1 .LBB2_2-.Ltmp1, $4  }
0x50: {  	[spmem:s3] =	stream.indirect.scatter.add.f32 [tilespmem:s19], [sflag:$0x1], $0x10, s4, s18, $0xb8;
	[tilespmem:$0x178E0] =	vst v63  }
0x51: {  	_ =	swait.ge [sflag:s16], $0x7D00  }
0x52: {  	[sflag:s16] =	ssyncset.done $0x0  }
0x53: {  	[sflag:s16] =	ssyncadd.s32 $0xFFFF8300  }
0x54: {  	[bflag:$0x0] =	sbarrier.arrive $0xFFFF  }
0x55: {  	[tilespmem:s20], [sflag:$0x1] =	stream.linear.gather [spmem:s7], $0x2700, $0x38;
	[tilespmem:$0x178E0] =	vst v63  }
0x56: {  	_ =	swait.ge [sflag:s16], $0x2700  }
0x57: {  	[sflag:s16] =	ssyncset.done $0x0  }
0x58: {  	s23 =	simm.s32 $0x0;
	[sflag:s16] =	ssyncadd.s32 $0xFFFFD900  }
0x59: {  	v3 =	vld [tilespmem:s23+$0x10240]  }
0x5a: {  	v4 =	vld [tilespmem:s23+$0x101D0]  }
0x5b: {  	v5 =	vld [tilespmem:s23+$0x101E0]  }
0x5c: {  	v2 =	vld [tilespmem:s23+$0x101F0]  }
0x5d: {  	v0 =	vld [tilespmem:s23+$0x10200]  }
0x5e: {  	v1 =	vld [tilespmem:s23+$0x10210];
	[tilespmem:s23+$0x12A40] =	vst v3  }
0x5f: {  	[tilespmem:s23+$0x129D0] =	vst v4;
	v3 =	vld [tilespmem:s23+$0x10220]  }
0x60: {  	s24 =	simm.s32 $0x80;
	s25 =	simm.s32 $0x400;
	[tilespmem:s23+$0x129E0] =	vst v5;
	v4 =	vld [tilespmem:s23+$0x10230]  }
.LBB2_6:
0x61: {  	p1 =	sne.s32 s25, $0x9A00;
	v5 =	vld [tilespmem:s24+$0x10240];
	[tilespmem:s23+$0x129F0] =	vst v2  }
0x62: {  	v6 =	vld [tilespmem:s24+$0x101D0];
	[tilespmem:s23+$0x12A00] =	vst v0  }
0x63: {  	v7 =	vld [tilespmem:s24+$0x101E0];
	[tilespmem:s23+$0x12A10] =	vst v1  }
.Ltmp2:
0x64: {  	v2 =	vld [tilespmem:s24+$0x101F0];
	[tilespmem:s23+$0x12A20] =	vst v3;
	(pc) =	sbr.rel @p1 .LBB2_6-.Ltmp2, $4  }
0x65: {  	v0 =	vld [tilespmem:s24+$0x10200];
	[tilespmem:s23+$0x12A30] =	vst v4;
	s23 =	smov.u32 s24  }
0x66: {  	v1 =	vld [tilespmem:s23+$0x10210];
	[tilespmem:s23+$0x12A40] =	vst v5  }
0x67: {  	[tilespmem:s23+$0x129D0] =	vst v6;
	v3 =	vld [tilespmem:s23+$0x10220]  }
0x68: {  	s24 =	sshra.s32 s25, $0x2;
	s25 =	sadd.s32 $0x200, s25;
	[tilespmem:s23+$0x129E0] =	vst v7;
	v4 =	vld [tilespmem:s23+$0x10230]  }
0x69: {  	v5 =	vld [tilespmem:s24+$0x10240];
	[tilespmem:s23+$0x129F0] =	vst v2  }
0x6a: {  	v2 =	vld [tilespmem:s24+$0x101D0];
	[tilespmem:s23+$0x12A00] =	vst v0  }
0x6b: {  	v0 =	vld [tilespmem:s24+$0x101E0];
	[tilespmem:s23+$0x12A10] =	vst v1  }
0x6c: {  	v1 =	vld [tilespmem:s24+$0x101F0];
	[tilespmem:s23+$0x12A20] =	vst v3  }
0x6d: {  	v3 =	vld [tilespmem:s24+$0x10200];
	[tilespmem:s23+$0x12A30] =	vst v4  }
0x6e: {  	v4 =	vld [tilespmem:s24+$0x10210];
	[tilespmem:s24+$0x12A40] =	vst v5  }
0x6f: {  	v62 =	vld [tilespmem:s24+$0x10220];
	[tilespmem:s24+$0x129D0] =	vst v2  }
0x70: {  	v63 =	vld [tilespmem:s24+$0x10230];
	[tilespmem:s24+$0x129E0] =	vst v0  }
0x71: {  	[tilespmem:s24+$0x129F0] =	vst v1  }
0x72: {  	[tilespmem:s24+$0x12A00] =	vst v3  }
0x73: {  	[tilespmem:s24+$0x12A10] =	vst v4  }
0x74: {  	[tilespmem:s24+$0x12A20] =	vst v62  }
0x75: {  	[tilespmem:s24+$0x12A30] =	vst v63  }
0x76: {  	[hbm4b:s12+s4] =	stream.linear.scatter [tilespmem:s21], [sflag:$0x1], $0x2700, $0x38;
	[tilespmem:$0x178E0] =	vst v63  }
0x77: {  	_ =	swait.ge [sflag:s16], $0x2700  }
0x78: {  	[sflag:s16] =	ssyncset.done $0x0  }
0x79: {  	s23 =	simm.s32 @!p0 $0x101D0;
	[sflag:s16] =	ssyncadd.s32 $0xFFFFD900  }
0x7a: {  	[tilespmem:s23], [sflag:$0x1] =	stream.linear.gather @!p0 [spmem:s10], $0x100, $0x38;
	[tilespmem:$0x178E0] =	vst v63  }
0x7b: {  	s23 =	simm.s32 @!p0 $0x1  }
0x7c: {  	_ =	swait.ge @!p0 [sflag:s23], $0x100  }
0x7d: {  	[sflag:s23] =	ssyncset.done @!p0 $0x0  }
0x7e: {  	[sflag:s23] =	ssyncadd.s32 @!p0 $0xFFFFFF00  }
0x7f: {  	v0 =	vld @!p0 [tilespmem:$0x101D0]  }
0x80: {  	v1 =	vld @!p0 [tilespmem:$0x101E0]  }
0x81: {  	v2 =	vld @!p0 [tilespmem:$0x101F0]  }
0x82: {  	v3 =	vld @!p0 [tilespmem:$0x10200]  }
0x83: {  	v4 =	vld @!p0 [tilespmem:$0x10210]  }
0x84: {  	[tilespmem:$0x129D0] =	vst @!p0 v0;
	v0 =	vld @!p0 [tilespmem:$0x10220]  }
0x85: {  	[tilespmem:$0x129E0] =	vst @!p0 v1;
	v1 =	vld @!p0 [tilespmem:$0x10230]  }
0x86: {  	[tilespmem:$0x129F0] =	vst @!p0 v2;
	v2 =	vld @!p0 [tilespmem:$0x10240]  }
0x87: {  	[tilespmem:$0x12A00] =	vst @!p0 v3;
	v3 =	vld @!p0 [tilespmem:$0x10250]  }
0x88: {  	[tilespmem:$0x12A10] =	vst @!p0 v4;
	v4 =	vld @!p0 [tilespmem:$0x10260]  }
0x89: {  	[tilespmem:$0x12A20] =	vst @!p0 v0;
	v0 =	vld @!p0 [tilespmem:$0x10270]  }
0x8a: {  	[tilespmem:$0x12A30] =	vst @!p0 v1;
	v1 =	vld @!p0 [tilespmem:$0x10280]  }
0x8b: {  	[tilespmem:$0x12A40] =	vst @!p0 v2;
	v2 =	vld @!p0 [tilespmem:$0x10290]  }
0x8c: {  	[tilespmem:$0x12A50] =	vst @!p0 v3;
	v3 =	vld @!p0 [tilespmem:$0x102A0]  }
0x8d: {  	[tilespmem:$0x12A60] =	vst @!p0 v4;
	v4 =	vld @!p0 [tilespmem:$0x102B0]  }
0x8e: {  	[tilespmem:$0x12A70] =	vst @!p0 v0;
	v0 =	vld @!p0 [tilespmem:$0x102C0]  }
0x8f: {  	[tilespmem:$0x12A80] =	vst @!p0 v1  }
0x90: {  	[tilespmem:$0x12A90] =	vst @!p0 v2  }
0x91: {  	s22 =	sadd.s32 $0x1, s22;
	[tilespmem:$0x12AA0] =	vst @!p0 v3  }
0x92: {  	p1 =	sne.s32 s22, s14;
	[tilespmem:$0x12AB0] =	vst @!p0 v4  }
.Ltmp3:
0x93: {  	s25 =	simm.s32 @!p0 $0x129D0;
	s24 =	simm.s32 @!p0 $0x0;
	[tilespmem:$0x12AC0] =	vst @!p0 v0;
	(pc) =	sbr.rel @p1 .LBB2_1-.Ltmp3, $4  }
0x94: {  	[hbm4b:s13+s24] =	stream.linear.scatter @!p0 [tilespmem:s25], [sflag:$0x1], $0x100, $0x38;
	[tilespmem:$0x178E0] =	vst v63  }
0x95: {  	_ =	swait.ge @!p0 [sflag:s23], $0x100  }
0x96: {  	[sflag:s23] =	ssyncset.done @!p0 $0x0  }
0x97: {  	[sflag:s23] =	ssyncadd.s32 @!p0 $0xFFFFFF00  }
0x98: {  	_ =	sfence.sel $0x180000  }
0x99: {  	[bflag:$0x0] =	sbarrier.arrive $0xFFFF  }
0x9a: {  	p0 =	sne.s32 s2, $0x0;
	_ =	strace $0x9000004D  }
0x9b: {  	s0 =	sadd.s32 @!p0 $0x100000, s0;
	[bflag:$0x2] =	sbarrier.arrive $0xFFFF  }
0x9c: {  	[sflag:s0] =	ssyncadd.tile.s32 @!p0 $0x1;
	_ =	shalt  }
.Lfunc_end2:
_tile_overlayer_lowered:
.L_overlay_start_2:
0x9d: {  	(tag) =	ssettag $0x2  }
0x9e: {  	s0 =	rddreg [dreg:$0x0];
	s2 =	stileid.u32  }
0x9f: {  	s1 =	rddreg [dreg:$0x1];
	p0 =	sne.s32 s2, $0x0  }
0xa0: {  	s3 =	rddreg [dreg:$0x2];
	[bflag:$0x3] =	sbarrier.arrive $0xFFFF;
	s2 =	simm.s32 @!p0 $0x1C01  }
0xa1: {  	[timem:s3], [sflag:s2] =	dma.local @!p0 [hbm:s0], s1  }
0xa2: {  	s0 =	simm.s32 @!p0 $0x1  }
0xa3: {  	_ =	swait.ge @!p0 [sflag:s0], s1  }
0xa4: {  	s1 =	ssub.s32 @!p0 $0x0, s1;
	[sflag:s0] =	ssyncset.done @!p0 $0x0  }
0xa5: {  	[sflag:s0] =	ssyncadd.s32 @!p0 s1  }
0xa6: {  	[bflag:$0x3] =	sbarrier.arrive $0xFFFF  }
0xa7: {  	_ =	shalt  }

// kernel: kernel.18.cloned.1.call-start
scs
__scs_entry_jumppad:
0x0: {  	(pc) =	sbr.rel $0x88, $3  }
0x1: {  	(tag) =	ssettag $0x0;
	lr =	simm.s32 $0x1  }
0x2: {  	[smem:$0x3F99] =	sst lr;
	_ =	strace $0xD0000000  }
0x3: {  	_ = 	snop  }
0x4: {  	_ = 	snop  }
0x5: {  	_ = 	snop  }
0x6: {  	_ = 	snop  }
0x7: {  	_ = 	snop  }
__scs_overlays_trampoline_lowered:
0x8: {  	[smem:$0x3FA8] =	sst s0  }
0x9: {  	[smem:$0x3FA9] =	sst s1  }
0xa: {  	[smem:$0x3FAA] =	sst s2  }
0xb: {  	[smem:$0x3FAB] =	sst s3  }
0xc: {  	[smem:$0x3FAC] =	sst s4  }
0xd: {  	[smem:$0x3FAD] =	sst s5  }
0xe: {  	[smem:$0x3FAE] =	sst s6  }
0xf: {  	[smem:$0x3FAF] =	sst s7  }
0x10: {  	[smem:$0x3FB0] =	sst s8  }
0x11: {  	[smem:$0x3FB1] =	sst s9;
	s0 =	simm.s32 @!p0 $0x0  }
0x12: {  	s1 =	sld [smem:$0x3F97];
	s0 =	simm.s32 @p0 $0x1  }
0x13: {  	[smem:$0x3FB2] =	sst s0;
	s0 =	simm.s32 @!p1 $0x0  }
0x14: {  	s2 =	sld [smem:$0x3F96];
	s0 =	simm.s32 @p1 $0x1  }
0x15: {  	[smem:$0x3FB3] =	sst s0;
	s0 =	simm.s32 @!p2 $0x0  }
0x16: {  	s3 =	sld [smem:$0x3FDB];
	s0 =	simm.s32 @p2 $0x1  }
0x17: {  	s4 =	simm.s32 $0x1BF5;
	[smem:$0x3FB5] =	sst s0  }
0x18: {  	s0 =	sld [smem:$0x3F98];
	_ =	swait.ge [sflag:s4], $0x0  }
0x19: {  	s7 =	sld [smem:$0x3F99]  }
0x1a: {  	s8 =	sadd.s32 $0xFFFFE003, lr  }
0x1b: {  	s9 =	sadd.s32 $0xFFFFFEF7, lr;
	s5 =	simm.s32 $0xFFFFFFFF;
	p2 =	slt.u32 s8, $0xFFFFF086  }
0x1c: {  	p1 =	slt.u32 s9, $0xF7A;
	s5 =	simm.s32 @!p2 $0x0  }
0x1d: {  	s5 =	simm.s32 @p1 $0x1;
	p0 =	seq.s32 s7, s2  }
0x1e: {  	s7 =	smul.u32 @!p0 $0xF7A, s2;
	p2 =	seq.s32 @!p0 s5, $0x0  }
0x1f: {  	s9 =	smul.u32 $0xF7A, s1;
	s8 =	simm.s32 @!p0 $0x1BF5;
	p2 =	por !p2, p0  }
0x20: {  	[sflag:s8] =	ssyncset.s32 @!p0 $0xFFFFF086;
	s6 =	sadd.s32 @!p0 s3, s7;
	s7 =	simm.s32 @!p0 $0x108  }
0x21: {  	s3 =	sadd.s32 s3, s9;
	s6 =	sadd.s32 @!p0 $0x88, s6;
	s7 =	simm.s32 @p2 $0x1082  }
0x22: {  	[simem:s7], [sflag:s8] =	dma.local @!p0 [hbm:s6], $0xF7A  }
0x23: {  	s9 =	sor.u32 $0xD0000000, s2;
	s6 =	simm.s32 $0x108;
	_ =	swait.ge @!p0 [sflag:s8], $0x0  }
0x24: {  	s3 =	sadd.s32 $0x88, s3;
	s6 =	simm.s32 @!p1 $0x1082;
	[sflag:s4] =	ssyncset.s32 $0xFFFFF086  }
0x25: {  	[simem:s6], [sflag:s4] =	dma.local [hbm:s3], $0xF7A  }
0x26: {  	[smem:$0x3F99] =	sst s1;
	(tag) =	ssettag s2;
	_ =	strace s9  }
0x27: {  	s1 =	sld [smem:$0x3FA9]  }
0x28: {  	s2 =	sld [smem:$0x3FAA]  }
0x29: {  	s4 =	sld [smem:$0x3FAC]  }
0x2a: {  	p0 =	seq.s32 s5, $0x0;
	s5 =	sld [smem:$0x3FAD]  }
0x2b: {  	s6 =	sld [smem:$0x3FAE]  }
0x2c: {  	s7 =	sld [smem:$0x3FAF]  }
0x2d: {  	s3 =	simm.s32 $0x108;
	s8 =	sld [smem:$0x3FB0]  }
0x2e: {  	s3 =	simm.s32 @!p0 $0x1082;
	s9 =	sld [smem:$0x3FB1]  }
0x2f: {  	lr =	sadd.s32 s0, s3;
	s0 =	sld [smem:$0x3FA8]  }
0x30: {  	s3 =	sld [smem:$0x3FAB]  }
0x31: {  	[smem:$0x3FB4] =	sst s10  }
0x32: {  	s10 =	sld [smem:$0x3FB2];
	_ =	sdelay $0x3  }
0x33: {  	p0 =	seq.s32 s10, $0x1;
	s10 =	sld [smem:$0x3FB4];
	_ =	sdelay $0x3  }
0x34: {  	[smem:$0x3FB4] =	sst s10  }
0x35: {  	s10 =	sld [smem:$0x3FB3];
	_ =	sdelay $0x3  }
0x36: {  	p1 =	seq.s32 s10, $0x1;
	s10 =	sld [smem:$0x3FB4];
	_ =	sdelay $0x3  }
0x37: {  	[smem:$0x3FB4] =	sst s10  }
0x38: {  	s10 =	sld [smem:$0x3FB5]  }
0x39: {  	_ = 	snop;
	(pc) =	sbr.ind lr, $3  }
0x3a: {  	_ = 	snop  }
0x3b: {  	_ = 	snop  }
0x3c: {  	p2 =	seq.s32 s10, $0x1;
	s10 =	sld [smem:$0x3FB4]  }
0x3d: {  	_ =	shalt  }
0x3e: {  	_ =	shalt  }
0x3f: {  	_ =	shalt  }
0x40: {  	_ =	shalt  }
0x41: {  	_ =	shalt  }
0x42: {  	_ =	shalt  }
0x43: {  	_ =	shalt  }
0x44: {  	_ =	shalt  }
0x45: {  	_ =	shalt  }
0x46: {  	_ =	shalt  }
0x47: {  	_ =	shalt  }
0x48: {  	_ =	shalt  }
0x49: {  	_ =	shalt  }
0x4a: {  	_ =	shalt  }
0x4b: {  	_ =	shalt  }
0x4c: {  	_ =	shalt  }
0x4d: {  	_ =	shalt  }
0x4e: {  	_ =	shalt  }
0x4f: {  	_ =	shalt  }
0x50: {  	_ =	shalt  }
0x51: {  	_ =	shalt  }
0x52: {  	_ =	shalt  }
0x53: {  	_ =	shalt  }
0x54: {  	_ =	shalt  }
0x55: {  	_ =	shalt  }
0x56: {  	_ =	shalt  }
0x57: {  	_ =	shalt  }
0x58: {  	_ =	shalt  }
0x59: {  	_ =	shalt  }
0x5a: {  	_ =	shalt  }
0x5b: {  	_ =	shalt  }
0x5c: {  	_ =	shalt  }
0x5d: {  	_ =	shalt  }
0x5e: {  	_ =	shalt  }
0x5f: {  	_ =	shalt  }
0x60: {  	_ =	shalt  }
0x61: {  	_ =	shalt  }
0x62: {  	_ =	shalt  }
0x63: {  	_ =	shalt  }
0x64: {  	_ =	shalt  }
0x65: {  	_ =	shalt  }
0x66: {  	_ =	shalt  }
0x67: {  	_ =	shalt  }
0x68: {  	_ =	shalt  }
0x69: {  	_ =	shalt  }
0x6a: {  	_ =	shalt  }
0x6b: {  	_ =	shalt  }
0x6c: {  	_ =	shalt  }
0x6d: {  	_ =	shalt  }
0x6e: {  	_ =	shalt  }
0x6f: {  	_ =	shalt  }
0x70: {  	_ =	shalt  }
0x71: {  	_ =	shalt  }
0x72: {  	_ =	shalt  }
0x73: {  	_ =	shalt  }
0x74: {  	_ =	shalt  }
0x75: {  	_ =	shalt  }
0x76: {  	_ =	shalt  }
0x77: {  	_ =	shalt  }
0x78: {  	_ =	shalt  }
0x79: {  	_ =	shalt  }
0x7a: {  	_ =	shalt  }
0x7b: {  	_ =	shalt  }
0x7c: {  	_ =	shalt  }
0x7d: {  	_ =	shalt  }
0x7e: {  	_ =	shalt  }
0x7f: {  	_ =	shalt  }
0x80: {  	_ =	shalt  }
0x81: {  	_ =	shalt  }
0x82: {  	_ =	shalt  }
0x83: {  	_ =	shalt  }
0x84: {  	_ =	shalt  }
0x85: {  	_ =	shalt  }
0x86: {  	_ =	shalt  }
0x87: {  	_ =	shalt  }
.Lfunc_end0:
.L_simem_size_0:
called_computation.3_lowered:
.L_overlay_start_0:
0x88: {  	s2 =	sld [smem:$0x3FD9]  }
0x89: {  	s3 =	sld [smem:$0x3FFE];
	_ =	sdelay $0x1  }
0x8a: {  	s1 =	srdreg.scid  }
0x8b: {  	s0 =	sand.u32 $0x1, s1  }
0x8c: {  	s17 =	sshll.u32 s0, $0xA;
	s2 =	sadd.s32 s3, s2  }
0x8d: {  	s2 =	sadd.s32 s2, s17  }
0x8e: {  	[smem:$0x3FC0] =	sst s2  }
0x8f: {  	_ = 	snop  }
0x90: {  	s18 =	sld [smem:$0x3FC8];
	(tm) =	ssettm $0x1  }
0x91: {  	s19 =	sld [smem:$0x3FFB];
	_ =	sdelay $0x3  }
0x92: {  	_ =	strace s19  }
0x93: {  	s2 =	sld [smem:$0x3FFC];
	_ =	sdelay $0x3  }
0x94: {  	_ =	strace s2  }
0x95: {  	s2 =	sld [smem:$0x3FFD];
	_ =	sdelay $0x3  }
0x96: {  	_ =	strace s2  }
0x97: {  	_ =	strace $0x8FFFFFFF  }
0x98: {  	s20 =	sld [smem:$0x3FDB];
	_ =	sdelay $0x1  }
0x99: {  	s4 =	simm.s32 $_scs_section_size  }
0x9a: {  	s5 =	simm.s32 $_size__tile_overlayer_lowered;
	s6 =	simm.s32 $_tile_overlayer_lowered  }
0x9b: {  	s7 =	simm.s32 $0x1BFF;
	s21 =	sshll.u32 s6, $0x1;
	s4 =	sadd.s32 s4, s20  }
0x9c: {  	s22 =	simm.s32 $0x0;
	s5 =	sshll.u32 s5, $0x1;
	s6 =	sadd.s32 s21, s4  }
0x9d: {  	[timem:s22], [sflag:s7] =	dma.local [hbm:s6], s5  }
0x9e: {  	_ =	swait.ge [sflag:s7], s5  }
0x9f: {  	s5 =	ssub.s32 $0x0, s5;
	[sflag:s7] =	ssyncset.done $0x0  }
0xa0: {  	[sflag:s7] =	ssyncadd.s32 s5;
	_ =	sdelay $0x1  }
0xa1: {  	s23 =	simm.s32 $0x1B8B  }
0xa2: {  	_ =	swait.ge [sflag:s23], $0x1  }
0xa3: {  	[sflag:s23] =	ssyncset.done $0x0  }
0xa4: {  	[sflag:s23] =	ssyncadd.s32 $0xFFFFFFFF  }
0xa5: {  	s5 =	sld [smem:$0x0]  }
0xa6: {  	s6 =	sand.u32 $0xFFFFFFFE, s1  }
0xa7: {  	p0 =	sne.s32 s1, s6  }
0xa8: {  	s6 =	sshll.u32 @p0 s6, $0xE  }
0xa9: {  	s6 =	sadd.s32 @p0 $0x11B8D, s6;
	s7 =	sshll.u32 @p0 s5, $0x11  }
0xaa: {  	s6 =	sor.u32 @p0 s7, s6  }
0xab: {  	[sflag:s6] =	ssyncadd.remote.s32 @p0 $0x1;
	_ =	sdelay $0x1  }
0xac: {  	s6 =	simm.s32 @p0 $0x1B8D  }
0xad: {  	_ =	swait.eq @p0 [sflag:s6], $0x1  }
0xae: {  	[sflag:s6] =	ssyncadd.s32 @p0 $0xFFFFFFFF  }
0xaf: {  	s7 =	sshll.u32 @!p0 s1, $0xE  }
0xb0: {  	s7 =	sor.u32 @!p0 $0x4000, s7;
	s6 =	simm.s32 @!p0 $0x1B8D  }
0xb1: {  	s5 =	sshll.u32 @!p0 s5, $0x11;
	s7 =	sadd.s32 @!p0 $0x11B8D, s7;
	_ =	swait.eq @!p0 [sflag:s6], $0x1  }
0xb2: {  	s5 =	sor.u32 @!p0 s5, s7;
	[sflag:s6] =	ssyncadd.s32 @!p0 $0xFFFFFFFF  }
0xb3: {  	s25 =	simm.s32 $0x1B8E;
	s24 =	sld [smem:$0x3FFE];
	[sflag:s5] =	ssyncadd.remote.s32 @!p0 $0x1  }
0xb4: {  	s26 =	simm.s32 $execute0_lowered;
	[smem:$0x3FD2] =	sst s25  }
0xb5: {  	s6 =	sshll.u32 s26, $0x1;
	_ =	strace $0x8000004F;
	[dreg:$0x1] =	wrdreg $0xFFFFFFFF  }
0xb6: {  	s28 =	simm.s32 $_size_execute0_lowered;
	s4 =	sadd.s32 s4, s6;
	[dreg:$0x0] =	wrdreg $0x0  }
0xb7: {  	s6 =	sshll.u32 s28, $0x1;
	[dreg:$0x2] =	wrdreg s4  }
0xb8: {  	[dreg:$0x3] =	wrdreg s6  }
0xb9: {  	[dreg:$0x4] =	wrdreg $0xC0  }
0xba: {  	_ =	task [dreg:s22], $0x5FFFF  }
0xbb: {  	[dreg:$0x1] =	wrdreg $0xFFFFFFFF  }
0xbc: {  	[dreg:$0x0] =	wrdreg $0x60  }
0xbd: {  	[dreg:$0x2] =	wrdreg s24  }
0xbe: {  	[dreg:$0x3] =	wrdreg s18  }
0xbf: {  	[dreg:$0x4] =	wrdreg $0x151D00  }
0xc0: {  	[dreg:$0x5] =	wrdreg $0x9  }
0xc1: {  	_ =	task.clear_ibuf [dreg:s22], $0x6FFFF;
	_ =	strace $0x9000004F  }
0xc2: {  	s29 =	simm.s32 $0x9;
	_ =	strace $0x80000051  }
0xc3: {  	_ =	swait.ge [sflag:s29], $0x1  }
0xc4: {  	[sflag:s29] =	ssyncadd.s32 $0xFFFFFFFF  }
0xc5: {  	_ =	strace $0x90000051  }
0xc6: {  	_ =	sfence  }
0xc7: {  	s30 =	sld [smem:$0x0];
	_ =	sdelay $0x2  }
0xc8: {  	s31 =	sshll.u32 s1, $0xD;
	s1 =	sshrl.u32 s1, $0x2  }
0xc9: {  	s4 =	sand.u32 $0x4000, s31;
	s1 =	sadd.s32 s1, s30  }
0xca: {  	s0 =	sor.u32 s4, s0;
	s1 =	sshll.u32 s1, $0x11  }
0xcb: {  	s0 =	sor.u32 s1, s0  }
0xcc: {  	s0 =	sadd.s32 $0x8F2B, s0  }
0xcd: {  	[sflag:s0] =	ssyncadd.remote.s32 $0x1  }
0xce: {  	_ =	sfence.sel $0xFFFF  }
0xcf: {  	[dreg:$0x0] =	wrdreg $0xFFFFFFFF;
	(pc) =	sbr.abs _section_cstart, $3  }
0xd0: {  	[dreg:$0x1] =	wrdreg $0xFFFFFFFF  }
0xd1: {  	_ =	task.clear_ibuf [dreg:s22], $0x2FFFF;
	_ =	strace $0x9FFFFFFF  }
0xd2: {  	(tm) =	ssettm $0x7FFFFFFF  }
0xd3: {  	_ =	shalt  }
tec
execute0_lowered:
.L_overlay_start_1:
0x0: {  	(tag) =	ssettag $0x1  }
0x1: {  	s11 =	rddreg [dreg:$0x0]  }
0x2: {  	s1 =	rddreg [dreg:$0x1]  }
0x3: {  	s3 =	rddreg [dreg:$0x2]  }
0x4: {  	s0 =	rddreg [dreg:$0x3];
	s4 =	simm.s32 $0x0  }
0x5: {  	s2 =	stileid.u32;
	s5 =	srdreg.scid;
	s16 =	simm.s32 $0x1  }
0x6: {  	s18 =	simm.s32 $0x7D0;
	s19 =	simm.s32 $0x84D0;
	s20 =	simm.s32 $0x101D0  }
0x7: {  	s21 =	simm.s32 $0x129D0;
	s22 =	simm.s32 $0x0;
	[smem:$0x7FF] =	sst s4  }
0x8: {  	s12 =	smul.u32 $0x2700, s2;
	s7 =	sand.u32 $0x1, s5;
	s5 =	sadd.s32 $0x62C200, s11  }
0x9: {  	s13 =	smul.u32 $0x2710, s2;
	s14 =	sadd.s32 $0x9EE00, s11;
	s30 =	sshll.u32 s2, $0x6  }
0xa: {  	p0 =	sne.s32 s2, $0xF;
	_ =	strace $0x80000050;
	s8 =	smul.u32 $0x27100, s7  }
0xb: {  	s6 =	ssub.s32 $0x2, s7;
	s31 =	smul.u32 $0x28000, s7;
	s9 =	sshrl.u32 s12, $0x3  }
0xc: {  	s10 =	sshrl.u32 s6, $0x1;
	s7 =	sadd.s32 s12, s3;
	s9 =	sadd.s32 s9, s11  }
0xd: {  	s15 =	ssub.s32 s6, s10;
	s6 =	sadd.s32 s13, s8;
	s10 =	sadd.s32 $0x27000, s3  }
0xe: {  	s12 =	sadd.s32 s12, s31;
	s13 =	sshrl.u32 s31, $0x3;
	s11 =	sadd.s32 $0x622000, s11  }
0xf: {  	s8 =	sadd.s32 $0x61D200, s9;
	s9 =	sor.u32 $0x1C01, s30;
	s12 =	sshrl.u32 s12, $0x3  }
0x10: {  	s13 =	sadd.s32 s14, s13;
	s17 =	sshrl.u32 @!p0 s10, $0x3;
	s12 =	sadd.s32 s14, s12  }
0x11: {  	s13 =	sadd.s32 $0x4E00, s13;
	s14 =	smax.u32 s15, $0x1;
	s15 =	sshrl.u32 s7, $0x3  }
.LBB2_1:
0x12: {  	[spmem:s15], [sflag:s9] =	dma.local [hbm:s8], $0x4E0  }
0x13: {  	_ =	swait.ge [sflag:s16], $0x4E0  }
0x14: {  	[sflag:s16] =	ssyncset.done $0x0  }
0x15: {  	s23 =	simm.s32 @!p0 $0x1;
	[sflag:s16] =	ssyncadd.s32 $0xFFFFFB20  }
0x16: {  	[spmem:s17], [sflag:s9] =	dma.local @!p0 [hbm:s11], $0x20  }
0x17: {  	_ =	swait.ge @!p0 [sflag:s23], $0x20  }
0x18: {  	[sflag:s23] =	ssyncset.done @!p0 $0x0  }
0x19: {  	[sflag:s23] =	ssyncadd.s32 @!p0 $0xFFFFFFE0  }
0x1a: {  	s23 =	simm.s32 $0x0;
	[bflag:$0x0] =	sbarrier.arrive $0xFFFF  }
.LBB2_2:
0x1b: {  	s24 =	smul.u32 $0x7D0, s23;
	_ =	sdelay $0x1  }
0x1c: {  	s24 =	sadd.s32 s24, s6  }
0x1d: {  	s25 =	sshrl.u32 s24, $0x3;
	s24 =	smulhi.u32 $0x10624DD3, s24  }
0x1e: {  	s25 =	sadd.s32 s1, s25  }
0x1f: {  	s26 =	sadd.s32 $0x9C40, s25;
	s25 =	simm.s32 $0x0;
	s24 =	sshrl.u32 s24, $0x7  }
0x20: {  	[tilespmem:s25], [sflag:$0x1] =	stream.linear.gather [hbm4b:s26+s25], $0x7D0, $0x38;
	[tilespmem:$0x178E0] =	vst v63  }
0x21: {  	s24 =	smul.u32 $0xFA0, s24;
	_ =	swait.ge [sflag:s16], $0x7D0  }
0x22: {  	[sflag:s16] =	ssyncset.done $0x0  }
0x23: {  	s24 =	sadd.s32 s5, s24;
	[sflag:s16] =	ssyncadd.s32 $0xFFFFF830  }
0x24: {  	[tilespmem:s18], [sflag:$0x1] =	stream.linear.gather [hbm4b:s24+s25], $0x7D00, $0x38;
	[tilespmem:$0x178E0] =	vst v63  }
0x25: {  	_ =	swait.ge [sflag:s16], $0x7D00  }
0x26: {  	[sflag:s16] =	ssyncset.done $0x0  }
0x27: {  	s24 =	simm.s32 $0x810;
	[sflag:s16] =	ssyncadd.s32 $0xFFFF8300  }
0x28: {  	s26 =	simm.s32 $0x40;
	v0 =	vld [tilespmem:s24+$0xFFFFFFC0]  }
.LBB2_3:
0x29: {  	p1 =	sne.s32 s26, $0x3E40;
	_ =	sdelay $0x2  }
0x2a: {  	s28 =	sshra.s32 s25, $0x2;
	s25 =	smov.u32 s26  }
0x2b: {  	[tilespmem:s28+$0x84D0] =	vst v0  }
0x2c: {  	v0 =	vld [tilespmem:s24+$0xFFFFFFD0];
	_ =	sdelay $0x4  }
0x2d: {  	[tilespmem:s28+$0x9470] =	vst v0  }
0x2e: {  	v0 =	vld [tilespmem:s24+$0xFFFFFFE0];
	_ =	sdelay $0x4  }
0x2f: {  	[tilespmem:s28+$0xA410] =	vst v0  }
0x30: {  	v0 =	vld [tilespmem:s24+$0xFFFFFFF0];
	_ =	sdelay $0x4  }
0x31: {  	[tilespmem:s28+$0xB3B0] =	vst v0  }
0x32: {  	v0 =	vld [tilespmem:s24+$0x0];
	_ =	sdelay $0x4  }
0x33: {  	[tilespmem:s28+$0xC350] =	vst v0  }
0x34: {  	v0 =	vld [tilespmem:s24+$0x10];
	_ =	sdelay $0x4  }
0x35: {  	[tilespmem:s28+$0xD2F0] =	vst v0  }
0x36: {  	v0 =	vld [tilespmem:s24+$0x20];
	_ =	sdelay $0x4  }
0x37: {  	[tilespmem:s28+$0xE290] =	vst v0  }
0x38: {  	v0 =	vld [tilespmem:s24+$0x30];
	_ =	sdelay $0x1  }
.Ltmp0:
0x39: {  	(pc) =	sbr.rel @p1 .LBB2_3-.Ltmp0, $3  }
0x3a: {  	_ =	sdelay $0x1  }
0x3b: {  	s24 =	sadd.s32 $0x80, s24;
	[tilespmem:s28+$0xF230] =	vst v0  }
0x3c: {  	s26 =	sadd.s32 $0x40, s26;
	v0 =	vld [tilespmem:s24+$0xFFFFFFC0]  }
0x3d: {  	_ =	sdelay $0x2  }
0x3e: {  	s25 =	sshra.s32 s25, $0x2  }
0x3f: {  	[tilespmem:s25+$0x84D0] =	vst v0  }
0x40: {  	v0 =	vld [tilespmem:s24+$0xFFFFFFD0];
	_ =	sdelay $0x4  }
0x41: {  	[tilespmem:s25+$0x9470] =	vst v0  }
0x42: {  	v0 =	vld [tilespmem:s24+$0xFFFFFFE0];
	_ =	sdelay $0x4  }
0x43: {  	[tilespmem:s25+$0xA410] =	vst v0  }
0x44: {  	v0 =	vld [tilespmem:s24+$0xFFFFFFF0];
	_ =	sdelay $0x4  }
0x45: {  	[tilespmem:s25+$0xB3B0] =	vst v0  }
0x46: {  	v0 =	vld [tilespmem:s24+$0x0];
	_ =	sdelay $0x4  }
0x47: {  	[tilespmem:s25+$0xC350] =	vst v0  }
0x48: {  	v0 =	vld [tilespmem:s24+$0x10];
	_ =	sdelay $0x4  }
0x49: {  	[tilespmem:s25+$0xD2F0] =	vst v0  }
0x4a: {  	v0 =	vld [tilespmem:s24+$0x20];
	_ =	sdelay $0x4  }
0x4b: {  	[tilespmem:s25+$0xE290] =	vst v0  }
0x4c: {  	v0 =	vld [tilespmem:s24+$0x30];
	_ =	sdelay $0x2  }
0x4d: {  	s23 =	sadd.s32 $0x1, s23  }
0x4e: {  	p1 =	sne.s32 s23, $0x5  }
.Ltmp1:
0x4f: {  	[tilespmem:s25+$0xF230] =	vst v0;
	(pc) =	sbr.rel @p1 .LBB2_2-.Ltmp1, $4  }
0x50: {  	[spmem:s3] =	stream.indirect.scatter.add.f32 [tilespmem:s19], [sflag:$0x1], $0x10, s4, s18, $0xb8;
	[tilespmem:$0x178E0] =	vst v63  }
0x51: {  	_ =	swait.ge [sflag:s16], $0x7D00  }
0x52: {  	[sflag:s16] =	ssyncset.done $0x0  }
0x53: {  	[sflag:s16] =	ssyncadd.s32 $0xFFFF8300  }
0x54: {  	[bflag:$0x0] =	sbarrier.arrive $0xFFFF  }
0x55: {  	[tilespmem:s20], [sflag:$0x1] =	stream.linear.gather [spmem:s7], $0x2700, $0x38;
	[tilespmem:$0x178E0] =	vst v63  }
0x56: {  	_ =	swait.ge [sflag:s16], $0x2700  }
0x57: {  	[sflag:s16] =	ssyncset.done $0x0  }
0x58: {  	s23 =	simm.s32 $0x0;
	[sflag:s16] =	ssyncadd.s32 $0xFFFFD900  }
0x59: {  	v3 =	vld [tilespmem:s23+$0x10240]  }
0x5a: {  	v4 =	vld [tilespmem:s23+$0x101D0]  }
0x5b: {  	v5 =	vld [tilespmem:s23+$0x101E0]  }
0x5c: {  	v2 =	vld [tilespmem:s23+$0x101F0]  }
0x5d: {  	v0 =	vld [tilespmem:s23+$0x10200]  }
0x5e: {  	v1 =	vld [tilespmem:s23+$0x10210];
	[tilespmem:s23+$0x12A40] =	vst v3  }
0x5f: {  	[tilespmem:s23+$0x129D0] =	vst v4;
	v3 =	vld [tilespmem:s23+$0x10220]  }
0x60: {  	s24 =	simm.s32 $0x80;
	s25 =	simm.s32 $0x400;
	[tilespmem:s23+$0x129E0] =	vst v5;
	v4 =	vld [tilespmem:s23+$0x10230]  }
.LBB2_6:
0x61: {  	p1 =	sne.s32 s25, $0x9A00;
	v5 =	vld [tilespmem:s24+$0x10240];
	[tilespmem:s23+$0x129F0] =	vst v2  }
0x62: {  	v6 =	vld [tilespmem:s24+$0x101D0];
	[tilespmem:s23+$0x12A00] =	vst v0  }
0x63: {  	v7 =	vld [tilespmem:s24+$0x101E0];
	[tilespmem:s23+$0x12A10] =	vst v1  }
.Ltmp2:
0x64: {  	v2 =	vld [tilespmem:s24+$0x101F0];
	[tilespmem:s23+$0x12A20] =	vst v3;
	(pc) =	sbr.rel @p1 .LBB2_6-.Ltmp2, $4  }
0x65: {  	v0 =	vld [tilespmem:s24+$0x10200];
	[tilespmem:s23+$0x12A30] =	vst v4;
	s23 =	smov.u32 s24  }
0x66: {  	v1 =	vld [tilespmem:s23+$0x10210];
	[tilespmem:s23+$0x12A40] =	vst v5  }
0x67: {  	[tilespmem:s23+$0x129D0] =	vst v6;
	v3 =	vld [tilespmem:s23+$0x10220]  }
0x68: {  	s24 =	sshra.s32 s25, $0x2;
	s25 =	sadd.s32 $0x200, s25;
	[tilespmem:s23+$0x129E0] =	vst v7;
	v4 =	vld [tilespmem:s23+$0x10230]  }
0x69: {  	v5 =	vld [tilespmem:s24+$0x10240];
	[tilespmem:s23+$0x129F0] =	vst v2  }
0x6a: {  	v2 =	vld [tilespmem:s24+$0x101D0];
	[tilespmem:s23+$0x12A00] =	vst v0  }
0x6b: {  	v0 =	vld [tilespmem:s24+$0x101E0];
	[tilespmem:s23+$0x12A10] =	vst v1  }
0x6c: {  	v1 =	vld [tilespmem:s24+$0x101F0];
	[tilespmem:s23+$0x12A20] =	vst v3  }
0x6d: {  	v3 =	vld [tilespmem:s24+$0x10200];
	[tilespmem:s23+$0x12A30] =	vst v4  }
0x6e: {  	v4 =	vld [tilespmem:s24+$0x10210];
	[tilespmem:s24+$0x12A40] =	vst v5  }
0x6f: {  	v62 =	vld [tilespmem:s24+$0x10220];
	[tilespmem:s24+$0x129D0] =	vst v2  }
0x70: {  	v63 =	vld [tilespmem:s24+$0x10230];
	[tilespmem:s24+$0x129E0] =	vst v0  }
0x71: {  	[tilespmem:s24+$0x129F0] =	vst v1  }
0x72: {  	[tilespmem:s24+$0x12A00] =	vst v3  }
0x73: {  	[tilespmem:s24+$0x12A10] =	vst v4  }
0x74: {  	[tilespmem:s24+$0x12A20] =	vst v62  }
0x75: {  	[tilespmem:s24+$0x12A30] =	vst v63  }
0x76: {  	[hbm4b:s12+s4] =	stream.linear.scatter [tilespmem:s21], [sflag:$0x1], $0x2700, $0x38;
	[tilespmem:$0x178E0] =	vst v63  }
0x77: {  	_ =	swait.ge [sflag:s16], $0x2700  }
0x78: {  	[sflag:s16] =	ssyncset.done $0x0  }
0x79: {  	s23 =	simm.s32 @!p0 $0x101D0;
	[sflag:s16] =	ssyncadd.s32 $0xFFFFD900  }
0x7a: {  	[tilespmem:s23], [sflag:$0x1] =	stream.linear.gather @!p0 [spmem:s10], $0x100, $0x38;
	[tilespmem:$0x178E0] =	vst v63  }
0x7b: {  	s23 =	simm.s32 @!p0 $0x1  }
0x7c: {  	_ =	swait.ge @!p0 [sflag:s23], $0x100  }
0x7d: {  	[sflag:s23] =	ssyncset.done @!p0 $0x0  }
0x7e: {  	[sflag:s23] =	ssyncadd.s32 @!p0 $0xFFFFFF00  }
0x7f: {  	v0 =	vld @!p0 [tilespmem:$0x101D0]  }
0x80: {  	v1 =	vld @!p0 [tilespmem:$0x101E0]  }
0x81: {  	v2 =	vld @!p0 [tilespmem:$0x101F0]  }
0x82: {  	v3 =	vld @!p0 [tilespmem:$0x10200]  }
0x83: {  	v4 =	vld @!p0 [tilespmem:$0x10210]  }
0x84: {  	[tilespmem:$0x129D0] =	vst @!p0 v0;
	v0 =	vld @!p0 [tilespmem:$0x10220]  }
0x85: {  	[tilespmem:$0x129E0] =	vst @!p0 v1;
	v1 =	vld @!p0 [tilespmem:$0x10230]  }
0x86: {  	[tilespmem:$0x129F0] =	vst @!p0 v2;
	v2 =	vld @!p0 [tilespmem:$0x10240]  }
0x87: {  	[tilespmem:$0x12A00] =	vst @!p0 v3;
	v3 =	vld @!p0 [tilespmem:$0x10250]  }
0x88: {  	[tilespmem:$0x12A10] =	vst @!p0 v4;
	v4 =	vld @!p0 [tilespmem:$0x10260]  }
0x89: {  	[tilespmem:$0x12A20] =	vst @!p0 v0;
	v0 =	vld @!p0 [tilespmem:$0x10270]  }
0x8a: {  	[tilespmem:$0x12A30] =	vst @!p0 v1;
	v1 =	vld @!p0 [tilespmem:$0x10280]  }
0x8b: {  	[tilespmem:$0x12A40] =	vst @!p0 v2;
	v2 =	vld @!p0 [tilespmem:$0x10290]  }
0x8c: {  	[tilespmem:$0x12A50] =	vst @!p0 v3;
	v3 =	vld @!p0 [tilespmem:$0x102A0]  }
0x8d: {  	[tilespmem:$0x12A60] =	vst @!p0 v4;
	v4 =	vld @!p0 [tilespmem:$0x102B0]  }
0x8e: {  	[tilespmem:$0x12A70] =	vst @!p0 v0;
	v0 =	vld @!p0 [tilespmem:$0x102C0]  }
0x8f: {  	[tilespmem:$0x12A80] =	vst @!p0 v1  }
0x90: {  	[tilespmem:$0x12A90] =	vst @!p0 v2  }
0x91: {  	s22 =	sadd.s32 $0x1, s22;
	[tilespmem:$0x12AA0] =	vst @!p0 v3  }
0x92: {  	p1 =	sne.s32 s22, s14;
	[tilespmem:$0x12AB0] =	vst @!p0 v4  }
.Ltmp3:
0x93: {  	s25 =	simm.s32 @!p0 $0x129D0;
	s24 =	simm.s32 @!p0 $0x0;
	[tilespmem:$0x12AC0] =	vst @!p0 v0;
	(pc) =	sbr.rel @p1 .LBB2_1-.Ltmp3, $4  }
0x94: {  	[hbm4b:s13+s24] =	stream.linear.scatter @!p0 [tilespmem:s25], [sflag:$0x1], $0x100, $0x38;
	[tilespmem:$0x178E0] =	vst v63  }
0x95: {  	_ =	swait.ge @!p0 [sflag:s23], $0x100  }
0x96: {  	[sflag:s23] =	ssyncset.done @!p0 $0x0  }
0x97: {  	[sflag:s23] =	ssyncadd.s32 @!p0 $0xFFFFFF00  }
0x98: {  	_ =	sfence.sel $0x180000  }
0x99: {  	[bflag:$0x0] =	sbarrier.arrive $0xFFFF  }
0x9a: {  	p0 =	sne.s32 s2, $0x0;
	_ =	strace $0x90000050  }
0x9b: {  	s0 =	sadd.s32 @!p0 $0x100000, s0;
	[bflag:$0x2] =	sbarrier.arrive $0xFFFF  }
0x9c: {  	[sflag:s0] =	ssyncadd.tile.s32 @!p0 $0x1;
	_ =	shalt  }
.Lfunc_end2:
_tile_overlayer_lowered:
.L_overlay_start_2:
0x9d: {  	(tag) =	ssettag $0x2  }
0x9e: {  	s0 =	rddreg [dreg:$0x0];
	s2 =	stileid.u32  }
0x9f: {  	s1 =	rddreg [dreg:$0x1];
	p0 =	sne.s32 s2, $0x0  }
0xa0: {  	s3 =	rddreg [dreg:$0x2];
	[bflag:$0x3] =	sbarrier.arrive $0xFFFF;
	s2 =	simm.s32 @!p0 $0x1C01  }
0xa1: {  	[timem:s3], [sflag:s2] =	dma.local @!p0 [hbm:s0], s1  }
0xa2: {  	s0 =	simm.s32 @!p0 $0x1  }
0xa3: {  	_ =	swait.ge @!p0 [sflag:s0], s1  }
0xa4: {  	s1 =	ssub.s32 @!p0 $0x0, s1;
	[sflag:s0] =	ssyncset.done @!p0 $0x0  }
0xa5: {  	[sflag:s0] =	ssyncadd.s32 @!p0 s1  }
0xa6: {  	[bflag:$0x3] =	sbarrier.arrive $0xFFFF  }
0xa7: {  	_ =	shalt  }

// kernel: kernel.9.cloned.1.call-start
scs
__scs_entry_jumppad:
0x0: {  	(pc) =	sbr.rel $0x88, $3  }
0x1: {  	(tag) =	ssettag $0x0;
	lr =	simm.s32 $0x1  }
0x2: {  	[smem:$0x3F99] =	sst lr;
	_ =	strace $0xD0000000  }
0x3: {  	_ = 	snop  }
0x4: {  	_ = 	snop  }
0x5: {  	_ = 	snop  }
0x6: {  	_ = 	snop  }
0x7: {  	_ = 	snop  }
__scs_overlays_trampoline_lowered:
0x8: {  	[smem:$0x3FA8] =	sst s0  }
0x9: {  	[smem:$0x3FA9] =	sst s1  }
0xa: {  	[smem:$0x3FAA] =	sst s2  }
0xb: {  	[smem:$0x3FAB] =	sst s3  }
0xc: {  	[smem:$0x3FAC] =	sst s4  }
0xd: {  	[smem:$0x3FAD] =	sst s5  }
0xe: {  	[smem:$0x3FAE] =	sst s6  }
0xf: {  	[smem:$0x3FAF] =	sst s7  }
0x10: {  	[smem:$0x3FB0] =	sst s8  }
0x11: {  	[smem:$0x3FB1] =	sst s9;
	s0 =	simm.s32 @!p0 $0x0  }
0x12: {  	s1 =	sld [smem:$0x3F97];
	s0 =	simm.s32 @p0 $0x1  }
0x13: {  	[smem:$0x3FB2] =	sst s0;
	s0 =	simm.s32 @!p1 $0x0  }
0x14: {  	s2 =	sld [smem:$0x3F96];
	s0 =	simm.s32 @p1 $0x1  }
0x15: {  	[smem:$0x3FB3] =	sst s0;
	s0 =	simm.s32 @!p2 $0x0  }
0x16: {  	s3 =	sld [smem:$0x3FDB];
	s0 =	simm.s32 @p2 $0x1  }
0x17: {  	s4 =	simm.s32 $0x1BF5;
	[smem:$0x3FB5] =	sst s0  }
0x18: {  	s0 =	sld [smem:$0x3F98];
	_ =	swait.ge [sflag:s4], $0x0  }
0x19: {  	s7 =	sld [smem:$0x3F99]  }
0x1a: {  	s8 =	sadd.s32 $0xFFFFE003, lr  }
0x1b: {  	s9 =	sadd.s32 $0xFFFFFEF7, lr;
	s5 =	simm.s32 $0xFFFFFFFF;
	p2 =	slt.u32 s8, $0xFFFFF086  }
0x1c: {  	p1 =	slt.u32 s9, $0xF7A;
	s5 =	simm.s32 @!p2 $0x0  }
0x1d: {  	s5 =	simm.s32 @p1 $0x1;
	p0 =	seq.s32 s7, s2  }
0x1e: {  	s7 =	smul.u32 @!p0 $0xF7A, s2;
	p2 =	seq.s32 @!p0 s5, $0x0  }
0x1f: {  	s9 =	smul.u32 $0xF7A, s1;
	s8 =	simm.s32 @!p0 $0x1BF5;
	p2 =	por !p2, p0  }
0x20: {  	[sflag:s8] =	ssyncset.s32 @!p0 $0xFFFFF086;
	s6 =	sadd.s32 @!p0 s3, s7;
	s7 =	simm.s32 @!p0 $0x108  }
0x21: {  	s3 =	sadd.s32 s3, s9;
	s6 =	sadd.s32 @!p0 $0x88, s6;
	s7 =	simm.s32 @p2 $0x1082  }
0x22: {  	[simem:s7], [sflag:s8] =	dma.local @!p0 [hbm:s6], $0xF7A  }
0x23: {  	s9 =	sor.u32 $0xD0000000, s2;
	s6 =	simm.s32 $0x108;
	_ =	swait.ge @!p0 [sflag:s8], $0x0  }
0x24: {  	s3 =	sadd.s32 $0x88, s3;
	s6 =	simm.s32 @!p1 $0x1082;
	[sflag:s4] =	ssyncset.s32 $0xFFFFF086  }
0x25: {  	[simem:s6], [sflag:s4] =	dma.local [hbm:s3], $0xF7A  }
0x26: {  	[smem:$0x3F99] =	sst s1;
	(tag) =	ssettag s2;
	_ =	strace s9  }
0x27: {  	s1 =	sld [smem:$0x3FA9]  }
0x28: {  	s2 =	sld [smem:$0x3FAA]  }
0x29: {  	s4 =	sld [smem:$0x3FAC]  }
0x2a: {  	p0 =	seq.s32 s5, $0x0;
	s5 =	sld [smem:$0x3FAD]  }
0x2b: {  	s6 =	sld [smem:$0x3FAE]  }
0x2c: {  	s7 =	sld [smem:$0x3FAF]  }
0x2d: {  	s3 =	simm.s32 $0x108;
	s8 =	sld [smem:$0x3FB0]  }
0x2e: {  	s3 =	simm.s32 @!p0 $0x1082;
	s9 =	sld [smem:$0x3FB1]  }
0x2f: {  	lr =	sadd.s32 s0, s3;
	s0 =	sld [smem:$0x3FA8]  }
0x30: {  	s3 =	sld [smem:$0x3FAB]  }
0x31: {  	[smem:$0x3FB4] =	sst s10  }
0x32: {  	s10 =	sld [smem:$0x3FB2];
	_ =	sdelay $0x3  }
0x33: {  	p0 =	seq.s32 s10, $0x1;
	s10 =	sld [smem:$0x3FB4];
	_ =	sdelay $0x3  }
0x34: {  	[smem:$0x3FB4] =	sst s10  }
0x35: {  	s10 =	sld [smem:$0x3FB3];
	_ =	sdelay $0x3  }
0x36: {  	p1 =	seq.s32 s10, $0x1;
	s10 =	sld [smem:$0x3FB4];
	_ =	sdelay $0x3  }
0x37: {  	[smem:$0x3FB4] =	sst s10  }
0x38: {  	s10 =	sld [smem:$0x3FB5]  }
0x39: {  	_ = 	snop;
	(pc) =	sbr.ind lr, $3  }
0x3a: {  	_ = 	snop  }
0x3b: {  	_ = 	snop  }
0x3c: {  	p2 =	seq.s32 s10, $0x1;
	s10 =	sld [smem:$0x3FB4]  }
0x3d: {  	_ =	shalt  }
0x3e: {  	_ =	shalt  }
0x3f: {  	_ =	shalt  }
0x40: {  	_ =	shalt  }
0x41: {  	_ =	shalt  }
0x42: {  	_ =	shalt  }
0x43: {  	_ =	shalt  }
0x44: {  	_ =	shalt  }
0x45: {  	_ =	shalt  }
0x46: {  	_ =	shalt  }
0x47: {  	_ =	shalt  }
0x48: {  	_ =	shalt  }
0x49: {  	_ =	shalt  }
0x4a: {  	_ =	shalt  }
0x4b: {  	_ =	shalt  }
0x4c: {  	_ =	shalt  }
0x4d: {  	_ =	shalt  }
0x4e: {  	_ =	shalt  }
0x4f: {  	_ =	shalt  }
0x50: {  	_ =	shalt  }
0x51: {  	_ =	shalt  }
0x52: {  	_ =	shalt  }
0x53: {  	_ =	shalt  }
0x54: {  	_ =	shalt  }
0x55: {  	_ =	shalt  }
0x56: {  	_ =	shalt  }
0x57: {  	_ =	shalt  }
0x58: {  	_ =	shalt  }
0x59: {  	_ =	shalt  }
0x5a: {  	_ =	shalt  }
0x5b: {  	_ =	shalt  }
0x5c: {  	_ =	shalt  }
0x5d: {  	_ =	shalt  }
0x5e: {  	_ =	shalt  }
0x5f: {  	_ =	shalt  }
0x60: {  	_ =	shalt  }
0x61: {  	_ =	shalt  }
0x62: {  	_ =	shalt  }
0x63: {  	_ =	shalt  }
0x64: {  	_ =	shalt  }
0x65: {  	_ =	shalt  }
0x66: {  	_ =	shalt  }
0x67: {  	_ =	shalt  }
0x68: {  	_ =	shalt  }
0x69: {  	_ =	shalt  }
0x6a: {  	_ =	shalt  }
0x6b: {  	_ =	shalt  }
0x6c: {  	_ =	shalt  }
0x6d: {  	_ =	shalt  }
0x6e: {  	_ =	shalt  }
0x6f: {  	_ =	shalt  }
0x70: {  	_ =	shalt  }
0x71: {  	_ =	shalt  }
0x72: {  	_ =	shalt  }
0x73: {  	_ =	shalt  }
0x74: {  	_ =	shalt  }
0x75: {  	_ =	shalt  }
0x76: {  	_ =	shalt  }
0x77: {  	_ =	shalt  }
0x78: {  	_ =	shalt  }
0x79: {  	_ =	shalt  }
0x7a: {  	_ =	shalt  }
0x7b: {  	_ =	shalt  }
0x7c: {  	_ =	shalt  }
0x7d: {  	_ =	shalt  }
0x7e: {  	_ =	shalt  }
0x7f: {  	_ =	shalt  }
0x80: {  	_ =	shalt  }
0x81: {  	_ =	shalt  }
0x82: {  	_ =	shalt  }
0x83: {  	_ =	shalt  }
0x84: {  	_ =	shalt  }
0x85: {  	_ =	shalt  }
0x86: {  	_ =	shalt  }
0x87: {  	_ =	shalt  }
.Lfunc_end0:
.L_simem_size_0:
called_computation_lowered:
.L_overlay_start_0:
0x88: {  	s2 =	sld [smem:$0x3FD9]  }
0x89: {  	s3 =	sld [smem:$0x3FFE];
	_ =	sdelay $0x1  }
0x8a: {  	s1 =	srdreg.scid  }
0x8b: {  	s0 =	sand.u32 $0x1, s1  }
0x8c: {  	s17 =	sshll.u32 s0, $0xA;
	s2 =	sadd.s32 s3, s2  }
0x8d: {  	s2 =	sadd.s32 s2, s17  }
0x8e: {  	[smem:$0x3FC0] =	sst s2  }
0x8f: {  	_ = 	snop  }
0x90: {  	s2 =	sld [smem:$0x3FC9]  }
0x91: {  	s18 =	sld [smem:$0x3FD0];
	(tm) =	ssettm $0x1  }
0x92: {  	s4 =	sld [smem:$0x3FFB];
	_ =	sdelay $0x3  }
0x93: {  	_ =	strace s4  }
0x94: {  	s4 =	sld [smem:$0x3FFC];
	_ =	sdelay $0x3  }
0x95: {  	_ =	strace s4  }
0x96: {  	s4 =	sld [smem:$0x3FFD];
	_ =	sdelay $0x3  }
0x97: {  	_ =	strace s4  }
0x98: {  	_ =	strace $0x8FFFFFFF  }
0x99: {  	s19 =	sld [smem:$0x3FDB];
	_ =	sdelay $0x1  }
0x9a: {  	s5 =	simm.s32 $_scs_section_size  }
0x9b: {  	s6 =	simm.s32 $_size__tile_overlayer_lowered;
	s7 =	simm.s32 $_tile_overlayer_lowered  }
0x9c: {  	s22 =	simm.s32 $0x1BFF;
	s21 =	sshll.u32 s7, $0x1;
	s4 =	sadd.s32 s5, s19  }
0x9d: {  	s8 =	simm.s32 $0x0;
	s20 =	sshll.u32 s6, $0x1;
	s6 =	sadd.s32 s21, s4  }
0x9e: {  	[timem:s8], [sflag:s22] =	dma.local [hbm:s6], s20  }
0x9f: {  	_ =	swait.ge [sflag:s22], s20  }
0xa0: {  	s5 =	ssub.s32 $0x0, s20;
	[sflag:s22] =	ssyncset.done $0x0  }
0xa1: {  	[sflag:s22] =	ssyncadd.s32 s5;
	_ =	sdelay $0x1  }
0xa2: {  	s23 =	simm.s32 $0x1B8B  }
0xa3: {  	_ =	swait.ge [sflag:s23], $0x1  }
0xa4: {  	[sflag:s23] =	ssyncset.done $0x0  }
0xa5: {  	s25 =	simm.s32 $0x1B8E;
	s24 =	sld [smem:$0x3FFE];
	[sflag:s23] =	ssyncadd.s32 $0xFFFFFFFF  }
0xa6: {  	s26 =	simm.s32 $execute0_lowered;
	[smem:$0x3FD2] =	sst s25  }
0xa7: {  	s6 =	sshll.u32 s26, $0x1;
	_ =	strace $0x80000046;
	[dreg:$0x1] =	wrdreg $0xFFFFFFFF  }
0xa8: {  	s28 =	simm.s32 $_size_execute0_lowered;
	s4 =	sadd.s32 s4, s6;
	[dreg:$0x0] =	wrdreg $0x0  }
0xa9: {  	s6 =	sshll.u32 s28, $0x1;
	[dreg:$0x2] =	wrdreg s4  }
0xaa: {  	[dreg:$0x3] =	wrdreg s6  }
0xab: {  	[dreg:$0x4] =	wrdreg $0xC0  }
0xac: {  	_ =	task [dreg:s8], $0x5FFFF  }
0xad: {  	[dreg:$0x1] =	wrdreg $0xFFFFFFFF  }
0xae: {  	[dreg:$0x0] =	wrdreg $0x60  }
0xaf: {  	[dreg:$0x2] =	wrdreg s18  }
0xb0: {  	[dreg:$0x3] =	wrdreg s2  }
0xb1: {  	[dreg:$0x4] =	wrdreg s24  }
0xb2: {  	[dreg:$0x5] =	wrdreg $0xA  }
0xb3: {  	_ =	task.clear_ibuf [dreg:s8], $0x6FFFF;
	_ =	strace $0x90000046  }
0xb4: {  	s29 =	simm.s32 $0xA;
	_ =	strace $0x80000048  }
0xb5: {  	_ =	swait.ge [sflag:s29], $0x1  }
0xb6: {  	[sflag:s29] =	ssyncadd.s32 $0xFFFFFFFF  }
0xb7: {  	_ =	strace $0x90000048  }
0xb8: {  	_ =	sfence  }
0xb9: {  	s30 =	sld [smem:$0x0];
	_ =	sdelay $0x2  }
0xba: {  	s31 =	sshll.u32 s1, $0xD;
	s1 =	sshrl.u32 s1, $0x2  }
0xbb: {  	s3 =	sand.u32 $0x4000, s31;
	s1 =	sadd.s32 s1, s30  }
0xbc: {  	s0 =	sor.u32 s3, s0;
	s1 =	sshll.u32 s1, $0x11  }
0xbd: {  	s0 =	sor.u32 s1, s0  }
0xbe: {  	s0 =	sadd.s32 $0x8F2B, s0  }
0xbf: {  	[sflag:s0] =	ssyncadd.remote.s32 $0x1  }
0xc0: {  	_ =	sfence.sel $0xFFFF  }
0xc1: {  	[dreg:$0x0] =	wrdreg $0xFFFFFFFF;
	(pc) =	sbr.abs _section_cstart, $3  }
0xc2: {  	[dreg:$0x1] =	wrdreg $0xFFFFFFFF  }
0xc3: {  	_ =	task.clear_ibuf [dreg:s8], $0x2FFFF;
	_ =	strace $0x9FFFFFFF  }
0xc4: {  	(tm) =	ssettm $0x7FFFFFFF  }
0xc5: {  	_ =	shalt  }
tec
execute0_lowered:
.L_overlay_start_1:
0x0: {  	(tag) =	ssettag $0x1  }
0x1: {  	s1 =	rddreg [dreg:$0x0]  }
0x2: {  	s2 =	rddreg [dreg:$0x1]  }
0x3: {  	s5 =	rddreg [dreg:$0x2]  }
0x4: {  	s0 =	rddreg [dreg:$0x3];
	s6 =	srdreg.scid  }
0x5: {  	s4 =	simm.s32 $0x0;
	s3 =	stileid.u32;
	s10 =	simm.s32 $0x1  }
0x6: {  	s11 =	simm.s32 $0x84D0;
	s12 =	simm.s32 $0x0;
	s6 =	sand.u32 $0x1, s6  }
0x7: {  	[smem:$0x7FF] =	sst s4;
	s8 =	sshll.u32 s3, $0x1;
	s7 =	ssub.s32 $0x2, s6  }
0x8: {  	s5 =	sadd.s32 $0x2A00, s5;
	_ =	strace $0x80000047;
	s9 =	sshrl.u32 s7, $0x1  }
0x9: {  	s6 =	sor.u32 s6, s8;
	s8 =	simm.s32 $0x2;
	s7 =	ssub.s32 s7, s9  }
0xa: {  	s6 =	smul.u32 $0x2710, s6;
	s9 =	simm.s32 $0x7D0;
	s7 =	smax.u32 s7, $0x1  }
.LBB2_1:
0xb: {  	s13 =	simm.s32 $0x0  }
.LBB2_2:
0xc: {  	s14 =	smul.u32 $0x7D0, s13;
	_ =	sdelay $0x1  }
0xd: {  	s14 =	sadd.s32 s6, s14  }
0xe: {  	s15 =	sshrl.u32 s14, $0x3  }
0xf: {  	s16 =	simm.s32 $0x0;
	s15 =	sadd.s32 s2, s15  }
0x10: {  	[tilespmem:s16], [sflag:$0x2] =	stream.linear.gather [hbm4b:s15+s16], $0x7D0, $0x38;
	[tilespmem:$0x101D0] =	vst v63  }
0x11: {  	_ =	swait.ge [sflag:s8], $0x7D0  }
0x12: {  	[sflag:s8] =	ssyncset.done $0x0  }
0x13: {  	[sflag:s8] =	ssyncadd.s32 $0xFFFFF830  }
0x14: {  	[tilespmem:s9], [sflag:$0x1] =	stream.indirect.gather [hbm4b:s1+s9], $0x10, s16, s9, $0xb8;
	[tilespmem:$0x101D0] =	vst v63  }
0x15: {  	_ =	swait.ge [sflag:s10], $0x7D00  }
0x16: {  	[sflag:s10] =	ssyncset.done $0x0  }
0x17: {  	s31 =	simm.s32 $0x0;
	[sflag:s10] =	ssyncadd.s32 $0xFFFF8300  }
0x18: {  	v0 =	vld [tilespmem:s31+$0x7D0];
	_ =	sdelay $0x3  }
0x19: {  	s15 =	simm.s32 $0x8510  }
0x1a: {  	[tilespmem:s15+$0xFFFFFFC0] =	vst v0  }
0x1b: {  	v0 =	vld [tilespmem:s31+$0x1770];
	_ =	sdelay $0x4  }
0x1c: {  	[tilespmem:s15+$0xFFFFFFD0] =	vst v0  }
0x1d: {  	v0 =	vld [tilespmem:s31+$0x2710];
	_ =	sdelay $0x4  }
0x1e: {  	[tilespmem:s15+$0xFFFFFFE0] =	vst v0  }
0x1f: {  	v0 =	vld [tilespmem:s31+$0x36B0];
	_ =	sdelay $0x4  }
0x20: {  	[tilespmem:s15+$0xFFFFFFF0] =	vst v0  }
0x21: {  	v0 =	vld [tilespmem:s31+$0x4650];
	_ =	sdelay $0x4  }
0x22: {  	[tilespmem:s15+$0x0] =	vst v0  }
0x23: {  	v0 =	vld [tilespmem:s31+$0x55F0];
	_ =	sdelay $0x4  }
0x24: {  	[tilespmem:s15+$0x10] =	vst v0  }
0x25: {  	v0 =	vld [tilespmem:s31+$0x6590];
	_ =	sdelay $0x4  }
0x26: {  	[tilespmem:s15+$0x20] =	vst v0  }
0x27: {  	v0 =	vld [tilespmem:s31+$0x7530];
	_ =	sdelay $0x4  }
0x28: {  	s17 =	simm.s32 $0x80;
	s16 =	simm.s32 $0x10;
	[tilespmem:s15+$0x30] =	vst v0  }
.LBB2_3:
0x29: {  	p0 =	sne.s32 s17, $0x3E40;
	v0 =	vld [tilespmem:s16+$0x7D0];
	_ =	sdelay $0x3  }
0x2a: {  	s15 =	sadd.s32 $0x80, s15  }
0x2b: {  	[tilespmem:s15+$0xFFFFFFC0] =	vst v0  }
0x2c: {  	v0 =	vld [tilespmem:s16+$0x1770];
	_ =	sdelay $0x4  }
0x2d: {  	[tilespmem:s15+$0xFFFFFFD0] =	vst v0  }
0x2e: {  	v0 =	vld [tilespmem:s16+$0x2710];
	_ =	sdelay $0x4  }
0x2f: {  	[tilespmem:s15+$0xFFFFFFE0] =	vst v0  }
0x30: {  	v0 =	vld [tilespmem:s16+$0x36B0];
	_ =	sdelay $0x4  }
0x31: {  	[tilespmem:s15+$0xFFFFFFF0] =	vst v0  }
0x32: {  	v0 =	vld [tilespmem:s16+$0x4650];
	_ =	sdelay $0x4  }
0x33: {  	[tilespmem:s15+$0x0] =	vst v0  }
0x34: {  	v0 =	vld [tilespmem:s16+$0x55F0];
	_ =	sdelay $0x4  }
0x35: {  	[tilespmem:s15+$0x10] =	vst v0  }
0x36: {  	v0 =	vld [tilespmem:s16+$0x6590];
	_ =	sdelay $0x4  }
0x37: {  	[tilespmem:s15+$0x20] =	vst v0  }
0x38: {  	v0 =	vld [tilespmem:s16+$0x7530]  }
.Ltmp0:
0x39: {  	(pc) =	sbr.rel @p0 .LBB2_3-.Ltmp0, $2  }
0x3a: {  	_ =	sdelay $0x2  }
0x3b: {  	s16 =	sshra.s32 s17, $0x2;
	s17 =	sadd.s32 $0x40, s17;
	[tilespmem:s15+$0x30] =	vst v0  }
0x3c: {  	v0 =	vld [tilespmem:s16+$0x7D0];
	_ =	sdelay $0x3  }
0x3d: {  	s15 =	sadd.s32 $0x80, s15  }
0x3e: {  	[tilespmem:s15+$0xFFFFFFC0] =	vst v0  }
0x3f: {  	v0 =	vld [tilespmem:s16+$0x1770];
	_ =	sdelay $0x4  }
0x40: {  	[tilespmem:s15+$0xFFFFFFD0] =	vst v0  }
0x41: {  	v0 =	vld [tilespmem:s16+$0x2710];
	_ =	sdelay $0x4  }
0x42: {  	[tilespmem:s15+$0xFFFFFFE0] =	vst v0  }
0x43: {  	v0 =	vld [tilespmem:s16+$0x36B0];
	_ =	sdelay $0x4  }
0x44: {  	[tilespmem:s15+$0xFFFFFFF0] =	vst v0  }
0x45: {  	v0 =	vld [tilespmem:s16+$0x4650];
	_ =	sdelay $0x4  }
0x46: {  	[tilespmem:s15+$0x0] =	vst v0  }
0x47: {  	v0 =	vld [tilespmem:s16+$0x55F0];
	_ =	sdelay $0x4  }
0x48: {  	[tilespmem:s15+$0x10] =	vst v0  }
0x49: {  	v0 =	vld [tilespmem:s16+$0x6590];
	_ =	sdelay $0x4  }
0x4a: {  	[tilespmem:s15+$0x20] =	vst v0  }
0x4b: {  	s14 =	smulhi.u32 $0x10624DD3, s14;
	v0 =	vld [tilespmem:s16+$0x7530];
	_ =	sdelay $0x1  }
0x4c: {  	s14 =	sshrl.u32 s14, $0x7  }
0x4d: {  	s13 =	sadd.s32 $0x1, s13;
	s14 =	smul.u32 $0xFA0, s14  }
0x4e: {  	p0 =	sne.s32 s13, $0x5  }
.Ltmp1:
0x4f: {  	s14 =	sadd.s32 s5, s14;
	[tilespmem:s15+$0x30] =	vst v0;
	(pc) =	sbr.rel @p0 .LBB2_2-.Ltmp1, $4  }
0x50: {  	[hbm4b:s14+s4] =	stream.linear.scatter [tilespmem:s11], [sflag:$0x2], $0x7D00, $0x38;
	[tilespmem:$0x101D0] =	vst v63  }
0x51: {  	_ =	swait.ge [sflag:s8], $0x7D00  }
0x52: {  	[sflag:s8] =	ssyncset.done $0x0  }
0x53: {  	[sflag:s8] =	ssyncadd.s32 $0xFFFF8300  }
0x54: {  	s12 =	sadd.s32 $0x1, s12  }
0x55: {  	p0 =	sne.s32 s12, s7  }
.Ltmp2:
0x56: {  	_ = 	snop;
	(pc) =	sbr.rel @p0 .LBB2_1-.Ltmp2, $1  }
0x57: {  	_ =	sdelay $0x3  }
0x58: {  	_ =	sfence.sel $0x180000  }
0x59: {  	[bflag:$0x0] =	sbarrier.arrive $0xFFFF  }
0x5a: {  	p0 =	sne.s32 s3, $0x0;
	_ =	strace $0x90000047  }
0x5b: {  	s0 =	sadd.s32 @!p0 $0x100000, s0;
	[bflag:$0x2] =	sbarrier.arrive $0xFFFF  }
0x5c: {  	[sflag:s0] =	ssyncadd.tile.s32 @!p0 $0x1;
	_ =	shalt  }
.Lfunc_end2:
_tile_overlayer_lowered:
.L_overlay_start_2:
0x5d: {  	(tag) =	ssettag $0x2  }
0x5e: {  	s0 =	rddreg [dreg:$0x0];
	s2 =	stileid.u32  }
0x5f: {  	s1 =	rddreg [dreg:$0x1];
	p0 =	sne.s32 s2, $0x0  }
0x60: {  	s3 =	rddreg [dreg:$0x2];
	[bflag:$0x3] =	sbarrier.arrive $0xFFFF;
	s2 =	simm.s32 @!p0 $0x1C02  }
0x61: {  	[timem:s3], [sflag:s2] =	dma.local @!p0 [hbm:s0], s1  }
0x62: {  	s0 =	simm.s32 @!p0 $0x2  }
0x63: {  	_ =	swait.ge @!p0 [sflag:s0], s1  }
0x64: {  	s1 =	ssub.s32 @!p0 $0x0, s1;
	[sflag:s0] =	ssyncset.done @!p0 $0x0  }
0x65: {  	[sflag:s0] =	ssyncadd.s32 @!p0 s1  }
0x66: {  	[bflag:$0x3] =	sbarrier.arrive $0xFFFF  }
0x67: {  	_ =	shalt  }

</sc_bundles>
